<compile_context>
chip_gen: v7x
topology: tpu7x:2x2x1
jax: 0.10.2.dev20260603
libtpu: 0.0.44.dev20260713+nightly
codegen_flags: <defaults>
</compile_context>

<pallas_src>
import functools

import jax
import jax.numpy as jnp
from jax import lax
from jax.experimental import pallas as pl
from jax.experimental.pallas import tpu as pltpu
from jax.experimental.pallas import tpu_sc as plsc

ROWS = 128
COLS = 32768
LANES = 16
UNROLL = 16
NEWTON_MAX_ITERS = 24
NEWTON_TOL = 1e-7

_info = plsc.get_sparse_core_info()
_NC, _NS = _info.num_cores, _info.num_subcores
_NW = _NC * _NS
_ROWS_PER_W = ROWS // _NW

_mesh = plsc.VectorSubcoreMesh(core_axis_name="c", subcore_axis_name="s")


@functools.partial(
    pl.kernel,
    out_type=jax.ShapeDtypeStruct((ROWS, COLS), jnp.float32),
    mesh=_mesh,
    scratch_types=[
        pltpu.VMEM((COLS,), jnp.float32),
        pltpu.VMEM((COLS,), jnp.float32),
        pltpu.VMEM((COLS + LANES,), jnp.float32),
        pltpu.SemaphoreType.DMA,
        pltpu.SemaphoreType.DMA,
        pltpu.SemaphoreType.DMA,
        pltpu.SemaphoreType.DMA,
    ],
    compiler_params=pltpu.CompilerParams(needs_layout_passes=False),
)
def _entmax15_sc(x_hbm, out_hbm, xva, xvb, cv, in0, in1, out0, out1):
    wid = lax.axis_index("s") * _NC + lax.axis_index("c")
    base_row = wid * _ROWS_PER_W
    xvs = (xva, xvb)
    in_sems = (in0, in1)
    out_sems = (out0, out1)

    zero = jnp.zeros((LANES,), jnp.float32)
    neg = jnp.full((LANES,), -jnp.inf, jnp.float32)

    in_copies = [None] * _ROWS_PER_W
    out_copies = [None] * _ROWS_PER_W
    in_copies[0] = pltpu.async_copy(x_hbm.at[base_row], xva, in0)

    for r in range(_ROWS_PER_W):
        buf = r % 2
        in_copies[r].wait()
        xv = xvs[buf]

        @plsc.parallel_loop(0, COLS, step=LANES, unroll=UNROLL, carry=neg)
        def mvec(i, m):
            return jnp.maximum(m, xv[pl.ds(i, LANES)])

        row_maxv = jnp.broadcast_to(jnp.max(mvec), (LANES,))

        thrv = row_maxv - 2.0

        @plsc.parallel_loop(
            0, COLS, step=LANES, unroll=UNROLL, carry=jnp.int32(0)
        )
        def off(i, off):
            v = xv[pl.ds(i, LANES)]
            m = v > thrv
            plsc.store_compressed(cv.at[pl.ds(off, LANES)], v, mask=m)
            return off + plsc.all_reduce_population_count(m)[0]

        cv[pl.ds(off, LANES)] = neg
        nc = (off + LANES - 1) // LANES

        if r >= 1:
            out_copies[r - 1].wait()
        if r + 1 < _ROWS_PER_W:
            in_copies[r + 1] = pltpu.async_copy(
                x_hbm.at[base_row + r + 1], xvs[1 - buf], in_sems[1 - buf]
            )

        def newton_cond(carry):
            it, _, delta = carry
            return jnp.logical_and(it < NEWTON_MAX_ITERS, delta > NEWTON_TOL)

        def newton_body(carry):
            it, tv, _ = carry
            wv = row_maxv + 2.0 * tv

            @plsc.parallel_loop(
                0, nc * LANES, step=LANES, unroll=4, carry=(zero, zero)
            )
            def accs(i, acc):
                a1, a2 = acc
                d = jnp.maximum(cv[pl.ds(i, LANES)] - wv, 0.0)
                return a1 + d, a2 + d * d

            a1, a2 = accs
            s1v = jnp.broadcast_to(jnp.sum(a1), (LANES,))
            s2v = jnp.broadcast_to(jnp.sum(a2), (LANES,))
            dv = (0.25 * s2v - 1.0) / jnp.maximum(s1v, 1e-30)
            return it + 1, tv + dv, dv[0]

        _, tv, _ = lax.while_loop(
            newton_cond,
            newton_body,
            (jnp.int32(0), jnp.full((LANES,), -1.0, jnp.float32),
             jnp.float32(1.0)),
        )
        w = row_maxv + 2.0 * tv

        @plsc.parallel_loop(0, COLS, step=LANES, unroll=UNROLL)
        def _(i):
            d = jnp.maximum(xv[pl.ds(i, LANES)] - w, 0.0) * 0.5
            xv[pl.ds(i, LANES)] = d * d

        out_copies[r] = pltpu.async_copy(
            xv, out_hbm.at[base_row + r], out_sems[buf]
        )

    out_copies[_ROWS_PER_W - 1].wait()


def kernel(X):
    return _entmax15_sc(X)

# --- scband reference (transcript-rebuilt; emitter-appended) ---
"""Pipeline reference for scband-entmax15-62551903699244 (READ-ONLY COPY).

The authoritative reference and input builder live on the scoring server;
editing this copy changes nothing except your own understanding.
"""

import jax, jax.numpy as jnp
import numpy as np

DIM = 1

def _entmax_threshold_and_support(X, dim):
    # sort descending along dim
    Xsrt = -jnp.sort(-X, axis=dim)
    d = X.shape[dim]
    shape = [1] * X.ndim
    shape[dim] = d
    rho = jnp.arange(1, d + 1, dtype=X.dtype).reshape(shape)
    mean = jnp.cumsum(Xsrt, axis=dim) / rho
    mean_sq = jnp.cumsum(Xsrt ** 2, axis=dim) / rho
    ss = rho * (mean_sq - mean ** 2)
    delta = (1.0 - ss) / rho
    delta_nz = jnp.clip(delta, 0.0, None)
    tau = mean - jnp.sqrt(delta_nz)
    support_size = jnp.sum((tau <= Xsrt).astype(jnp.int32), axis=dim, keepdims=True)
    tau_star = jnp.take_along_axis(tau, support_size - 1, axis=dim)
    return tau_star, support_size

def _entmax15_forward(X, dim=DIM):
    max_val = jnp.max(X, axis=dim, keepdims=True)
    Xs = (X - max_val) / 2.0
    tau_star, _ = _entmax_threshold_and_support(Xs, dim)
    Y = jnp.clip(Xs - tau_star, 0.0, None) ** 2
    return Y

def setup_inputs(seed: int = 0) -> dict:
    key = jax.random.key(seed)
    X = jax.random.normal(key, (128, 32768), dtype=jnp.float32)
    return {"X": X}

def reference(X):
    return _entmax15_forward(X, DIM)

if __name__ == "__main__":
    import jax
    _d = setup_inputs()
    print(jax.jit(kernel)(*tuple(_d.values())))

</pallas_src>

<mosaic_0001>
#map = affine_map<(d0, d1) -> (0, 0)>
module attributes {stable_mosaic.version = 14 : i64} {
  func.func @_entmax15_sc(%arg0: i32, %arg1: i32, %arg2: memref<128x32768xf32, #tpu.memory_space<hbm>>, %arg3: memref<128x32768xf32, #tpu.memory_space<hbm>>, %arg4: memref<32768xf32, #tpu.memory_space<vmem>>, %arg5: memref<32768xf32, #tpu.memory_space<vmem>>, %arg6: memref<32784xf32, #tpu.memory_space<vmem>>, %arg7: memref<!tpu.dma_semaphore, #tpu.memory_space<semaphore_mem>>, %arg8: memref<!tpu.dma_semaphore, #tpu.memory_space<semaphore_mem>>, %arg9: memref<!tpu.dma_semaphore, #tpu.memory_space<semaphore_mem>>, %arg10: memref<!tpu.dma_semaphore, #tpu.memory_space<semaphore_mem>>) attributes {dimension_semantics = [#tpu.dimension_semantics<core_parallel>, #tpu.dimension_semantics<subcore_parallel>], iteration_bounds = array<i64: 2, 16>, scalar_prefetch = 0 : i64, scratch_operands = 7 : i64, tpu.core_type = #tpu.core_type<sc_vector_subcore>, window_params = [{transform_indices = #map}, {transform_indices = #map}]} {
    %mul3A = arith.constant 2 : i32
    %mul3A_0 = arith.muli %arg1, %mul3A : i32
    %add3A = arith.addi %mul3A_0, %arg0 : i32
    %mul3A_1 = arith.constant 4 : i32
    %mul3A_2 = arith.muli %add3A, %mul3A_1 : i32
    %broadcast_in_dim3A = arith.constant 0.000000e+00 : f32
    %broadcast_in_dim3A_3 = vector.broadcast %broadcast_in_dim3A : f32 to vector<16xf32>
    %broadcast_in_dim3A_4 = arith.constant 0xFF800000 : f32
    %broadcast_in_dim3A_5 = vector.broadcast %broadcast_in_dim3A_4 : f32 to vector<16xf32>
    %dma_start3A = arith.constant 0 : i32
    %dma_start3A_6 = tpu.memref_slice %arg2[%mul3A_2, %dma_start3A] : memref<128x32768xf32, #tpu.memory_space<hbm>> -> memref<1x32768xf32, #tpu.memory_space<hbm>>
    %dma_start3A_7 = tpu.memref_squeeze %dma_start3A_6 : memref<1x32768xf32, #tpu.memory_space<hbm>> -> memref<32768xf32, #tpu.memory_space<hbm>>
    %dma_start3A_8 = arith.constant 0 : i32
    %dma_start3A_9 = tpu.memref_slice %arg2[%mul3A_2, %dma_start3A_8] : memref<128x32768xf32, #tpu.memory_space<hbm>> -> memref<1x32768xf32, #tpu.memory_space<hbm>>
    %dma_start3A_10 = tpu.memref_squeeze %dma_start3A_9 : memref<1x32768xf32, #tpu.memory_space<hbm>> -> memref<32768xf32, #tpu.memory_space<hbm>>
    tpu.enqueue_dma source(%dma_start3A_10 : memref<32768xf32, #tpu.memory_space<hbm>>) target(%arg4 : memref<32768xf32, #tpu.memory_space<vmem>>) target_semaphore(%arg7 : memref<!tpu.dma_semaphore, #tpu.memory_space<semaphore_mem>>)
    %dma_wait3A = arith.constant 0 : i32
    %dma_wait3A_11 = tpu.memref_slice %arg2[%mul3A_2, %dma_wait3A] : memref<128x32768xf32, #tpu.memory_space<hbm>> -> memref<1x32768xf32, #tpu.memory_space<hbm>>
    %dma_wait3A_12 = tpu.memref_squeeze %dma_wait3A_11 : memref<1x32768xf32, #tpu.memory_space<hbm>> -> memref<32768xf32, #tpu.memory_space<hbm>>
    %dma_wait3A_13 = arith.constant 0 : i32
    %dma_wait3A_14 = tpu.memref_slice %arg2[%mul3A_2, %dma_wait3A_13] : memref<128x32768xf32, #tpu.memory_space<hbm>> -> memref<1x32768xf32, #tpu.memory_space<hbm>>
    %dma_wait3A_15 = tpu.memref_squeeze %dma_wait3A_14 : memref<1x32768xf32, #tpu.memory_space<hbm>> -> memref<32768xf32, #tpu.memory_space<hbm>>
    tpu.wait_dma2 semaphore(%arg7 : memref<!tpu.dma_semaphore, #tpu.memory_space<semaphore_mem>>) src(%dma_wait3A_15 : memref<32768xf32, #tpu.memory_space<hbm>>) dst(%arg4 : memref<32768xf32, #tpu.memory_space<vmem>>)
    %parallel_loop3A = arith.constant 0 : i32
    %parallel_loop3A_16 = arith.constant 32768 : i32
    %parallel_loop3A_17 = arith.constant 16 : i32
    %parallel_loop3A_18 = scf.for %parallel_loop3A_344 = %parallel_loop3A to %parallel_loop3A_16 step %parallel_loop3A_17 iter_args(%parallel_loop3A_345 = %broadcast_in_dim3A_5) -> (vector<16xf32>)  : i32 {
      %parallel_loop3A_346 = arith.index_cast %parallel_loop3A_344 : i32 to index
      %parallel_loop3A_347 = tpu.vector_load %arg4[%parallel_loop3A_346] {strides = array<i32>} : memref<32768xf32, #tpu.memory_space<vmem>>, vector<16xf32>,
      %parallel_loop3A_348 = arith.maximumf %parallel_loop3A_345, %parallel_loop3A_347 : vector<16xf32>
      scf.yield %parallel_loop3A_348 : vector<16xf32>
    } {sc.loop_unroll_factor = 16 : i64, sc.parallel_access}
    %reduce_max3A = arith.constant true
    %reduce_max3A_19 = vector.broadcast %reduce_max3A : i1 to vector<16xi1>
    %reduce_max3A_20 = tpu.scan <max>, %parallel_loop3A_18 masked %reduce_max3A_19 : vector<16xf32>, vector<16xi1> -> vector<16xf32>
    %reduce_max3A_21 = vector.extract %reduce_max3A_20[15] : f32 from vector<16xf32>
    %broadcast_in_dim3A_22 = vector.broadcast %reduce_max3A_21 : f32 to vector<16xf32>
    %sub3A = arith.constant 2.000000e+00 : f32
    %sub3A_23 = vector.broadcast %sub3A : f32 to vector<16xf32>
    %sub3A_24 = arith.subf %broadcast_in_dim3A_22, %sub3A_23 : vector<16xf32>
    %parallel_loop3A_25 = arith.constant 0 : i32
    %parallel_loop3A_26 = arith.constant 32768 : i32
    %parallel_loop3A_27 = arith.constant 16 : i32
    %parallel_loop3A_28 = arith.constant 0 : i32
    %parallel_loop3A_29 = scf.for %parallel_loop3A_344 = %parallel_loop3A_25 to %parallel_loop3A_26 step %parallel_loop3A_27 iter_args(%parallel_loop3A_345 = %parallel_loop3A_28) -> (i32)  : i32 {
      %parallel_loop3A_346 = arith.index_cast %parallel_loop3A_344 : i32 to index
      %parallel_loop3A_347 = tpu.vector_load %arg4[%parallel_loop3A_346] {strides = array<i32>} : memref<32768xf32, #tpu.memory_space<vmem>>, vector<16xf32>,
      %parallel_loop3A_348 = arith.cmpf ogt, %parallel_loop3A_347, %sub3A_24 : vector<16xf32>
      %parallel_loop3A_349 = arith.index_cast %parallel_loop3A_345 : i32 to index
      %parallel_loop3A_350 = tpu.vector_load %arg6[%parallel_loop3A_349] masked %parallel_loop3A_348 {strides = array<i32>} : memref<32784xf32, #tpu.memory_space<vmem>>, vector<16xf32>, vector<16xi1>
      tpu.vector_store %arg6[%parallel_loop3A_349], %parallel_loop3A_347 masked %parallel_loop3A_348 {strides = array<i32>} : memref<32784xf32, #tpu.memory_space<vmem>>, vector<16xf32>, vector<16xi1>
      %parallel_loop3A_351 = tpu.all_reduce %parallel_loop3A_348 {dim = 0 : i64, kind = #tpu.reduction_kind<sum>} : vector<16xi1> -> vector<16xi32>
      %parallel_loop3A_352 = vector.extract_strided_slice %parallel_loop3A_351 {offsets = [0], sizes = [1], strides = [1]} : vector<16xi32> to vector<1xi32>
      %parallel_loop3A_353 = vector.extract %parallel_loop3A_352[0] : i32 from vector<1xi32>
      %parallel_loop3A_354 = arith.addi %parallel_loop3A_345, %parallel_loop3A_353 : i32
      scf.yield %parallel_loop3A_354 : i32
    } {sc.loop_unroll_factor = 16 : i64, sc.parallel_access}
    %swap3A = arith.index_cast %parallel_loop3A_29 : i32 to index
    %swap3A_30 = tpu.vector_load %arg6[%swap3A] {strides = array<i32>} : memref<32784xf32, #tpu.memory_space<vmem>>, vector<16xf32>,
    tpu.vector_store %arg6[%swap3A], %broadcast_in_dim3A_5 {strides = array<i32>} : memref<32784xf32, #tpu.memory_space<vmem>>, vector<16xf32>,
    %add3A_31 = arith.constant 16 : i32
    %add3A_32 = arith.addi %parallel_loop3A_29, %add3A_31 : i32
    %sub3A_33 = arith.constant 1 : i32
    %sub3A_34 = arith.subi %add3A_32, %sub3A_33 : i32
    %jit3A = arith.constant 16 : i32
    %div3A = arith.divsi %sub3A_34, %jit3A : i32
    %sign3A = arith.constant 0 : i32
    %sign3A_35 = arith.cmpi sgt, %sub3A_34, %sign3A : i32
    %sign3A_36 = arith.extui %sign3A_35 : i1 to i32
    %sign3A_37 = arith.constant 0 : i32
    %sign3A_38 = arith.cmpi slt, %sub3A_34, %sign3A_37 : i32
    %sign3A_39 = arith.extui %sign3A_38 : i1 to i32
    %sign3A_40 = arith.subi %sign3A_36, %sign3A_39 : i32
    %sign3A_41 = arith.constant 0 : i32
    %sign3A_42 = arith.cmpi sgt, %jit3A, %sign3A_41 : i32
    %sign3A_43 = arith.extui %sign3A_42 : i1 to i32
    %sign3A_44 = arith.constant 0 : i32
    %sign3A_45 = arith.cmpi slt, %jit3A, %sign3A_44 : i32
    %sign3A_46 = arith.extui %sign3A_45 : i1 to i32
    %sign3A_47 = arith.subi %sign3A_43, %sign3A_46 : i32
    %ne3A = arith.cmpi ne, %sign3A_40, %sign3A_47 : i32
    %rem3A = arith.remsi %sub3A_34, %jit3A : i32
    %ne3A_48 = arith.constant 0 : i32
    %ne3A_49 = arith.cmpi ne, %rem3A, %ne3A_48 : i32
    %and3A = arith.andi %ne3A, %ne3A_49 : i1
    %sub3A_50 = arith.constant 1 : i32
    %sub3A_51 = arith.subi %div3A, %sub3A_50 : i32
    %select_n3A = arith.select %and3A, %sub3A_51, %div3A : i32
    %add3A_52 = arith.constant 0 : i32
    %add3A_53 = arith.addi %mul3A_2, %add3A_52 : i32
    %add3A_54 = arith.constant 1 : i32
    %add3A_55 = arith.addi %add3A_53, %add3A_54 : i32
    %dma_start3A_56 = arith.constant 0 : i32
    %dma_start3A_57 = tpu.memref_slice %arg2[%add3A_55, %dma_start3A_56] : memref<128x32768xf32, #tpu.memory_space<hbm>> -> memref<1x32768xf32, #tpu.memory_space<hbm>>
    %dma_start3A_58 = tpu.memref_squeeze %dma_start3A_57 : memref<1x32768xf32, #tpu.memory_space<hbm>> -> memref<32768xf32, #tpu.memory_space<hbm>>
    %dma_start3A_59 = arith.constant 0 : i32
    %dma_start3A_60 = tpu.memref_slice %arg2[%add3A_55, %dma_start3A_59] : memref<128x32768xf32, #tpu.memory_space<hbm>> -> memref<1x32768xf32, #tpu.memory_space<hbm>>
    %dma_start3A_61 = tpu.memref_squeeze %dma_start3A_60 : memref<1x32768xf32, #tpu.memory_space<hbm>> -> memref<32768xf32, #tpu.memory_space<hbm>>
    tpu.enqueue_dma source(%dma_start3A_61 : memref<32768xf32, #tpu.memory_space<hbm>>) target(%arg5 : memref<32768xf32, #tpu.memory_space<vmem>>) target_semaphore(%arg8 : memref<!tpu.dma_semaphore, #tpu.memory_space<semaphore_mem>>)
    %broadcast_in_dim3A_62 = arith.constant -1.000000e+00 : f32
    %broadcast_in_dim3A_63 = vector.broadcast %broadcast_in_dim3A_62 : f32 to vector<16xf32>
    %while3A = arith.constant 0 : i32
    %while3A_64 = arith.constant 1.000000e+00 : f32
    %while3A_65:3 = scf.while (%while3A_344 = %while3A, %while3A_345 = %broadcast_in_dim3A_63, %while3A_346 = %while3A_64) : (i32, vector<16xf32>, f32) -> (i32, vector<16xf32>, f32) {
      %lt3A = arith.constant 24 : i32
      %lt3A_347 = arith.cmpi slt, %while3A_344, %lt3A : i32
      %gt3A = arith.constant 1.000000e-07 : f32
      %gt3A_348 = arith.cmpf ogt, %while3A_346, %gt3A : f32
      %and3A_349 = arith.andi %lt3A_347, %gt3A_348 : i1
      scf.condition(%and3A_349) %while3A_344, %while3A_345, %while3A_346 : i32, vector<16xf32>, f32
    } do {
    ^bb0(%while3A_344: i32, %while3A_345: vector<16xf32>, %while3A_346: f32):
      %mul3A_347 = arith.constant 2.000000e+00 : f32
      %mul3A_348 = vector.broadcast %mul3A_347 : f32 to vector<16xf32>
      %mul3A_349 = arith.mulf %mul3A_348, %while3A_345 : vector<16xf32>
      %add3A_350 = arith.addf %broadcast_in_dim3A_22, %mul3A_349 : vector<16xf32>
      %mul3A_351 = arith.constant 16 : i32
      %mul3A_352 = arith.muli %select_n3A, %mul3A_351 : i32
      %parallel_loop3A_353 = arith.constant 0 : i32
      %parallel_loop3A_354 = arith.constant 16 : i32
      %parallel_loop3A_355:2 = scf.for %parallel_loop3A_377 = %parallel_loop3A_353 to %mul3A_352 step %parallel_loop3A_354 iter_args(%parallel_loop3A_378 = %broadcast_in_dim3A_3, %parallel_loop3A_379 = %broadcast_in_dim3A_3) -> (vector<16xf32>, vector<16xf32>)  : i32 {
        %parallel_loop3A_380 = arith.index_cast %parallel_loop3A_377 : i32 to index
        %parallel_loop3A_381 = tpu.vector_load %arg6[%parallel_loop3A_380] {strides = array<i32>} : memref<32784xf32, #tpu.memory_space<vmem>>, vector<16xf32>,
        %parallel_loop3A_382 = arith.subf %parallel_loop3A_381, %add3A_350 : vector<16xf32>
        %parallel_loop3A_383 = arith.constant 0.000000e+00 : f32
        %parallel_loop3A_384 = vector.broadcast %parallel_loop3A_383 : f32 to vector<16xf32>
        %parallel_loop3A_385 = arith.maximumf %parallel_loop3A_382, %parallel_loop3A_384 : vector<16xf32>
        %parallel_loop3A_386 = arith.addf %parallel_loop3A_378, %parallel_loop3A_385 : vector<16xf32>
        %parallel_loop3A_387 = arith.mulf %parallel_loop3A_385, %parallel_loop3A_385 : vector<16xf32>
        %parallel_loop3A_388 = arith.addf %parallel_loop3A_379, %parallel_loop3A_387 : vector<16xf32>
        scf.yield %parallel_loop3A_386, %parallel_loop3A_388 : vector<16xf32>, vector<16xf32>
      } {sc.loop_unroll_factor = 4 : i64, sc.parallel_access}
      %reduce_sum3A = arith.constant true
      %reduce_sum3A_356 = vector.broadcast %reduce_sum3A : i1 to vector<16xi1>
      %reduce_sum3A_357 = tpu.scan <sum>, %parallel_loop3A_355#0 masked %reduce_sum3A_356 : vector<16xf32>, vector<16xi1> -> vector<16xf32>
      %reduce_sum3A_358 = vector.extract %reduce_sum3A_357[15] : f32 from vector<16xf32>
      %broadcast_in_dim3A_359 = vector.broadcast %reduce_sum3A_358 : f32 to vector<16xf32>
      %reduce_sum3A_360 = arith.constant true
      %reduce_sum3A_361 = vector.broadcast %reduce_sum3A_360 : i1 to vector<16xi1>
      %reduce_sum3A_362 = tpu.scan <sum>, %parallel_loop3A_355#1 masked %reduce_sum3A_361 : vector<16xf32>, vector<16xi1> -> vector<16xf32>
      %reduce_sum3A_363 = vector.extract %reduce_sum3A_362[15] : f32 from vector<16xf32>
      %broadcast_in_dim3A_364 = vector.broadcast %reduce_sum3A_363 : f32 to vector<16xf32>
      %mul3A_365 = arith.constant 2.500000e-01 : f32
      %mul3A_366 = vector.broadcast %mul3A_365 : f32 to vector<16xf32>
      %mul3A_367 = arith.mulf %mul3A_366, %broadcast_in_dim3A_364 : vector<16xf32>
      %sub3A_368 = arith.constant 1.000000e+00 : f32
      %sub3A_369 = vector.broadcast %sub3A_368 : f32 to vector<16xf32>
      %sub3A_370 = arith.subf %mul3A_367, %sub3A_369 : vector<16xf32>
      %max3A = arith.constant 1.000000e-30 : f32
      %max3A_371 = vector.broadcast %max3A : f32 to vector<16xf32>
      %max3A_372 = arith.maximumf %broadcast_in_dim3A_359, %max3A_371 : vector<16xf32>
      %div3A_373 = arith.divf %sub3A_370, %max3A_372 : vector<16xf32>
      %add3A_374 = arith.constant 1 : i32
      %add3A_375 = arith.addi %while3A_344, %add3A_374 : i32
      %add3A_376 = arith.addf %while3A_345, %div3A_373 : vector<16xf32>
      %slice3A = vector.extract_strided_slice %div3A_373 {offsets = [0], sizes = [1], strides = [1]} : vector<16xf32> to vector<1xf32>
      %squeeze3A = vector.extract %slice3A[0] : f32 from vector<1xf32>
      scf.yield %add3A_375, %add3A_376, %squeeze3A : i32, vector<16xf32>, f32
    }
    %mul3A_66 = arith.constant 2.000000e+00 : f32
    %mul3A_67 = vector.broadcast %mul3A_66 : f32 to vector<16xf32>
    %mul3A_68 = arith.mulf %mul3A_67, %while3A_65#1 : vector<16xf32>
    %add3A_69 = arith.addf %broadcast_in_dim3A_22, %mul3A_68 : vector<16xf32>
    %parallel_loop3A_70 = arith.constant 0 : i32
    %parallel_loop3A_71 = arith.constant 32768 : i32
    %parallel_loop3A_72 = arith.constant 16 : i32
    scf.for %parallel_loop3A_344 = %parallel_loop3A_70 to %parallel_loop3A_71 step %parallel_loop3A_72  : i32 {
      %parallel_loop3A_345 = arith.index_cast %parallel_loop3A_344 : i32 to index
      %parallel_loop3A_346 = tpu.vector_load %arg4[%parallel_loop3A_345] {strides = array<i32>} : memref<32768xf32, #tpu.memory_space<vmem>>, vector<16xf32>,
      %parallel_loop3A_347 = arith.subf %parallel_loop3A_346, %add3A_69 : vector<16xf32>
      %parallel_loop3A_348 = arith.constant 0.000000e+00 : f32
      %parallel_loop3A_349 = vector.broadcast %parallel_loop3A_348 : f32 to vector<16xf32>
      %parallel_loop3A_350 = arith.maximumf %parallel_loop3A_347, %parallel_loop3A_349 : vector<16xf32>
      %parallel_loop3A_351 = arith.constant 5.000000e-01 : f32
      %parallel_loop3A_352 = vector.broadcast %parallel_loop3A_351 : f32 to vector<16xf32>
      %parallel_loop3A_353 = arith.mulf %parallel_loop3A_350, %parallel_loop3A_352 : vector<16xf32>
      %parallel_loop3A_354 = arith.mulf %parallel_loop3A_353, %parallel_loop3A_353 : vector<16xf32>
      %parallel_loop3A_355 = arith.index_cast %parallel_loop3A_344 : i32 to index
      %parallel_loop3A_356 = tpu.vector_load %arg4[%parallel_loop3A_355] {strides = array<i32>} : memref<32768xf32, #tpu.memory_space<vmem>>, vector<16xf32>,
      tpu.vector_store %arg4[%parallel_loop3A_355], %parallel_loop3A_354 {strides = array<i32>} : memref<32768xf32, #tpu.memory_space<vmem>>, vector<16xf32>,
    } {sc.loop_unroll_factor = 16 : i64, sc.parallel_access}
    %add3A_73 = arith.constant 0 : i32
    %add3A_74 = arith.addi %mul3A_2, %add3A_73 : i32
    %dma_start3A_75 = arith.constant 0 : i32
    %dma_start3A_76 = tpu.memref_slice %arg3[%add3A_74, %dma_start3A_75] : memref<128x32768xf32, #tpu.memory_space<hbm>> -> memref<1x32768xf32, #tpu.memory_space<hbm>>
    %dma_start3A_77 = tpu.memref_squeeze %dma_start3A_76 : memref<1x32768xf32, #tpu.memory_space<hbm>> -> memref<32768xf32, #tpu.memory_space<hbm>>
    %dma_start3A_78 = arith.constant 0 : i32
    %dma_start3A_79 = tpu.memref_slice %arg3[%add3A_74, %dma_start3A_78] : memref<128x32768xf32, #tpu.memory_space<hbm>> -> memref<1x32768xf32, #tpu.memory_space<hbm>>
    %dma_start3A_80 = tpu.memref_squeeze %dma_start3A_79 : memref<1x32768xf32, #tpu.memory_space<hbm>> -> memref<32768xf32, #tpu.memory_space<hbm>>
    tpu.enqueue_dma source(%arg4 : memref<32768xf32, #tpu.memory_space<vmem>>) target(%dma_start3A_80 : memref<32768xf32, #tpu.memory_space<hbm>>) target_semaphore(%arg9 : memref<!tpu.dma_semaphore, #tpu.memory_space<semaphore_mem>>)
    %dma_wait3A_81 = arith.constant 0 : i32
    %dma_wait3A_82 = tpu.memref_slice %arg2[%add3A_55, %dma_wait3A_81] : memref<128x32768xf32, #tpu.memory_space<hbm>> -> memref<1x32768xf32, #tpu.memory_space<hbm>>
    %dma_wait3A_83 = tpu.memref_squeeze %dma_wait3A_82 : memref<1x32768xf32, #tpu.memory_space<hbm>> -> memref<32768xf32, #tpu.memory_space<hbm>>
    %dma_wait3A_84 = arith.constant 0 : i32
    %dma_wait3A_85 = tpu.memref_slice %arg2[%add3A_55, %dma_wait3A_84] : memref<128x32768xf32, #tpu.memory_space<hbm>> -> memref<1x32768xf32, #tpu.memory_space<hbm>>
    %dma_wait3A_86 = tpu.memref_squeeze %dma_wait3A_85 : memref<1x32768xf32, #tpu.memory_space<hbm>> -> memref<32768xf32, #tpu.memory_space<hbm>>
    tpu.wait_dma2 semaphore(%arg8 : memref<!tpu.dma_semaphore, #tpu.memory_space<semaphore_mem>>) src(%dma_wait3A_86 : memref<32768xf32, #tpu.memory_space<hbm>>) dst(%arg5 : memref<32768xf32, #tpu.memory_space<vmem>>)
    %parallel_loop3A_87 = arith.constant 0 : i32
    %parallel_loop3A_88 = arith.constant 32768 : i32
    %parallel_loop3A_89 = arith.constant 16 : i32
    %parallel_loop3A_90 = scf.for %parallel_loop3A_344 = %parallel_loop3A_87 to %parallel_loop3A_88 step %parallel_loop3A_89 iter_args(%parallel_loop3A_345 = %broadcast_in_dim3A_5) -> (vector<16xf32>)  : i32 {
      %parallel_loop3A_346 = arith.index_cast %parallel_loop3A_344 : i32 to index
      %parallel_loop3A_347 = tpu.vector_load %arg5[%parallel_loop3A_346] {strides = array<i32>} : memref<32768xf32, #tpu.memory_space<vmem>>, vector<16xf32>,
      %parallel_loop3A_348 = arith.maximumf %parallel_loop3A_345, %parallel_loop3A_347 : vector<16xf32>
      scf.yield %parallel_loop3A_348 : vector<16xf32>
    } {sc.loop_unroll_factor = 16 : i64, sc.parallel_access}
    %reduce_max3A_91 = arith.constant true
    %reduce_max3A_92 = vector.broadcast %reduce_max3A_91 : i1 to vector<16xi1>
    %reduce_max3A_93 = tpu.scan <max>, %parallel_loop3A_90 masked %reduce_max3A_92 : vector<16xf32>, vector<16xi1> -> vector<16xf32>
    %reduce_max3A_94 = vector.extract %reduce_max3A_93[15] : f32 from vector<16xf32>
    %broadcast_in_dim3A_95 = vector.broadcast %reduce_max3A_94 : f32 to vector<16xf32>
    %sub3A_96 = arith.constant 2.000000e+00 : f32
    %sub3A_97 = vector.broadcast %sub3A_96 : f32 to vector<16xf32>
    %sub3A_98 = arith.subf %broadcast_in_dim3A_95, %sub3A_97 : vector<16xf32>
    %parallel_loop3A_99 = arith.constant 0 : i32
    %parallel_loop3A_100 = arith.constant 32768 : i32
    %parallel_loop3A_101 = arith.constant 16 : i32
    %parallel_loop3A_102 = arith.constant 0 : i32
    %parallel_loop3A_103 = scf.for %parallel_loop3A_344 = %parallel_loop3A_99 to %parallel_loop3A_100 step %parallel_loop3A_101 iter_args(%parallel_loop3A_345 = %parallel_loop3A_102) -> (i32)  : i32 {
      %parallel_loop3A_346 = arith.index_cast %parallel_loop3A_344 : i32 to index
      %parallel_loop3A_347 = tpu.vector_load %arg5[%parallel_loop3A_346] {strides = array<i32>} : memref<32768xf32, #tpu.memory_space<vmem>>, vector<16xf32>,
      %parallel_loop3A_348 = arith.cmpf ogt, %parallel_loop3A_347, %sub3A_98 : vector<16xf32>
      %parallel_loop3A_349 = arith.index_cast %parallel_loop3A_345 : i32 to index
      %parallel_loop3A_350 = tpu.vector_load %arg6[%parallel_loop3A_349] masked %parallel_loop3A_348 {strides = array<i32>} : memref<32784xf32, #tpu.memory_space<vmem>>, vector<16xf32>, vector<16xi1>
      tpu.vector_store %arg6[%parallel_loop3A_349], %parallel_loop3A_347 masked %parallel_loop3A_348 {strides = array<i32>} : memref<32784xf32, #tpu.memory_space<vmem>>, vector<16xf32>, vector<16xi1>
      %parallel_loop3A_351 = tpu.all_reduce %parallel_loop3A_348 {dim = 0 : i64, kind = #tpu.reduction_kind<sum>} : vector<16xi1> -> vector<16xi32>
      %parallel_loop3A_352 = vector.extract_strided_slice %parallel_loop3A_351 {offsets = [0], sizes = [1], strides = [1]} : vector<16xi32> to vector<1xi32>
      %parallel_loop3A_353 = vector.extract %parallel_loop3A_352[0] : i32 from vector<1xi32>
      %parallel_loop3A_354 = arith.addi %parallel_loop3A_345, %parallel_loop3A_353 : i32
      scf.yield %parallel_loop3A_354 : i32
    } {sc.loop_unroll_factor = 16 : i64, sc.parallel_access}
    %swap3A_104 = arith.index_cast %parallel_loop3A_103 : i32 to index
    %swap3A_105 = tpu.vector_load %arg6[%swap3A_104] {strides = array<i32>} : memref<32784xf32, #tpu.memory_space<vmem>>, vector<16xf32>,
    tpu.vector_store %arg6[%swap3A_104], %broadcast_in_dim3A_5 {strides = array<i32>} : memref<32784xf32, #tpu.memory_space<vmem>>, vector<16xf32>,
    %add3A_106 = arith.constant 16 : i32
    %add3A_107 = arith.addi %parallel_loop3A_103, %add3A_106 : i32
    %sub3A_108 = arith.constant 1 : i32
    %sub3A_109 = arith.subi %add3A_107, %sub3A_108 : i32
    %jit3A_110 = arith.constant 16 : i32
    %div3A_111 = arith.divsi %sub3A_109, %jit3A_110 : i32
    %sign3A_112 = arith.constant 0 : i32
    %sign3A_113 = arith.cmpi sgt, %sub3A_109, %sign3A_112 : i32
    %sign3A_114 = arith.extui %sign3A_113 : i1 to i32
    %sign3A_115 = arith.constant 0 : i32
    %sign3A_116 = arith.cmpi slt, %sub3A_109, %sign3A_115 : i32
    %sign3A_117 = arith.extui %sign3A_116 : i1 to i32
    %sign3A_118 = arith.subi %sign3A_114, %sign3A_117 : i32
    %sign3A_119 = arith.constant 0 : i32
    %sign3A_120 = arith.cmpi sgt, %jit3A_110, %sign3A_119 : i32
    %sign3A_121 = arith.extui %sign3A_120 : i1 to i32
    %sign3A_122 = arith.constant 0 : i32
    %sign3A_123 = arith.cmpi slt, %jit3A_110, %sign3A_122 : i32
    %sign3A_124 = arith.extui %sign3A_123 : i1 to i32
    %sign3A_125 = arith.subi %sign3A_121, %sign3A_124 : i32
    %ne3A_126 = arith.cmpi ne, %sign3A_118, %sign3A_125 : i32
    %rem3A_127 = arith.remsi %sub3A_109, %jit3A_110 : i32
    %ne3A_128 = arith.constant 0 : i32
    %ne3A_129 = arith.cmpi ne, %rem3A_127, %ne3A_128 : i32
    %and3A_130 = arith.andi %ne3A_126, %ne3A_129 : i1
    %sub3A_131 = arith.constant 1 : i32
    %sub3A_132 = arith.subi %div3A_111, %sub3A_131 : i32
    %select_n3A_133 = arith.select %and3A_130, %sub3A_132, %div3A_111 : i32
    %dma_wait3A_134 = arith.constant 0 : i32
    %dma_wait3A_135 = tpu.memref_slice %arg3[%add3A_74, %dma_wait3A_134] : memref<128x32768xf32, #tpu.memory_space<hbm>> -> memref<1x32768xf32, #tpu.memory_space<hbm>>
    %dma_wait3A_136 = tpu.memref_squeeze %dma_wait3A_135 : memref<1x32768xf32, #tpu.memory_space<hbm>> -> memref<32768xf32, #tpu.memory_space<hbm>>
    %dma_wait3A_137 = arith.constant 0 : i32
    %dma_wait3A_138 = tpu.memref_slice %arg3[%add3A_74, %dma_wait3A_137] : memref<128x32768xf32, #tpu.memory_space<hbm>> -> memref<1x32768xf32, #tpu.memory_space<hbm>>
    %dma_wait3A_139 = tpu.memref_squeeze %dma_wait3A_138 : memref<1x32768xf32, #tpu.memory_space<hbm>> -> memref<32768xf32, #tpu.memory_space<hbm>>
    tpu.wait_dma2 semaphore(%arg9 : memref<!tpu.dma_semaphore, #tpu.memory_space<semaphore_mem>>) src(%arg4 : memref<32768xf32, #tpu.memory_space<vmem>>) dst(%dma_wait3A_139 : memref<32768xf32, #tpu.memory_space<hbm>>)
    %add3A_140 = arith.constant 1 : i32
    %add3A_141 = arith.addi %mul3A_2, %add3A_140 : i32
    %add3A_142 = arith.constant 1 : i32
    %add3A_143 = arith.addi %add3A_141, %add3A_142 : i32
    %dma_start3A_144 = arith.constant 0 : i32
    %dma_start3A_145 = tpu.memref_slice %arg2[%add3A_143, %dma_start3A_144] : memref<128x32768xf32, #tpu.memory_space<hbm>> -> memref<1x32768xf32, #tpu.memory_space<hbm>>
    %dma_start3A_146 = tpu.memref_squeeze %dma_start3A_145 : memref<1x32768xf32, #tpu.memory_space<hbm>> -> memref<32768xf32, #tpu.memory_space<hbm>>
    %dma_start3A_147 = arith.constant 0 : i32
    %dma_start3A_148 = tpu.memref_slice %arg2[%add3A_143, %dma_start3A_147] : memref<128x32768xf32, #tpu.memory_space<hbm>> -> memref<1x32768xf32, #tpu.memory_space<hbm>>
    %dma_start3A_149 = tpu.memref_squeeze %dma_start3A_148 : memref<1x32768xf32, #tpu.memory_space<hbm>> -> memref<32768xf32, #tpu.memory_space<hbm>>
    tpu.enqueue_dma source(%dma_start3A_149 : memref<32768xf32, #tpu.memory_space<hbm>>) target(%arg4 : memref<32768xf32, #tpu.memory_space<vmem>>) target_semaphore(%arg7 : memref<!tpu.dma_semaphore, #tpu.memory_space<semaphore_mem>>)
    %broadcast_in_dim3A_150 = arith.constant -1.000000e+00 : f32
    %broadcast_in_dim3A_151 = vector.broadcast %broadcast_in_dim3A_150 : f32 to vector<16xf32>
    %while3A_152 = arith.constant 0 : i32
    %while3A_153 = arith.constant 1.000000e+00 : f32
    %while3A_154:3 = scf.while (%while3A_344 = %while3A_152, %while3A_345 = %broadcast_in_dim3A_151, %while3A_346 = %while3A_153) : (i32, vector<16xf32>, f32) -> (i32, vector<16xf32>, f32) {
      %lt3A = arith.constant 24 : i32
      %lt3A_347 = arith.cmpi slt, %while3A_344, %lt3A : i32
      %gt3A = arith.constant 1.000000e-07 : f32
      %gt3A_348 = arith.cmpf ogt, %while3A_346, %gt3A : f32
      %and3A_349 = arith.andi %lt3A_347, %gt3A_348 : i1
      scf.condition(%and3A_349) %while3A_344, %while3A_345, %while3A_346 : i32, vector<16xf32>, f32
    } do {
    ^bb0(%while3A_344: i32, %while3A_345: vector<16xf32>, %while3A_346: f32):
      %mul3A_347 = arith.constant 2.000000e+00 : f32
      %mul3A_348 = vector.broadcast %mul3A_347 : f32 to vector<16xf32>
      %mul3A_349 = arith.mulf %mul3A_348, %while3A_345 : vector<16xf32>
      %add3A_350 = arith.addf %broadcast_in_dim3A_95, %mul3A_349 : vector<16xf32>
      %mul3A_351 = arith.constant 16 : i32
      %mul3A_352 = arith.muli %select_n3A_133, %mul3A_351 : i32
      %parallel_loop3A_353 = arith.constant 0 : i32
      %parallel_loop3A_354 = arith.constant 16 : i32
      %parallel_loop3A_355:2 = scf.for %parallel_loop3A_377 = %parallel_loop3A_353 to %mul3A_352 step %parallel_loop3A_354 iter_args(%parallel_loop3A_378 = %broadcast_in_dim3A_3, %parallel_loop3A_379 = %broadcast_in_dim3A_3) -> (vector<16xf32>, vector<16xf32>)  : i32 {
        %parallel_loop3A_380 = arith.index_cast %parallel_loop3A_377 : i32 to index
        %parallel_loop3A_381 = tpu.vector_load %arg6[%parallel_loop3A_380] {strides = array<i32>} : memref<32784xf32, #tpu.memory_space<vmem>>, vector<16xf32>,
        %parallel_loop3A_382 = arith.subf %parallel_loop3A_381, %add3A_350 : vector<16xf32>
        %parallel_loop3A_383 = arith.constant 0.000000e+00 : f32
        %parallel_loop3A_384 = vector.broadcast %parallel_loop3A_383 : f32 to vector<16xf32>
        %parallel_loop3A_385 = arith.maximumf %parallel_loop3A_382, %parallel_loop3A_384 : vector<16xf32>
        %parallel_loop3A_386 = arith.addf %parallel_loop3A_378, %parallel_loop3A_385 : vector<16xf32>
        %parallel_loop3A_387 = arith.mulf %parallel_loop3A_385, %parallel_loop3A_385 : vector<16xf32>
        %parallel_loop3A_388 = arith.addf %parallel_loop3A_379, %parallel_loop3A_387 : vector<16xf32>
        scf.yield %parallel_loop3A_386, %parallel_loop3A_388 : vector<16xf32>, vector<16xf32>
      } {sc.loop_unroll_factor = 4 : i64, sc.parallel_access}
      %reduce_sum3A = arith.constant true
      %reduce_sum3A_356 = vector.broadcast %reduce_sum3A : i1 to vector<16xi1>
      %reduce_sum3A_357 = tpu.scan <sum>, %parallel_loop3A_355#0 masked %reduce_sum3A_356 : vector<16xf32>, vector<16xi1> -> vector<16xf32>
      %reduce_sum3A_358 = vector.extract %reduce_sum3A_357[15] : f32 from vector<16xf32>
      %broadcast_in_dim3A_359 = vector.broadcast %reduce_sum3A_358 : f32 to vector<16xf32>
      %reduce_sum3A_360 = arith.constant true
      %reduce_sum3A_361 = vector.broadcast %reduce_sum3A_360 : i1 to vector<16xi1>
      %reduce_sum3A_362 = tpu.scan <sum>, %parallel_loop3A_355#1 masked %reduce_sum3A_361 : vector<16xf32>, vector<16xi1> -> vector<16xf32>
      %reduce_sum3A_363 = vector.extract %reduce_sum3A_362[15] : f32 from vector<16xf32>
      %broadcast_in_dim3A_364 = vector.broadcast %reduce_sum3A_363 : f32 to vector<16xf32>
      %mul3A_365 = arith.constant 2.500000e-01 : f32
      %mul3A_366 = vector.broadcast %mul3A_365 : f32 to vector<16xf32>
      %mul3A_367 = arith.mulf %mul3A_366, %broadcast_in_dim3A_364 : vector<16xf32>
      %sub3A_368 = arith.constant 1.000000e+00 : f32
      %sub3A_369 = vector.broadcast %sub3A_368 : f32 to vector<16xf32>
      %sub3A_370 = arith.subf %mul3A_367, %sub3A_369 : vector<16xf32>
      %max3A = arith.constant 1.000000e-30 : f32
      %max3A_371 = vector.broadcast %max3A : f32 to vector<16xf32>
      %max3A_372 = arith.maximumf %broadcast_in_dim3A_359, %max3A_371 : vector<16xf32>
      %div3A_373 = arith.divf %sub3A_370, %max3A_372 : vector<16xf32>
      %add3A_374 = arith.constant 1 : i32
      %add3A_375 = arith.addi %while3A_344, %add3A_374 : i32
      %add3A_376 = arith.addf %while3A_345, %div3A_373 : vector<16xf32>
      %slice3A = vector.extract_strided_slice %div3A_373 {offsets = [0], sizes = [1], strides = [1]} : vector<16xf32> to vector<1xf32>
      %squeeze3A = vector.extract %slice3A[0] : f32 from vector<1xf32>
      scf.yield %add3A_375, %add3A_376, %squeeze3A : i32, vector<16xf32>, f32
    }
    %mul3A_155 = arith.constant 2.000000e+00 : f32
    %mul3A_156 = vector.broadcast %mul3A_155 : f32 to vector<16xf32>
    %mul3A_157 = arith.mulf %mul3A_156, %while3A_154#1 : vector<16xf32>
    %add3A_158 = arith.addf %broadcast_in_dim3A_95, %mul3A_157 : vector<16xf32>
    %parallel_loop3A_159 = arith.constant 0 : i32
    %parallel_loop3A_160 = arith.constant 32768 : i32
    %parallel_loop3A_161 = arith.constant 16 : i32
    scf.for %parallel_loop3A_344 = %parallel_loop3A_159 to %parallel_loop3A_160 step %parallel_loop3A_161  : i32 {
      %parallel_loop3A_345 = arith.index_cast %parallel_loop3A_344 : i32 to index
      %parallel_loop3A_346 = tpu.vector_load %arg5[%parallel_loop3A_345] {strides = array<i32>} : memref<32768xf32, #tpu.memory_space<vmem>>, vector<16xf32>,
      %parallel_loop3A_347 = arith.subf %parallel_loop3A_346, %add3A_158 : vector<16xf32>
      %parallel_loop3A_348 = arith.constant 0.000000e+00 : f32
      %parallel_loop3A_349 = vector.broadcast %parallel_loop3A_348 : f32 to vector<16xf32>
      %parallel_loop3A_350 = arith.maximumf %parallel_loop3A_347, %parallel_loop3A_349 : vector<16xf32>
      %parallel_loop3A_351 = arith.constant 5.000000e-01 : f32
      %parallel_loop3A_352 = vector.broadcast %parallel_loop3A_351 : f32 to vector<16xf32>
      %parallel_loop3A_353 = arith.mulf %parallel_loop3A_350, %parallel_loop3A_352 : vector<16xf32>
      %parallel_loop3A_354 = arith.mulf %parallel_loop3A_353, %parallel_loop3A_353 : vector<16xf32>
      %parallel_loop3A_355 = arith.index_cast %parallel_loop3A_344 : i32 to index
      %parallel_loop3A_356 = tpu.vector_load %arg5[%parallel_loop3A_355] {strides = array<i32>} : memref<32768xf32, #tpu.memory_space<vmem>>, vector<16xf32>,
      tpu.vector_store %arg5[%parallel_loop3A_355], %parallel_loop3A_354 {strides = array<i32>} : memref<32768xf32, #tpu.memory_space<vmem>>, vector<16xf32>,
    } {sc.loop_unroll_factor = 16 : i64, sc.parallel_access}
    %add3A_162 = arith.constant 1 : i32
    %add3A_163 = arith.addi %mul3A_2, %add3A_162 : i32
    %dma_start3A_164 = arith.constant 0 : i32
    %dma_start3A_165 = tpu.memref_slice %arg3[%add3A_163, %dma_start3A_164] : memref<128x32768xf32, #tpu.memory_space<hbm>> -> memref<1x32768xf32, #tpu.memory_space<hbm>>
    %dma_start3A_166 = tpu.memref_squeeze %dma_start3A_165 : memref<1x32768xf32, #tpu.memory_space<hbm>> -> memref<32768xf32, #tpu.memory_space<hbm>>
    %dma_start3A_167 = arith.constant 0 : i32
    %dma_start3A_168 = tpu.memref_slice %arg3[%add3A_163, %dma_start3A_167] : memref<128x32768xf32, #tpu.memory_space<hbm>> -> memref<1x32768xf32, #tpu.memory_space<hbm>>
    %dma_start3A_169 = tpu.memref_squeeze %dma_start3A_168 : memref<1x32768xf32, #tpu.memory_space<hbm>> -> memref<32768xf32, #tpu.memory_space<hbm>>
    tpu.enqueue_dma source(%arg5 : memref<32768xf32, #tpu.memory_space<vmem>>) target(%dma_start3A_169 : memref<32768xf32, #tpu.memory_space<hbm>>) target_semaphore(%arg10 : memref<!tpu.dma_semaphore, #tpu.memory_space<semaphore_mem>>)
    %dma_wait3A_170 = arith.constant 0 : i32
    %dma_wait3A_171 = tpu.memref_slice %arg2[%add3A_143, %dma_wait3A_170] : memref<128x32768xf32, #tpu.memory_space<hbm>> -> memref<1x32768xf32, #tpu.memory_space<hbm>>
    %dma_wait3A_172 = tpu.memref_squeeze %dma_wait3A_171 : memref<1x32768xf32, #tpu.memory_space<hbm>> -> memref<32768xf32, #tpu.memory_space<hbm>>
    %dma_wait3A_173 = arith.constant 0 : i32
    %dma_wait3A_174 = tpu.memref_slice %arg2[%add3A_143, %dma_wait3A_173] : memref<128x32768xf32, #tpu.memory_space<hbm>> -> memref<1x32768xf32, #tpu.memory_space<hbm>>
    %dma_wait3A_175 = tpu.memref_squeeze %dma_wait3A_174 : memref<1x32768xf32, #tpu.memory_space<hbm>> -> memref<32768xf32, #tpu.memory_space<hbm>>
    tpu.wait_dma2 semaphore(%arg7 : memref<!tpu.dma_semaphore, #tpu.memory_space<semaphore_mem>>) src(%dma_wait3A_175 : memref<32768xf32, #tpu.memory_space<hbm>>) dst(%arg4 : memref<32768xf32, #tpu.memory_space<vmem>>)
    %parallel_loop3A_176 = arith.constant 0 : i32
    %parallel_loop3A_177 = arith.constant 32768 : i32
    %parallel_loop3A_178 = arith.constant 16 : i32
    %parallel_loop3A_179 = scf.for %parallel_loop3A_344 = %parallel_loop3A_176 to %parallel_loop3A_177 step %parallel_loop3A_178 iter_args(%parallel_loop3A_345 = %broadcast_in_dim3A_5) -> (vector<16xf32>)  : i32 {
      %parallel_loop3A_346 = arith.index_cast %parallel_loop3A_344 : i32 to index
      %parallel_loop3A_347 = tpu.vector_load %arg4[%parallel_loop3A_346] {strides = array<i32>} : memref<32768xf32, #tpu.memory_space<vmem>>, vector<16xf32>,
      %parallel_loop3A_348 = arith.maximumf %parallel_loop3A_345, %parallel_loop3A_347 : vector<16xf32>
      scf.yield %parallel_loop3A_348 : vector<16xf32>
    } {sc.loop_unroll_factor = 16 : i64, sc.parallel_access}
    %reduce_max3A_180 = arith.constant true
    %reduce_max3A_181 = vector.broadcast %reduce_max3A_180 : i1 to vector<16xi1>
    %reduce_max3A_182 = tpu.scan <max>, %parallel_loop3A_179 masked %reduce_max3A_181 : vector<16xf32>, vector<16xi1> -> vector<16xf32>
    %reduce_max3A_183 = vector.extract %reduce_max3A_182[15] : f32 from vector<16xf32>
    %broadcast_in_dim3A_184 = vector.broadcast %reduce_max3A_183 : f32 to vector<16xf32>
    %sub3A_185 = arith.constant 2.000000e+00 : f32
    %sub3A_186 = vector.broadcast %sub3A_185 : f32 to vector<16xf32>
    %sub3A_187 = arith.subf %broadcast_in_dim3A_184, %sub3A_186 : vector<16xf32>
    %parallel_loop3A_188 = arith.constant 0 : i32
    %parallel_loop3A_189 = arith.constant 32768 : i32
    %parallel_loop3A_190 = arith.constant 16 : i32
    %parallel_loop3A_191 = arith.constant 0 : i32
    %parallel_loop3A_192 = scf.for %parallel_loop3A_344 = %parallel_loop3A_188 to %parallel_loop3A_189 step %parallel_loop3A_190 iter_args(%parallel_loop3A_345 = %parallel_loop3A_191) -> (i32)  : i32 {
      %parallel_loop3A_346 = arith.index_cast %parallel_loop3A_344 : i32 to index
      %parallel_loop3A_347 = tpu.vector_load %arg4[%parallel_loop3A_346] {strides = array<i32>} : memref<32768xf32, #tpu.memory_space<vmem>>, vector<16xf32>,
      %parallel_loop3A_348 = arith.cmpf ogt, %parallel_loop3A_347, %sub3A_187 : vector<16xf32>
      %parallel_loop3A_349 = arith.index_cast %parallel_loop3A_345 : i32 to index
      %parallel_loop3A_350 = tpu.vector_load %arg6[%parallel_loop3A_349] masked %parallel_loop3A_348 {strides = array<i32>} : memref<32784xf32, #tpu.memory_space<vmem>>, vector<16xf32>, vector<16xi1>
      tpu.vector_store %arg6[%parallel_loop3A_349], %parallel_loop3A_347 masked %parallel_loop3A_348 {strides = array<i32>} : memref<32784xf32, #tpu.memory_space<vmem>>, vector<16xf32>, vector<16xi1>
      %parallel_loop3A_351 = tpu.all_reduce %parallel_loop3A_348 {dim = 0 : i64, kind = #tpu.reduction_kind<sum>} : vector<16xi1> -> vector<16xi32>
      %parallel_loop3A_352 = vector.extract_strided_slice %parallel_loop3A_351 {offsets = [0], sizes = [1], strides = [1]} : vector<16xi32> to vector<1xi32>
      %parallel_loop3A_353 = vector.extract %parallel_loop3A_352[0] : i32 from vector<1xi32>
      %parallel_loop3A_354 = arith.addi %parallel_loop3A_345, %parallel_loop3A_353 : i32
      scf.yield %parallel_loop3A_354 : i32
    } {sc.loop_unroll_factor = 16 : i64, sc.parallel_access}
    %swap3A_193 = arith.index_cast %parallel_loop3A_192 : i32 to index
    %swap3A_194 = tpu.vector_load %arg6[%swap3A_193] {strides = array<i32>} : memref<32784xf32, #tpu.memory_space<vmem>>, vector<16xf32>,
    tpu.vector_store %arg6[%swap3A_193], %broadcast_in_dim3A_5 {strides = array<i32>} : memref<32784xf32, #tpu.memory_space<vmem>>, vector<16xf32>,
    %add3A_195 = arith.constant 16 : i32
    %add3A_196 = arith.addi %parallel_loop3A_192, %add3A_195 : i32
    %sub3A_197 = arith.constant 1 : i32
    %sub3A_198 = arith.subi %add3A_196, %sub3A_197 : i32
    %jit3A_199 = arith.constant 16 : i32
    %div3A_200 = arith.divsi %sub3A_198, %jit3A_199 : i32
    %sign3A_201 = arith.constant 0 : i32
    %sign3A_202 = arith.cmpi sgt, %sub3A_198, %sign3A_201 : i32
    %sign3A_203 = arith.extui %sign3A_202 : i1 to i32
    %sign3A_204 = arith.constant 0 : i32
    %sign3A_205 = arith.cmpi slt, %sub3A_198, %sign3A_204 : i32
    %sign3A_206 = arith.extui %sign3A_205 : i1 to i32
    %sign3A_207 = arith.subi %sign3A_203, %sign3A_206 : i32
    %sign3A_208 = arith.constant 0 : i32
    %sign3A_209 = arith.cmpi sgt, %jit3A_199, %sign3A_208 : i32
    %sign3A_210 = arith.extui %sign3A_209 : i1 to i32
    %sign3A_211 = arith.constant 0 : i32
    %sign3A_212 = arith.cmpi slt, %jit3A_199, %sign3A_211 : i32
    %sign3A_213 = arith.extui %sign3A_212 : i1 to i32
    %sign3A_214 = arith.subi %sign3A_210, %sign3A_213 : i32
    %ne3A_215 = arith.cmpi ne, %sign3A_207, %sign3A_214 : i32
    %rem3A_216 = arith.remsi %sub3A_198, %jit3A_199 : i32
    %ne3A_217 = arith.constant 0 : i32
    %ne3A_218 = arith.cmpi ne, %rem3A_216, %ne3A_217 : i32
    %and3A_219 = arith.andi %ne3A_215, %ne3A_218 : i1
    %sub3A_220 = arith.constant 1 : i32
    %sub3A_221 = arith.subi %div3A_200, %sub3A_220 : i32
    %select_n3A_222 = arith.select %and3A_219, %sub3A_221, %div3A_200 : i32
    %dma_wait3A_223 = arith.constant 0 : i32
    %dma_wait3A_224 = tpu.memref_slice %arg3[%add3A_163, %dma_wait3A_223] : memref<128x32768xf32, #tpu.memory_space<hbm>> -> memref<1x32768xf32, #tpu.memory_space<hbm>>
    %dma_wait3A_225 = tpu.memref_squeeze %dma_wait3A_224 : memref<1x32768xf32, #tpu.memory_space<hbm>> -> memref<32768xf32, #tpu.memory_space<hbm>>
    %dma_wait3A_226 = arith.constant 0 : i32
    %dma_wait3A_227 = tpu.memref_slice %arg3[%add3A_163, %dma_wait3A_226] : memref<128x32768xf32, #tpu.memory_space<hbm>> -> memref<1x32768xf32, #tpu.memory_space<hbm>>
    %dma_wait3A_228 = tpu.memref_squeeze %dma_wait3A_227 : memref<1x32768xf32, #tpu.memory_space<hbm>> -> memref<32768xf32, #tpu.memory_space<hbm>>
    tpu.wait_dma2 semaphore(%arg10 : memref<!tpu.dma_semaphore, #tpu.memory_space<semaphore_mem>>) src(%arg5 : memref<32768xf32, #tpu.memory_space<vmem>>) dst(%dma_wait3A_228 : memref<32768xf32, #tpu.memory_space<hbm>>)
    %add3A_229 = arith.constant 2 : i32
    %add3A_230 = arith.addi %mul3A_2, %add3A_229 : i32
    %add3A_231 = arith.constant 1 : i32
    %add3A_232 = arith.addi %add3A_230, %add3A_231 : i32
    %dma_start3A_233 = arith.constant 0 : i32
    %dma_start3A_234 = tpu.memref_slice %arg2[%add3A_232, %dma_start3A_233] : memref<128x32768xf32, #tpu.memory_space<hbm>> -> memref<1x32768xf32, #tpu.memory_space<hbm>>
    %dma_start3A_235 = tpu.memref_squeeze %dma_start3A_234 : memref<1x32768xf32, #tpu.memory_space<hbm>> -> memref<32768xf32, #tpu.memory_space<hbm>>
    %dma_start3A_236 = arith.constant 0 : i32
    %dma_start3A_237 = tpu.memref_slice %arg2[%add3A_232, %dma_start3A_236] : memref<128x32768xf32, #tpu.memory_space<hbm>> -> memref<1x32768xf32, #tpu.memory_space<hbm>>
    %dma_start3A_238 = tpu.memref_squeeze %dma_start3A_237 : memref<1x32768xf32, #tpu.memory_space<hbm>> -> memref<32768xf32, #tpu.memory_space<hbm>>
    tpu.enqueue_dma source(%dma_start3A_238 : memref<32768xf32, #tpu.memory_space<hbm>>) target(%arg5 : memref<32768xf32, #tpu.memory_space<vmem>>) target_semaphore(%arg8 : memref<!tpu.dma_semaphore, #tpu.memory_space<semaphore_mem>>)
    %broadcast_in_dim3A_239 = arith.constant -1.000000e+00 : f32
    %broadcast_in_dim3A_240 = vector.broadcast %broadcast_in_dim3A_239 : f32 to vector<16xf32>
    %while3A_241 = arith.constant 0 : i32
    %while3A_242 = arith.constant 1.000000e+00 : f32
    %while3A_243:3 = scf.while (%while3A_344 = %while3A_241, %while3A_345 = %broadcast_in_dim3A_240, %while3A_346 = %while3A_242) : (i32, vector<16xf32>, f32) -> (i32, vector<16xf32>, f32) {
      %lt3A = arith.constant 24 : i32
      %lt3A_347 = arith.cmpi slt, %while3A_344, %lt3A : i32
      %gt3A = arith.constant 1.000000e-07 : f32
      %gt3A_348 = arith.cmpf ogt, %while3A_346, %gt3A : f32
      %and3A_349 = arith.andi %lt3A_347, %gt3A_348 : i1
      scf.condition(%and3A_349) %while3A_344, %while3A_345, %while3A_346 : i32, vector<16xf32>, f32
    } do {
    ^bb0(%while3A_344: i32, %while3A_345: vector<16xf32>, %while3A_346: f32):
      %mul3A_347 = arith.constant 2.000000e+00 : f32
      %mul3A_348 = vector.broadcast %mul3A_347 : f32 to vector<16xf32>
      %mul3A_349 = arith.mulf %mul3A_348, %while3A_345 : vector<16xf32>
      %add3A_350 = arith.addf %broadcast_in_dim3A_184, %mul3A_349 : vector<16xf32>
      %mul3A_351 = arith.constant 16 : i32
      %mul3A_352 = arith.muli %select_n3A_222, %mul3A_351 : i32
      %parallel_loop3A_353 = arith.constant 0 : i32
      %parallel_loop3A_354 = arith.constant 16 : i32
      %parallel_loop3A_355:2 = scf.for %parallel_loop3A_377 = %parallel_loop3A_353 to %mul3A_352 step %parallel_loop3A_354 iter_args(%parallel_loop3A_378 = %broadcast_in_dim3A_3, %parallel_loop3A_379 = %broadcast_in_dim3A_3) -> (vector<16xf32>, vector<16xf32>)  : i32 {
        %parallel_loop3A_380 = arith.index_cast %parallel_loop3A_377 : i32 to index
        %parallel_loop3A_381 = tpu.vector_load %arg6[%parallel_loop3A_380] {strides = array<i32>} : memref<32784xf32, #tpu.memory_space<vmem>>, vector<16xf32>,
        %parallel_loop3A_382 = arith.subf %parallel_loop3A_381, %add3A_350 : vector<16xf32>
        %parallel_loop3A_383 = arith.constant 0.000000e+00 : f32
        %parallel_loop3A_384 = vector.broadcast %parallel_loop3A_383 : f32 to vector<16xf32>
        %parallel_loop3A_385 = arith.maximumf %parallel_loop3A_382, %parallel_loop3A_384 : vector<16xf32>
        %parallel_loop3A_386 = arith.addf %parallel_loop3A_378, %parallel_loop3A_385 : vector<16xf32>
        %parallel_loop3A_387 = arith.mulf %parallel_loop3A_385, %parallel_loop3A_385 : vector<16xf32>
        %parallel_loop3A_388 = arith.addf %parallel_loop3A_379, %parallel_loop3A_387 : vector<16xf32>
        scf.yield %parallel_loop3A_386, %parallel_loop3A_388 : vector<16xf32>, vector<16xf32>
      } {sc.loop_unroll_factor = 4 : i64, sc.parallel_access}
      %reduce_sum3A = arith.constant true
      %reduce_sum3A_356 = vector.broadcast %reduce_sum3A : i1 to vector<16xi1>
      %reduce_sum3A_357 = tpu.scan <sum>, %parallel_loop3A_355#0 masked %reduce_sum3A_356 : vector<16xf32>, vector<16xi1> -> vector<16xf32>
      %reduce_sum3A_358 = vector.extract %reduce_sum3A_357[15] : f32 from vector<16xf32>
      %broadcast_in_dim3A_359 = vector.broadcast %reduce_sum3A_358 : f32 to vector<16xf32>
      %reduce_sum3A_360 = arith.constant true
      %reduce_sum3A_361 = vector.broadcast %reduce_sum3A_360 : i1 to vector<16xi1>
      %reduce_sum3A_362 = tpu.scan <sum>, %parallel_loop3A_355#1 masked %reduce_sum3A_361 : vector<16xf32>, vector<16xi1> -> vector<16xf32>
      %reduce_sum3A_363 = vector.extract %reduce_sum3A_362[15] : f32 from vector<16xf32>
      %broadcast_in_dim3A_364 = vector.broadcast %reduce_sum3A_363 : f32 to vector<16xf32>
      %mul3A_365 = arith.constant 2.500000e-01 : f32
      %mul3A_366 = vector.broadcast %mul3A_365 : f32 to vector<16xf32>
      %mul3A_367 = arith.mulf %mul3A_366, %broadcast_in_dim3A_364 : vector<16xf32>
      %sub3A_368 = arith.constant 1.000000e+00 : f32
      %sub3A_369 = vector.broadcast %sub3A_368 : f32 to vector<16xf32>
      %sub3A_370 = arith.subf %mul3A_367, %sub3A_369 : vector<16xf32>
      %max3A = arith.constant 1.000000e-30 : f32
      %max3A_371 = vector.broadcast %max3A : f32 to vector<16xf32>
      %max3A_372 = arith.maximumf %broadcast_in_dim3A_359, %max3A_371 : vector<16xf32>
      %div3A_373 = arith.divf %sub3A_370, %max3A_372 : vector<16xf32>
      %add3A_374 = arith.constant 1 : i32
      %add3A_375 = arith.addi %while3A_344, %add3A_374 : i32
      %add3A_376 = arith.addf %while3A_345, %div3A_373 : vector<16xf32>
      %slice3A = vector.extract_strided_slice %div3A_373 {offsets = [0], sizes = [1], strides = [1]} : vector<16xf32> to vector<1xf32>
      %squeeze3A = vector.extract %slice3A[0] : f32 from vector<1xf32>
      scf.yield %add3A_375, %add3A_376, %squeeze3A : i32, vector<16xf32>, f32
    }
    %mul3A_244 = arith.constant 2.000000e+00 : f32
    %mul3A_245 = vector.broadcast %mul3A_244 : f32 to vector<16xf32>
    %mul3A_246 = arith.mulf %mul3A_245, %while3A_243#1 : vector<16xf32>
    %add3A_247 = arith.addf %broadcast_in_dim3A_184, %mul3A_246 : vector<16xf32>
    %parallel_loop3A_248 = arith.constant 0 : i32
    %parallel_loop3A_249 = arith.constant 32768 : i32
    %parallel_loop3A_250 = arith.constant 16 : i32
    scf.for %parallel_loop3A_344 = %parallel_loop3A_248 to %parallel_loop3A_249 step %parallel_loop3A_250  : i32 {
      %parallel_loop3A_345 = arith.index_cast %parallel_loop3A_344 : i32 to index
      %parallel_loop3A_346 = tpu.vector_load %arg4[%parallel_loop3A_345] {strides = array<i32>} : memref<32768xf32, #tpu.memory_space<vmem>>, vector<16xf32>,
      %parallel_loop3A_347 = arith.subf %parallel_loop3A_346, %add3A_247 : vector<16xf32>
      %parallel_loop3A_348 = arith.constant 0.000000e+00 : f32
      %parallel_loop3A_349 = vector.broadcast %parallel_loop3A_348 : f32 to vector<16xf32>
      %parallel_loop3A_350 = arith.maximumf %parallel_loop3A_347, %parallel_loop3A_349 : vector<16xf32>
      %parallel_loop3A_351 = arith.constant 5.000000e-01 : f32
      %parallel_loop3A_352 = vector.broadcast %parallel_loop3A_351 : f32 to vector<16xf32>
      %parallel_loop3A_353 = arith.mulf %parallel_loop3A_350, %parallel_loop3A_352 : vector<16xf32>
      %parallel_loop3A_354 = arith.mulf %parallel_loop3A_353, %parallel_loop3A_353 : vector<16xf32>
      %parallel_loop3A_355 = arith.index_cast %parallel_loop3A_344 : i32 to index
      %parallel_loop3A_356 = tpu.vector_load %arg4[%parallel_loop3A_355] {strides = array<i32>} : memref<32768xf32, #tpu.memory_space<vmem>>, vector<16xf32>,
      tpu.vector_store %arg4[%parallel_loop3A_355], %parallel_loop3A_354 {strides = array<i32>} : memref<32768xf32, #tpu.memory_space<vmem>>, vector<16xf32>,
    } {sc.loop_unroll_factor = 16 : i64, sc.parallel_access}
    %add3A_251 = arith.constant 2 : i32
    %add3A_252 = arith.addi %mul3A_2, %add3A_251 : i32
    %dma_start3A_253 = arith.constant 0 : i32
    %dma_start3A_254 = tpu.memref_slice %arg3[%add3A_252, %dma_start3A_253] : memref<128x32768xf32, #tpu.memory_space<hbm>> -> memref<1x32768xf32, #tpu.memory_space<hbm>>
    %dma_start3A_255 = tpu.memref_squeeze %dma_start3A_254 : memref<1x32768xf32, #tpu.memory_space<hbm>> -> memref<32768xf32, #tpu.memory_space<hbm>>
    %dma_start3A_256 = arith.constant 0 : i32
    %dma_start3A_257 = tpu.memref_slice %arg3[%add3A_252, %dma_start3A_256] : memref<128x32768xf32, #tpu.memory_space<hbm>> -> memref<1x32768xf32, #tpu.memory_space<hbm>>
    %dma_start3A_258 = tpu.memref_squeeze %dma_start3A_257 : memref<1x32768xf32, #tpu.memory_space<hbm>> -> memref<32768xf32, #tpu.memory_space<hbm>>
    tpu.enqueue_dma source(%arg4 : memref<32768xf32, #tpu.memory_space<vmem>>) target(%dma_start3A_258 : memref<32768xf32, #tpu.memory_space<hbm>>) target_semaphore(%arg9 : memref<!tpu.dma_semaphore, #tpu.memory_space<semaphore_mem>>)
    %dma_wait3A_259 = arith.constant 0 : i32
    %dma_wait3A_260 = tpu.memref_slice %arg2[%add3A_232, %dma_wait3A_259] : memref<128x32768xf32, #tpu.memory_space<hbm>> -> memref<1x32768xf32, #tpu.memory_space<hbm>>
    %dma_wait3A_261 = tpu.memref_squeeze %dma_wait3A_260 : memref<1x32768xf32, #tpu.memory_space<hbm>> -> memref<32768xf32, #tpu.memory_space<hbm>>
    %dma_wait3A_262 = arith.constant 0 : i32
    %dma_wait3A_263 = tpu.memref_slice %arg2[%add3A_232, %dma_wait3A_262] : memref<128x32768xf32, #tpu.memory_space<hbm>> -> memref<1x32768xf32, #tpu.memory_space<hbm>>
    %dma_wait3A_264 = tpu.memref_squeeze %dma_wait3A_263 : memref<1x32768xf32, #tpu.memory_space<hbm>> -> memref<32768xf32, #tpu.memory_space<hbm>>
    tpu.wait_dma2 semaphore(%arg8 : memref<!tpu.dma_semaphore, #tpu.memory_space<semaphore_mem>>) src(%dma_wait3A_264 : memref<32768xf32, #tpu.memory_space<hbm>>) dst(%arg5 : memref<32768xf32, #tpu.memory_space<vmem>>)
    %parallel_loop3A_265 = arith.constant 0 : i32
    %parallel_loop3A_266 = arith.constant 32768 : i32
    %parallel_loop3A_267 = arith.constant 16 : i32
    %parallel_loop3A_268 = scf.for %parallel_loop3A_344 = %parallel_loop3A_265 to %parallel_loop3A_266 step %parallel_loop3A_267 iter_args(%parallel_loop3A_345 = %broadcast_in_dim3A_5) -> (vector<16xf32>)  : i32 {
      %parallel_loop3A_346 = arith.index_cast %parallel_loop3A_344 : i32 to index
      %parallel_loop3A_347 = tpu.vector_load %arg5[%parallel_loop3A_346] {strides = array<i32>} : memref<32768xf32, #tpu.memory_space<vmem>>, vector<16xf32>,
      %parallel_loop3A_348 = arith.maximumf %parallel_loop3A_345, %parallel_loop3A_347 : vector<16xf32>
      scf.yield %parallel_loop3A_348 : vector<16xf32>
    } {sc.loop_unroll_factor = 16 : i64, sc.parallel_access}
    %reduce_max3A_269 = arith.constant true
    %reduce_max3A_270 = vector.broadcast %reduce_max3A_269 : i1 to vector<16xi1>
    %reduce_max3A_271 = tpu.scan <max>, %parallel_loop3A_268 masked %reduce_max3A_270 : vector<16xf32>, vector<16xi1> -> vector<16xf32>
    %reduce_max3A_272 = vector.extract %reduce_max3A_271[15] : f32 from vector<16xf32>
    %broadcast_in_dim3A_273 = vector.broadcast %reduce_max3A_272 : f32 to vector<16xf32>
    %sub3A_274 = arith.constant 2.000000e+00 : f32
    %sub3A_275 = vector.broadcast %sub3A_274 : f32 to vector<16xf32>
    %sub3A_276 = arith.subf %broadcast_in_dim3A_273, %sub3A_275 : vector<16xf32>
    %parallel_loop3A_277 = arith.constant 0 : i32
    %parallel_loop3A_278 = arith.constant 32768 : i32
    %parallel_loop3A_279 = arith.constant 16 : i32
    %parallel_loop3A_280 = arith.constant 0 : i32
    %parallel_loop3A_281 = scf.for %parallel_loop3A_344 = %parallel_loop3A_277 to %parallel_loop3A_278 step %parallel_loop3A_279 iter_args(%parallel_loop3A_345 = %parallel_loop3A_280) -> (i32)  : i32 {
      %parallel_loop3A_346 = arith.index_cast %parallel_loop3A_344 : i32 to index
      %parallel_loop3A_347 = tpu.vector_load %arg5[%parallel_loop3A_346] {strides = array<i32>} : memref<32768xf32, #tpu.memory_space<vmem>>, vector<16xf32>,
      %parallel_loop3A_348 = arith.cmpf ogt, %parallel_loop3A_347, %sub3A_276 : vector<16xf32>
      %parallel_loop3A_349 = arith.index_cast %parallel_loop3A_345 : i32 to index
      %parallel_loop3A_350 = tpu.vector_load %arg6[%parallel_loop3A_349] masked %parallel_loop3A_348 {strides = array<i32>} : memref<32784xf32, #tpu.memory_space<vmem>>, vector<16xf32>, vector<16xi1>
      tpu.vector_store %arg6[%parallel_loop3A_349], %parallel_loop3A_347 masked %parallel_loop3A_348 {strides = array<i32>} : memref<32784xf32, #tpu.memory_space<vmem>>, vector<16xf32>, vector<16xi1>
      %parallel_loop3A_351 = tpu.all_reduce %parallel_loop3A_348 {dim = 0 : i64, kind = #tpu.reduction_kind<sum>} : vector<16xi1> -> vector<16xi32>
      %parallel_loop3A_352 = vector.extract_strided_slice %parallel_loop3A_351 {offsets = [0], sizes = [1], strides = [1]} : vector<16xi32> to vector<1xi32>
      %parallel_loop3A_353 = vector.extract %parallel_loop3A_352[0] : i32 from vector<1xi32>
      %parallel_loop3A_354 = arith.addi %parallel_loop3A_345, %parallel_loop3A_353 : i32
      scf.yield %parallel_loop3A_354 : i32
    } {sc.loop_unroll_factor = 16 : i64, sc.parallel_access}
    %swap3A_282 = arith.index_cast %parallel_loop3A_281 : i32 to index
    %swap3A_283 = tpu.vector_load %arg6[%swap3A_282] {strides = array<i32>} : memref<32784xf32, #tpu.memory_space<vmem>>, vector<16xf32>,
    tpu.vector_store %arg6[%swap3A_282], %broadcast_in_dim3A_5 {strides = array<i32>} : memref<32784xf32, #tpu.memory_space<vmem>>, vector<16xf32>,
    %add3A_284 = arith.constant 16 : i32
    %add3A_285 = arith.addi %parallel_loop3A_281, %add3A_284 : i32
    %sub3A_286 = arith.constant 1 : i32
    %sub3A_287 = arith.subi %add3A_285, %sub3A_286 : i32
    %jit3A_288 = arith.constant 16 : i32
    %div3A_289 = arith.divsi %sub3A_287, %jit3A_288 : i32
    %sign3A_290 = arith.constant 0 : i32
    %sign3A_291 = arith.cmpi sgt, %sub3A_287, %sign3A_290 : i32
    %sign3A_292 = arith.extui %sign3A_291 : i1 to i32
    %sign3A_293 = arith.constant 0 : i32
    %sign3A_294 = arith.cmpi slt, %sub3A_287, %sign3A_293 : i32
    %sign3A_295 = arith.extui %sign3A_294 : i1 to i32
    %sign3A_296 = arith.subi %sign3A_292, %sign3A_295 : i32
    %sign3A_297 = arith.constant 0 : i32
    %sign3A_298 = arith.cmpi sgt, %jit3A_288, %sign3A_297 : i32
    %sign3A_299 = arith.extui %sign3A_298 : i1 to i32
    %sign3A_300 = arith.constant 0 : i32
    %sign3A_301 = arith.cmpi slt, %jit3A_288, %sign3A_300 : i32
    %sign3A_302 = arith.extui %sign3A_301 : i1 to i32
    %sign3A_303 = arith.subi %sign3A_299, %sign3A_302 : i32
    %ne3A_304 = arith.cmpi ne, %sign3A_296, %sign3A_303 : i32
    %rem3A_305 = arith.remsi %sub3A_287, %jit3A_288 : i32
    %ne3A_306 = arith.constant 0 : i32
    %ne3A_307 = arith.cmpi ne, %rem3A_305, %ne3A_306 : i32
    %and3A_308 = arith.andi %ne3A_304, %ne3A_307 : i1
    %sub3A_309 = arith.constant 1 : i32
    %sub3A_310 = arith.subi %div3A_289, %sub3A_309 : i32
    %select_n3A_311 = arith.select %and3A_308, %sub3A_310, %div3A_289 : i32
    %dma_wait3A_312 = arith.constant 0 : i32
    %dma_wait3A_313 = tpu.memref_slice %arg3[%add3A_252, %dma_wait3A_312] : memref<128x32768xf32, #tpu.memory_space<hbm>> -> memref<1x32768xf32, #tpu.memory_space<hbm>>
    %dma_wait3A_314 = tpu.memref_squeeze %dma_wait3A_313 : memref<1x32768xf32, #tpu.memory_space<hbm>> -> memref<32768xf32, #tpu.memory_space<hbm>>
    %dma_wait3A_315 = arith.constant 0 : i32
    %dma_wait3A_316 = tpu.memref_slice %arg3[%add3A_252, %dma_wait3A_315] : memref<128x32768xf32, #tpu.memory_space<hbm>> -> memref<1x32768xf32, #tpu.memory_space<hbm>>
    %dma_wait3A_317 = tpu.memref_squeeze %dma_wait3A_316 : memref<1x32768xf32, #tpu.memory_space<hbm>> -> memref<32768xf32, #tpu.memory_space<hbm>>
    tpu.wait_dma2 semaphore(%arg9 : memref<!tpu.dma_semaphore, #tpu.memory_space<semaphore_mem>>) src(%arg4 : memref<32768xf32, #tpu.memory_space<vmem>>) dst(%dma_wait3A_317 : memref<32768xf32, #tpu.memory_space<hbm>>)
    %broadcast_in_dim3A_318 = arith.constant -1.000000e+00 : f32
    %broadcast_in_dim3A_319 = vector.broadcast %broadcast_in_dim3A_318 : f32 to vector<16xf32>
    %while3A_320 = arith.constant 0 : i32
    %while3A_321 = arith.constant 1.000000e+00 : f32
    %while3A_322:3 = scf.while (%while3A_344 = %while3A_320, %while3A_345 = %broadcast_in_dim3A_319, %while3A_346 = %while3A_321) : (i32, vector<16xf32>, f32) -> (i32, vector<16xf32>, f32) {
      %lt3A = arith.constant 24 : i32
      %lt3A_347 = arith.cmpi slt, %while3A_344, %lt3A : i32
      %gt3A = arith.constant 1.000000e-07 : f32
      %gt3A_348 = arith.cmpf ogt, %while3A_346, %gt3A : f32
      %and3A_349 = arith.andi %lt3A_347, %gt3A_348 : i1
      scf.condition(%and3A_349) %while3A_344, %while3A_345, %while3A_346 : i32, vector<16xf32>, f32
    } do {
    ^bb0(%while3A_344: i32, %while3A_345: vector<16xf32>, %while3A_346: f32):
      %mul3A_347 = arith.constant 2.000000e+00 : f32
      %mul3A_348 = vector.broadcast %mul3A_347 : f32 to vector<16xf32>
      %mul3A_349 = arith.mulf %mul3A_348, %while3A_345 : vector<16xf32>
      %add3A_350 = arith.addf %broadcast_in_dim3A_273, %mul3A_349 : vector<16xf32>
      %mul3A_351 = arith.constant 16 : i32
      %mul3A_352 = arith.muli %select_n3A_311, %mul3A_351 : i32
      %parallel_loop3A_353 = arith.constant 0 : i32
      %parallel_loop3A_354 = arith.constant 16 : i32
      %parallel_loop3A_355:2 = scf.for %parallel_loop3A_377 = %parallel_loop3A_353 to %mul3A_352 step %parallel_loop3A_354 iter_args(%parallel_loop3A_378 = %broadcast_in_dim3A_3, %parallel_loop3A_379 = %broadcast_in_dim3A_3) -> (vector<16xf32>, vector<16xf32>)  : i32 {
        %parallel_loop3A_380 = arith.index_cast %parallel_loop3A_377 : i32 to index
        %parallel_loop3A_381 = tpu.vector_load %arg6[%parallel_loop3A_380] {strides = array<i32>} : memref<32784xf32, #tpu.memory_space<vmem>>, vector<16xf32>,
        %parallel_loop3A_382 = arith.subf %parallel_loop3A_381, %add3A_350 : vector<16xf32>
        %parallel_loop3A_383 = arith.constant 0.000000e+00 : f32
        %parallel_loop3A_384 = vector.broadcast %parallel_loop3A_383 : f32 to vector<16xf32>
        %parallel_loop3A_385 = arith.maximumf %parallel_loop3A_382, %parallel_loop3A_384 : vector<16xf32>
        %parallel_loop3A_386 = arith.addf %parallel_loop3A_378, %parallel_loop3A_385 : vector<16xf32>
        %parallel_loop3A_387 = arith.mulf %parallel_loop3A_385, %parallel_loop3A_385 : vector<16xf32>
        %parallel_loop3A_388 = arith.addf %parallel_loop3A_379, %parallel_loop3A_387 : vector<16xf32>
        scf.yield %parallel_loop3A_386, %parallel_loop3A_388 : vector<16xf32>, vector<16xf32>
      } {sc.loop_unroll_factor = 4 : i64, sc.parallel_access}
      %reduce_sum3A = arith.constant true
      %reduce_sum3A_356 = vector.broadcast %reduce_sum3A : i1 to vector<16xi1>
      %reduce_sum3A_357 = tpu.scan <sum>, %parallel_loop3A_355#0 masked %reduce_sum3A_356 : vector<16xf32>, vector<16xi1> -> vector<16xf32>
      %reduce_sum3A_358 = vector.extract %reduce_sum3A_357[15] : f32 from vector<16xf32>
      %broadcast_in_dim3A_359 = vector.broadcast %reduce_sum3A_358 : f32 to vector<16xf32>
      %reduce_sum3A_360 = arith.constant true
      %reduce_sum3A_361 = vector.broadcast %reduce_sum3A_360 : i1 to vector<16xi1>
      %reduce_sum3A_362 = tpu.scan <sum>, %parallel_loop3A_355#1 masked %reduce_sum3A_361 : vector<16xf32>, vector<16xi1> -> vector<16xf32>
      %reduce_sum3A_363 = vector.extract %reduce_sum3A_362[15] : f32 from vector<16xf32>
      %broadcast_in_dim3A_364 = vector.broadcast %reduce_sum3A_363 : f32 to vector<16xf32>
      %mul3A_365 = arith.constant 2.500000e-01 : f32
      %mul3A_366 = vector.broadcast %mul3A_365 : f32 to vector<16xf32>
      %mul3A_367 = arith.mulf %mul3A_366, %broadcast_in_dim3A_364 : vector<16xf32>
      %sub3A_368 = arith.constant 1.000000e+00 : f32
      %sub3A_369 = vector.broadcast %sub3A_368 : f32 to vector<16xf32>
      %sub3A_370 = arith.subf %mul3A_367, %sub3A_369 : vector<16xf32>
      %max3A = arith.constant 1.000000e-30 : f32
      %max3A_371 = vector.broadcast %max3A : f32 to vector<16xf32>
      %max3A_372 = arith.maximumf %broadcast_in_dim3A_359, %max3A_371 : vector<16xf32>
      %div3A_373 = arith.divf %sub3A_370, %max3A_372 : vector<16xf32>
      %add3A_374 = arith.constant 1 : i32
      %add3A_375 = arith.addi %while3A_344, %add3A_374 : i32
      %add3A_376 = arith.addf %while3A_345, %div3A_373 : vector<16xf32>
      %slice3A = vector.extract_strided_slice %div3A_373 {offsets = [0], sizes = [1], strides = [1]} : vector<16xf32> to vector<1xf32>
      %squeeze3A = vector.extract %slice3A[0] : f32 from vector<1xf32>
      scf.yield %add3A_375, %add3A_376, %squeeze3A : i32, vector<16xf32>, f32
    }
    %mul3A_323 = arith.constant 2.000000e+00 : f32
    %mul3A_324 = vector.broadcast %mul3A_323 : f32 to vector<16xf32>
    %mul3A_325 = arith.mulf %mul3A_324, %while3A_322#1 : vector<16xf32>
    %add3A_326 = arith.addf %broadcast_in_dim3A_273, %mul3A_325 : vector<16xf32>
    %parallel_loop3A_327 = arith.constant 0 : i32
    %parallel_loop3A_328 = arith.constant 32768 : i32
    %parallel_loop3A_329 = arith.constant 16 : i32
    scf.for %parallel_loop3A_344 = %parallel_loop3A_327 to %parallel_loop3A_328 step %parallel_loop3A_329  : i32 {
      %parallel_loop3A_345 = arith.index_cast %parallel_loop3A_344 : i32 to index
      %parallel_loop3A_346 = tpu.vector_load %arg5[%parallel_loop3A_345] {strides = array<i32>} : memref<32768xf32, #tpu.memory_space<vmem>>, vector<16xf32>,
      %parallel_loop3A_347 = arith.subf %parallel_loop3A_346, %add3A_326 : vector<16xf32>
      %parallel_loop3A_348 = arith.constant 0.000000e+00 : f32
      %parallel_loop3A_349 = vector.broadcast %parallel_loop3A_348 : f32 to vector<16xf32>
      %parallel_loop3A_350 = arith.maximumf %parallel_loop3A_347, %parallel_loop3A_349 : vector<16xf32>
      %parallel_loop3A_351 = arith.constant 5.000000e-01 : f32
      %parallel_loop3A_352 = vector.broadcast %parallel_loop3A_351 : f32 to vector<16xf32>
      %parallel_loop3A_353 = arith.mulf %parallel_loop3A_350, %parallel_loop3A_352 : vector<16xf32>
      %parallel_loop3A_354 = arith.mulf %parallel_loop3A_353, %parallel_loop3A_353 : vector<16xf32>
      %parallel_loop3A_355 = arith.index_cast %parallel_loop3A_344 : i32 to index
      %parallel_loop3A_356 = tpu.vector_load %arg5[%parallel_loop3A_355] {strides = array<i32>} : memref<32768xf32, #tpu.memory_space<vmem>>, vector<16xf32>,
      tpu.vector_store %arg5[%parallel_loop3A_355], %parallel_loop3A_354 {strides = array<i32>} : memref<32768xf32, #tpu.memory_space<vmem>>, vector<16xf32>,
    } {sc.loop_unroll_factor = 16 : i64, sc.parallel_access}
    %add3A_330 = arith.constant 3 : i32
    %add3A_331 = arith.addi %mul3A_2, %add3A_330 : i32
    %dma_start3A_332 = arith.constant 0 : i32
    %dma_start3A_333 = tpu.memref_slice %arg3[%add3A_331, %dma_start3A_332] : memref<128x32768xf32, #tpu.memory_space<hbm>> -> memref<1x32768xf32, #tpu.memory_space<hbm>>
    %dma_start3A_334 = tpu.memref_squeeze %dma_start3A_333 : memref<1x32768xf32, #tpu.memory_space<hbm>> -> memref<32768xf32, #tpu.memory_space<hbm>>
    %dma_start3A_335 = arith.constant 0 : i32
    %dma_start3A_336 = tpu.memref_slice %arg3[%add3A_331, %dma_start3A_335] : memref<128x32768xf32, #tpu.memory_space<hbm>> -> memref<1x32768xf32, #tpu.memory_space<hbm>>
    %dma_start3A_337 = tpu.memref_squeeze %dma_start3A_336 : memref<1x32768xf32, #tpu.memory_space<hbm>> -> memref<32768xf32, #tpu.memory_space<hbm>>
    tpu.enqueue_dma source(%arg5 : memref<32768xf32, #tpu.memory_space<vmem>>) target(%dma_start3A_337 : memref<32768xf32, #tpu.memory_space<hbm>>) target_semaphore(%arg10 : memref<!tpu.dma_semaphore, #tpu.memory_space<semaphore_mem>>)
    %dma_wait3A_338 = arith.constant 0 : i32
    %dma_wait3A_339 = tpu.memref_slice %arg3[%add3A_331, %dma_wait3A_338] : memref<128x32768xf32, #tpu.memory_space<hbm>> -> memref<1x32768xf32, #tpu.memory_space<hbm>>
    %dma_wait3A_340 = tpu.memref_squeeze %dma_wait3A_339 : memref<1x32768xf32, #tpu.memory_space<hbm>> -> memref<32768xf32, #tpu.memory_space<hbm>>
    %dma_wait3A_341 = arith.constant 0 : i32
    %dma_wait3A_342 = tpu.memref_slice %arg3[%add3A_331, %dma_wait3A_341] : memref<128x32768xf32, #tpu.memory_space<hbm>> -> memref<1x32768xf32, #tpu.memory_space<hbm>>
    %dma_wait3A_343 = tpu.memref_squeeze %dma_wait3A_342 : memref<1x32768xf32, #tpu.memory_space<hbm>> -> memref<32768xf32, #tpu.memory_space<hbm>>
    tpu.wait_dma2 semaphore(%arg10 : memref<!tpu.dma_semaphore, #tpu.memory_space<semaphore_mem>>) src(%arg5 : memref<32768xf32, #tpu.memory_space<vmem>>) dst(%dma_wait3A_343 : memref<32768xf32, #tpu.memory_space<hbm>>)
    return
  }
}

</mosaic_0001>

<sc_bundles>
// kernel: kernel.3.cloned.1.call-start
scs
__scs_entry_jumppad:
0x0: {  	(pc) =	sbr.rel $0x88, $3  }
0x1: {  	(tag) =	ssettag $0x0;
	lr =	simm.s32 $0x1  }
0x2: {  	[smem:$0x3FA0] =	sst lr;
	_ =	strace $0xD0000000  }
0x3: {  	_ = 	snop  }
0x4: {  	_ = 	snop  }
0x5: {  	_ = 	snop  }
0x6: {  	_ = 	snop  }
0x7: {  	_ = 	snop  }
__scs_overlays_trampoline_lowered:
0x8: {  	[smem:$0x3FAF] =	sst s0  }
0x9: {  	[smem:$0x3FB0] =	sst s1  }
0xa: {  	[smem:$0x3FB1] =	sst s2  }
0xb: {  	[smem:$0x3FB2] =	sst s3  }
0xc: {  	[smem:$0x3FB3] =	sst s4  }
0xd: {  	[smem:$0x3FB4] =	sst s5  }
0xe: {  	[smem:$0x3FB5] =	sst s6  }
0xf: {  	[smem:$0x3FB6] =	sst s7  }
0x10: {  	[smem:$0x3FB7] =	sst s8  }
0x11: {  	[smem:$0x3FB8] =	sst s9;
	s0 =	simm.s32 @!p0 $0x0  }
0x12: {  	s1 =	sld [smem:$0x3F9E];
	s0 =	simm.s32 @p0 $0x1  }
0x13: {  	[smem:$0x3FB9] =	sst s0;
	s0 =	simm.s32 @!p1 $0x0  }
0x14: {  	s2 =	sld [smem:$0x3F9D];
	s0 =	simm.s32 @p1 $0x1  }
0x15: {  	[smem:$0x3FBA] =	sst s0;
	s0 =	simm.s32 @!p2 $0x0  }
0x16: {  	s3 =	sld [smem:$0x3FDB];
	s0 =	simm.s32 @p2 $0x1  }
0x17: {  	s4 =	simm.s32 $0x1BF5;
	[smem:$0x3FBC] =	sst s0  }
0x18: {  	s0 =	sld [smem:$0x3F9F];
	_ =	swait.ge [sflag:s4], $0x0  }
0x19: {  	s7 =	sld [smem:$0x3FA0]  }
0x1a: {  	s8 =	sadd.s32 $0xFFFFE003, lr  }
0x1b: {  	s9 =	sadd.s32 $0xFFFFFEF7, lr;
	s5 =	simm.s32 $0xFFFFFFFF;
	p2 =	slt.u32 s8, $0xFFFFF086  }
0x1c: {  	p1 =	slt.u32 s9, $0xF7A;
	s5 =	simm.s32 @!p2 $0x0  }
0x1d: {  	s5 =	simm.s32 @p1 $0x1;
	p0 =	seq.s32 s7, s2  }
0x1e: {  	s7 =	smul.u32 @!p0 $0xF7A, s2;
	p2 =	seq.s32 @!p0 s5, $0x0  }
0x1f: {  	s9 =	smul.u32 $0xF7A, s1;
	s8 =	simm.s32 @!p0 $0x1BF5;
	p2 =	por !p2, p0  }
0x20: {  	[sflag:s8] =	ssyncset.s32 @!p0 $0xFFFFF086;
	s6 =	sadd.s32 @!p0 s3, s7;
	s7 =	simm.s32 @!p0 $0x108  }
0x21: {  	s3 =	sadd.s32 s3, s9;
	s6 =	sadd.s32 @!p0 $0x88, s6;
	s7 =	simm.s32 @p2 $0x1082  }
0x22: {  	[simem:s7], [sflag:s8] =	dma.local @!p0 [hbm:s6], $0xF7A  }
0x23: {  	s9 =	sor.u32 $0xD0000000, s2;
	s6 =	simm.s32 $0x108;
	_ =	swait.ge @!p0 [sflag:s8], $0x0  }
0x24: {  	s3 =	sadd.s32 $0x88, s3;
	s6 =	simm.s32 @!p1 $0x1082;
	[sflag:s4] =	ssyncset.s32 $0xFFFFF086  }
0x25: {  	[simem:s6], [sflag:s4] =	dma.local [hbm:s3], $0xF7A  }
0x26: {  	[smem:$0x3FA0] =	sst s1;
	(tag) =	ssettag s2;
	_ =	strace s9  }
0x27: {  	s1 =	sld [smem:$0x3FB0]  }
0x28: {  	s2 =	sld [smem:$0x3FB1]  }
0x29: {  	s4 =	sld [smem:$0x3FB3]  }
0x2a: {  	p0 =	seq.s32 s5, $0x0;
	s5 =	sld [smem:$0x3FB4]  }
0x2b: {  	s6 =	sld [smem:$0x3FB5]  }
0x2c: {  	s7 =	sld [smem:$0x3FB6]  }
0x2d: {  	s3 =	simm.s32 $0x108;
	s8 =	sld [smem:$0x3FB7]  }
0x2e: {  	s3 =	simm.s32 @!p0 $0x1082;
	s9 =	sld [smem:$0x3FB8]  }
0x2f: {  	lr =	sadd.s32 s0, s3;
	s0 =	sld [smem:$0x3FAF]  }
0x30: {  	s3 =	sld [smem:$0x3FB2]  }
0x31: {  	[smem:$0x3FBB] =	sst s10  }
0x32: {  	s10 =	sld [smem:$0x3FB9];
	_ =	sdelay $0x3  }
0x33: {  	p0 =	seq.s32 s10, $0x1;
	s10 =	sld [smem:$0x3FBB];
	_ =	sdelay $0x3  }
0x34: {  	[smem:$0x3FBB] =	sst s10  }
0x35: {  	s10 =	sld [smem:$0x3FBA];
	_ =	sdelay $0x3  }
0x36: {  	p1 =	seq.s32 s10, $0x1;
	s10 =	sld [smem:$0x3FBB];
	_ =	sdelay $0x3  }
0x37: {  	[smem:$0x3FBB] =	sst s10  }
0x38: {  	s10 =	sld [smem:$0x3FBC]  }
0x39: {  	_ = 	snop;
	(pc) =	sbr.ind lr, $3  }
0x3a: {  	_ = 	snop  }
0x3b: {  	_ = 	snop  }
0x3c: {  	p2 =	seq.s32 s10, $0x1;
	s10 =	sld [smem:$0x3FBB]  }
0x3d: {  	_ =	shalt  }
0x3e: {  	_ =	shalt  }
0x3f: {  	_ =	shalt  }
0x40: {  	_ =	shalt  }
0x41: {  	_ =	shalt  }
0x42: {  	_ =	shalt  }
0x43: {  	_ =	shalt  }
0x44: {  	_ =	shalt  }
0x45: {  	_ =	shalt  }
0x46: {  	_ =	shalt  }
0x47: {  	_ =	shalt  }
0x48: {  	_ =	shalt  }
0x49: {  	_ =	shalt  }
0x4a: {  	_ =	shalt  }
0x4b: {  	_ =	shalt  }
0x4c: {  	_ =	shalt  }
0x4d: {  	_ =	shalt  }
0x4e: {  	_ =	shalt  }
0x4f: {  	_ =	shalt  }
0x50: {  	_ =	shalt  }
0x51: {  	_ =	shalt  }
0x52: {  	_ =	shalt  }
0x53: {  	_ =	shalt  }
0x54: {  	_ =	shalt  }
0x55: {  	_ =	shalt  }
0x56: {  	_ =	shalt  }
0x57: {  	_ =	shalt  }
0x58: {  	_ =	shalt  }
0x59: {  	_ =	shalt  }
0x5a: {  	_ =	shalt  }
0x5b: {  	_ =	shalt  }
0x5c: {  	_ =	shalt  }
0x5d: {  	_ =	shalt  }
0x5e: {  	_ =	shalt  }
0x5f: {  	_ =	shalt  }
0x60: {  	_ =	shalt  }
0x61: {  	_ =	shalt  }
0x62: {  	_ =	shalt  }
0x63: {  	_ =	shalt  }
0x64: {  	_ =	shalt  }
0x65: {  	_ =	shalt  }
0x66: {  	_ =	shalt  }
0x67: {  	_ =	shalt  }
0x68: {  	_ =	shalt  }
0x69: {  	_ =	shalt  }
0x6a: {  	_ =	shalt  }
0x6b: {  	_ =	shalt  }
0x6c: {  	_ =	shalt  }
0x6d: {  	_ =	shalt  }
0x6e: {  	_ =	shalt  }
0x6f: {  	_ =	shalt  }
0x70: {  	_ =	shalt  }
0x71: {  	_ =	shalt  }
0x72: {  	_ =	shalt  }
0x73: {  	_ =	shalt  }
0x74: {  	_ =	shalt  }
0x75: {  	_ =	shalt  }
0x76: {  	_ =	shalt  }
0x77: {  	_ =	shalt  }
0x78: {  	_ =	shalt  }
0x79: {  	_ =	shalt  }
0x7a: {  	_ =	shalt  }
0x7b: {  	_ =	shalt  }
0x7c: {  	_ =	shalt  }
0x7d: {  	_ =	shalt  }
0x7e: {  	_ =	shalt  }
0x7f: {  	_ =	shalt  }
0x80: {  	_ =	shalt  }
0x81: {  	_ =	shalt  }
0x82: {  	_ =	shalt  }
0x83: {  	_ =	shalt  }
0x84: {  	_ =	shalt  }
0x85: {  	_ =	shalt  }
0x86: {  	_ =	shalt  }
0x87: {  	_ =	shalt  }
.Lfunc_end0:
.L_simem_size_0:
called_computation_lowered:
.L_overlay_start_0:
0x88: {  	s2 =	sld [smem:$0x3FD9]  }
0x89: {  	s3 =	sld [smem:$0x3FFE];
	_ =	sdelay $0x1  }
0x8a: {  	s1 =	srdreg.scid  }
0x8b: {  	s0 =	sand.u32 $0x1, s1  }
0x8c: {  	s18 =	sshll.u32 s0, $0xA;
	s2 =	sadd.s32 s3, s2  }
0x8d: {  	s2 =	sadd.s32 s2, s18  }
0x8e: {  	[smem:$0x3FC7] =	sst s2  }
0x8f: {  	_ = 	snop  }
0x90: {  	s2 =	sld [smem:$0x3FC9]  }
0x91: {  	s19 =	sld [smem:$0x3FD0];
	(tm) =	ssettm $0x1  }
0x92: {  	s4 =	sld [smem:$0x3FFB];
	_ =	sdelay $0x3  }
0x93: {  	_ =	strace s4  }
0x94: {  	s4 =	sld [smem:$0x3FFC];
	_ =	sdelay $0x3  }
0x95: {  	_ =	strace s4  }
0x96: {  	s4 =	sld [smem:$0x3FFD];
	_ =	sdelay $0x3  }
0x97: {  	_ =	strace s4  }
0x98: {  	_ =	strace $0x8FFFFFFF  }
0x99: {  	s20 =	sld [smem:$0x3FDB];
	_ =	sdelay $0x1  }
0x9a: {  	s5 =	simm.s32 $_scs_section_size  }
0x9b: {  	s6 =	simm.s32 $_size__tile_overlayer_lowered;
	s7 =	simm.s32 $_tile_overlayer_lowered  }
0x9c: {  	s23 =	simm.s32 $0x1BFF;
	s22 =	sshll.u32 s7, $0x1;
	s4 =	sadd.s32 s5, s20  }
0x9d: {  	s8 =	simm.s32 $0x0;
	s21 =	sshll.u32 s6, $0x1;
	s6 =	sadd.s32 s22, s4  }
0x9e: {  	[timem:s8], [sflag:s23] =	dma.local [hbm:s6], s21  }
0x9f: {  	_ =	swait.ge [sflag:s23], s21  }
0xa0: {  	s5 =	ssub.s32 $0x0, s21;
	[sflag:s23] =	ssyncset.done $0x0  }
0xa1: {  	[sflag:s23] =	ssyncadd.s32 s5;
	_ =	sdelay $0x1  }
0xa2: {  	s24 =	simm.s32 $0x1B8B  }
0xa3: {  	_ =	swait.ge [sflag:s24], $0x1  }
0xa4: {  	[sflag:s24] =	ssyncset.done $0x0  }
0xa5: {  	s25 =	simm.s32 $0x1B8E;
	[sflag:s24] =	ssyncadd.s32 $0xFFFFFFFF  }
0xa6: {  	s26 =	simm.s32 $execute0_lowered;
	[smem:$0x3FD2] =	sst s25  }
0xa7: {  	s5 =	sshll.u32 s26, $0x1;
	_ =	strace $0x80000046;
	[dreg:$0x1] =	wrdreg $0xFFFFFFFF  }
0xa8: {  	s28 =	simm.s32 $_size_execute0_lowered;
	s4 =	sadd.s32 s4, s5;
	[dreg:$0x0] =	wrdreg $0x0  }
0xa9: {  	s5 =	sshll.u32 s28, $0x1;
	[dreg:$0x2] =	wrdreg s4  }
0xaa: {  	[dreg:$0x3] =	wrdreg s5  }
0xab: {  	[dreg:$0x4] =	wrdreg $0xC0  }
0xac: {  	_ =	task [dreg:s8], $0x5FFFF  }
0xad: {  	[dreg:$0x1] =	wrdreg $0xFFFFFFFF  }
0xae: {  	[dreg:$0x0] =	wrdreg $0x60  }
0xaf: {  	[dreg:$0x2] =	wrdreg s2  }
0xb0: {  	[dreg:$0x3] =	wrdreg s19  }
0xb1: {  	[dreg:$0x4] =	wrdreg $0x9  }
0xb2: {  	_ =	task.clear_ibuf [dreg:s8], $0x5FFFF;
	_ =	strace $0x90000046  }
0xb3: {  	s29 =	simm.s32 $0x9;
	_ =	strace $0x80000048  }
0xb4: {  	_ =	swait.ge [sflag:s29], $0x1  }
0xb5: {  	[sflag:s29] =	ssyncadd.s32 $0xFFFFFFFF  }
0xb6: {  	_ =	strace $0x90000048  }
0xb7: {  	_ =	sfence  }
0xb8: {  	s30 =	sld [smem:$0x0];
	_ =	sdelay $0x2  }
0xb9: {  	s31 =	sshll.u32 s1, $0xD;
	s1 =	sshrl.u32 s1, $0x2  }
0xba: {  	s3 =	sand.u32 $0x4000, s31;
	s1 =	sadd.s32 s1, s30  }
0xbb: {  	s0 =	sor.u32 s3, s0;
	s1 =	sshll.u32 s1, $0x11  }
0xbc: {  	s0 =	sor.u32 s1, s0  }
0xbd: {  	s0 =	sadd.s32 $0x8F2B, s0  }
0xbe: {  	[sflag:s0] =	ssyncadd.remote.s32 $0x1  }
0xbf: {  	_ =	sfence.sel $0xFFFF  }
0xc0: {  	[dreg:$0x0] =	wrdreg $0xFFFFFFFF;
	(pc) =	sbr.abs _section_cstart, $3  }
0xc1: {  	[dreg:$0x1] =	wrdreg $0xFFFFFFFF  }
0xc2: {  	_ =	task.clear_ibuf [dreg:s8], $0x2FFFF;
	_ =	strace $0x9FFFFFFF  }
0xc3: {  	(tm) =	ssettm $0x7FFFFFFF  }
tec
execute0_lowered:
.L_overlay_start_1:
0x0: {  	(tag) =	ssettag $0x1  }
0x1: {  	s8 =	rddreg [dreg:$0x0]  }
0x2: {  	s10 =	rddreg [dreg:$0x1]  }
0x3: {  	s0 =	rddreg [dreg:$0x2];
	s2 =	simm.s32 $0x0;
	s3 =	srdreg.scid  }
0x4: {  	s1 =	stileid.u32;
	s14 =	simm.s32 $0x80;
	s15 =	simm.s32 $0x8000  }
0x5: {  	s16 =	simm.s32 $0x2;
	s17 =	simm.s32 $0x3;
	s18 =	simm.s32 $0x4  }
0x6: {  	s19 =	simm.s32 $0x0;
	[smem:$0x7FF] =	sst s2;
	s3 =	sand.u32 $0x1, s3  }
0x7: {  	s5 =	sshll.u32 s1, $0xF;
	s4 =	ssub.s32 $0x2, s3;
	s3 =	sshll.u32 s3, $0x6  }
0x8: {  	_ =	strace $0x80000047;
	s6 =	sshrl.u32 s4, $0x1;
	s9 =	sor.u32 s3, s5  }
0x9: {  	s11 =	ssub.s32 s4, s6;
	s3 =	sadd.s32 s8, s9;
	s7 =	sor.u32 $0x10, s9  }
0xa: {  	s5 =	sadd.s32 s10, s9;
	s12 =	sor.u32 $0x20, s9;
	s13 =	sor.u32 $0x30, s9  }
0xb: {  	s4 =	sadd.s32 s8, s7;
	s6 =	sadd.s32 s8, s12;
	s7 =	sadd.s32 s10, s7  }
0xc: {  	s8 =	sadd.s32 s8, s13;
	s9 =	sadd.s32 s10, s12;
	s10 =	sadd.s32 s10, s13  }
0xd: {  	v0 =	vimm.f32 $-Inf;
	s11 =	smax.u32 s11, $0x1;
	s12 =	simm.s32 $0x400;
	s13 =	simm.s32 $0x1  }
.LBB2_1:
0xe: {  	[tilespmem:s2], [sflag:$0x1] =	stream.strided.gather [hbm4b:s3+s14], $0x8000, s12, s14, $0x38;
	[tilespmem:$0x18080] =	vst v63  }
0xf: {  	_ =	swait.ge [sflag:s13], $0x8000  }
0x10: {  	[sflag:s13] =	ssyncset.done $0x0  }
0x11: {  	[sflag:s13] =	ssyncadd.s32 $0xFFFF8000  }
0x12: {  	v1 =	vld [tilespmem:s14+$0xFFFFFF80]  }
0x13: {  	v2 =	vld [tilespmem:s14+$0xFFFFFF90]  }
0x14: {  	v3 =	vld [tilespmem:s14+$0xFFFFFFA0]  }
0x15: {  	v4 =	vld [tilespmem:s14+$0xFFFFFFB0]  }
0x16: {  	v5 =	vld [tilespmem:s14+$0xFFFFFFC0]  }
0x17: {  	v6 =	vld [tilespmem:s14+$0xFFFFFFD0];
	v1 =	vmax.f32 v0, v1  }
0x18: {  	v1 =	vmax.f32 v1, v2;
	v2 =	vld [tilespmem:s14+$0xFFFFFFE0]  }
0x19: {  	v1 =	vmax.f32 v1, v3;
	v3 =	vld [tilespmem:s14+$0xFFFFFFF0]  }
0x1a: {  	v1 =	vmax.f32 v1, v4;
	v4 =	vld [tilespmem:s14+$0x0]  }
0x1b: {  	v1 =	vmax.f32 v1, v5;
	v5 =	vld [tilespmem:s14+$0x10]  }
0x1c: {  	v1 =	vmax.f32 v1, v6;
	v6 =	vld [tilespmem:s14+$0x20]  }
0x1d: {  	v2 =	vmax.f32 v1, v2;
	v1 =	vld [tilespmem:s14+$0x30]  }
0x1e: {  	v3 =	vmax.f32 v2, v3;
	v2 =	vld [tilespmem:s14+$0x40]  }
0x1f: {  	v4 =	vmax.f32 v3, v4;
	v3 =	vld [tilespmem:s14+$0x50]  }
0x20: {  	v5 =	vmax.f32 v4, v5;
	v4 =	vld [tilespmem:s14+$0x60]  }
0x21: {  	s20 =	simm.s32 $0x0;
	s21 =	simm.s32 $0x180;
	v6 =	vmax.f32 v5, v6;
	v5 =	vld [tilespmem:s14+$0x70]  }
.LBB2_2:
0x22: {  	v7 =	vld [tilespmem:s21+$0xFFFFFF80];
	s20 =	sadd.s32 $0x100, s20;
	v1 =	vmax.f32 v6, v1  }
0x23: {  	v6 =	vld [tilespmem:s21+$0xFFFFFF90];
	p0 =	slt.u32 s20, $0x7F00;
	v1 =	vmax.f32 v1, v2  }
0x24: {  	v2 =	vld [tilespmem:s21+$0xFFFFFFA0];
	v1 =	vmax.f32 v1, v3  }
0x25: {  	v3 =	vld [tilespmem:s21+$0xFFFFFFB0];
	v1 =	vmax.f32 v1, v4  }
0x26: {  	v4 =	vld [tilespmem:s21+$0xFFFFFFC0];
	v1 =	vmax.f32 v1, v5  }
0x27: {  	v1 =	vmax.f32 v1, v7;
	v5 =	vld [tilespmem:s21+$0xFFFFFFD0]  }
0x28: {  	v1 =	vmax.f32 v1, v6;
	v6 =	vld [tilespmem:s21+$0xFFFFFFE0]  }
0x29: {  	v1 =	vmax.f32 v1, v2;
	v2 =	vld [tilespmem:s21+$0xFFFFFFF0]  }
0x2a: {  	v1 =	vmax.f32 v1, v3;
	v3 =	vld [tilespmem:s21+$0x0]  }
0x2b: {  	v1 =	vmax.f32 v1, v4;
	v4 =	vld [tilespmem:s21+$0x10]  }
0x2c: {  	v1 =	vmax.f32 v1, v5;
	v5 =	vld [tilespmem:s21+$0x20]  }
.Ltmp0:
0x2d: {  	v6 =	vmax.f32 v1, v6;
	v1 =	vld [tilespmem:s21+$0x30];
	(pc) =	sbr.rel @p0 .LBB2_2-.Ltmp0, $4  }
0x2e: {  	v6 =	vmax.f32 v6, v2;
	v2 =	vld [tilespmem:s21+$0x40]  }
0x2f: {  	v6 =	vmax.f32 v6, v3;
	v3 =	vld [tilespmem:s21+$0x50]  }
0x30: {  	v6 =	vmax.f32 v6, v4;
	v4 =	vld [tilespmem:s21+$0x60]  }
0x31: {  	v6 =	vmax.f32 v6, v5;
	v5 =	vld [tilespmem:s21+$0x70];
	s21 =	sadd.s32 $0x100, s21  }
0x32: {  	v1 =	vmax.f32 v6, v1  }
0x33: {  	v1 =	vmax.f32 v1, v2  }
0x34: {  	v1 =	vmax.f32 v1, v3  }
0x35: {  	v1 =	vmax.f32 v1, v4  }
0x36: {  	v1 =	vmax.f32 v1, v5  }
0x37: {  	(xrf0) =	vmax.scan.msk.f32 $0xffff, v1;
	_ =	sdelay $0x4  }
0x38: {  	s20 =	simm.s32 $0x80  }
0x39: {  	v9 =	vld [tilespmem:s20+$0xFFFFFF80];
	v1, _, _ =	vpop (xrf0)  }
0x3a: {  	v10 =	vld [tilespmem:s20+$0xFFFFFF90];
	v1 =	vbroadcast v1, $0xF  }
0x3b: {  	v11 =	vld [tilespmem:s20+$0xFFFFFFA0]  }
0x3c: {  	v13 =	vld [tilespmem:s20+$0xFFFFFFB0];
	v2 =	vadd.f32 $-2.000000000e+00, v1  }
0x3d: {  	v14 =	vld [tilespmem:s20+$0xFFFFFFC0]  }
0x3e: {  	v15 =	vld [tilespmem:s20+$0xFFFFFFD0];
	vm4 =	vgt.f32 v9, v2  }
0x3f: {  	v16 =	vld [tilespmem:s20+$0xFFFFFFE0];
	vm2 =	vgt.f32 v10, v2;
	v3 =	vmpcnt.ones.xlane vm4  }
0x40: {  	v17 =	vld [tilespmem:s20+$0xFFFFFFF0];
	vm3 =	vgt.f32 v11, v2;
	v4 =	vmpcnt.ones.xlane vm2  }
0x41: {  	v18 =	vld [tilespmem:s20+$0x0];
	vm5 =	vgt.f32 v13, v2;
	v5 =	vmpcnt.ones.xlane vm3;
	(v2sf) =	vpush v3, $0x0  }
0x42: {  	v19 =	vld [tilespmem:s20+$0x10];
	vm6 =	vgt.f32 v14, v2;
	v3 =	vmpcnt.ones.xlane vm5;
	(v2sf) =	vpush v4, $0x0  }
0x43: {  	v20 =	vld [tilespmem:s20+$0x20];
	vm7 =	vgt.f32 v15, v2;
	v4 =	vmpcnt.ones.xlane vm6;
	(v2sf) =	vpush v5, $0x0  }
0x44: {  	v21 =	vld [tilespmem:s20+$0x30];
	vm8 =	vgt.f32 v16, v2;
	v5 =	vmpcnt.ones.xlane vm7;
	(v2sf) =	vpush v3, $0x0  }
0x45: {  	v22 =	vld [tilespmem:s20+$0x40];
	vm9 =	vgt.f32 v17, v2;
	v6 =	vmpcnt.ones.xlane vm8;
	(v2sf) =	vpush v4, $0x0  }
0x46: {  	v23 =	vld [tilespmem:s20+$0x50];
	vm10 =	vgt.f32 v18, v2;
	v4 =	vmpcnt.ones.xlane vm9;
	(v2sf) =	vpush v5, $0x0  }
0x47: {  	vm11 =	vgt.f32 v19, v2;
	v3 =	vld [tilespmem:s20+$0x60];
	v5 =	vmpcnt.ones.xlane vm10;
	(v2sf) =	vpush v6, $0x0  }
0x48: {  	vm12 =	vgt.f32 v20, v2;
	v6 =	vmpcnt.ones.xlane vm11;
	(v2sf) =	vpush v4, $0x0;
	v4 =	vld [tilespmem:s20+$0x70]  }
0x49: {  	vm13 =	vgt.f32 v21, v2;
	v7 =	vmpcnt.ones.xlane vm12;
	(v2sf) =	vpush v5, $0x0  }
0x4a: {  	vm14 =	vgt.f32 v22, v2;
	v5 =	vmpcnt.ones.xlane vm13;
	(v2sf) =	vpush v6, $0x0  }
0x4b: {  	s21 =	simm.s32 $0x180;
	vm15 =	vgt.f32 v23, v2;
	v8 =	vmpcnt.ones.xlane vm14;
	(v2sf) =	vpush v7, $0x0  }
0x4c: {  	v12 =	vld [tilespmem:s21+$0xFFFFFF80];
	v24 =	vmpcnt.ones.xlane vm15;
	vm0 =	vgt.f32 v3, v2;
	(v2sf) =	vpush v5, $0x0  }
0x4d: {  	v6 =	vld [tilespmem:s21+$0xFFFFFF90];
	v25 =	vmpcnt.ones.xlane vm0;
	(v2sf) =	vpush v8, $0x0;
	vm1 =	vgt.f32 v4, v2  }
0x4e: {  	v7 =	vld [tilespmem:s21+$0xFFFFFFA0];
	(v2sf) =	vpush v24, $0x0;
	v53 =	vmpcnt.ones.xlane vm1  }
0x4f: {  	v5 =	vld [tilespmem:s21+$0xFFFFFFB0];
	(v2sf) =	vpush v25, $0x0  }
0x50: {  	s25 =	simm.s32 $0x0;
	v8 =	vld [tilespmem:s21+$0xFFFFFFC0];
	s22 =	spop (v2sf);
	(v2sf) =	vpush v53, $0x0  }
0x51: {  	[tilespmem:s25+$0x10000] =	vst.msk vm4, v9;
	vm4 =	vgt.f32 v12, v2;
	v9 =	vld [tilespmem:s21+$0xFFFFFFD0];
	s26 =	sadd.s32 $0x0, s22;
	s28 =	spop (v2sf)  }
0x52: {  	v54 =	vmpcnt.ones.xlane vm4;
	[tilespmem:s26+$0x10000] =	vst.msk vm2, v10;
	vm2 =	vgt.f32 v6, v2;
	v10 =	vld [tilespmem:s21+$0xFFFFFFE0];
	s20 =	sadd.s32 s26, s28;
	s29 =	spop (v2sf)  }
0x53: {  	v55 =	vmpcnt.ones.xlane vm2;
	[tilespmem:s20+$0x10000] =	vst.msk vm3, v11;
	vm3 =	vgt.f32 v7, v2;
	v11 =	vld [tilespmem:s21+$0xFFFFFFF0];
	s20 =	sadd.s32 s20, s29;
	s30 =	spop (v2sf)  }
0x54: {  	(v2sf) =	vpush v54, $0x0;
	v26 =	vmpcnt.ones.xlane vm3;
	[tilespmem:s20+$0x10000] =	vst.msk vm5, v13;
	vm5 =	vgt.f32 v5, v2;
	v13 =	vld [tilespmem:s21+$0x0];
	s20 =	sadd.s32 s20, s30;
	s31 =	spop (v2sf)  }
0x55: {  	v56 =	vmpcnt.ones.xlane vm5;
	[tilespmem:s20+$0x10000] =	vst.msk vm6, v14;
	vm6 =	vgt.f32 v8, v2;
	v14 =	vld [tilespmem:s21+$0x10];
	(v2sf) =	vpush v55, $0x0;
	s20 =	sadd.s32 s20, s31;
	s23 =	spop (v2sf)  }
0x56: {  	v57 =	vmpcnt.ones.xlane vm6;
	[tilespmem:s20+$0x10000] =	vst.msk vm7, v15;
	vm7 =	vgt.f32 v9, v2;
	v15 =	vld [tilespmem:s21+$0x20];
	(v2sf) =	vpush v26, $0x0;
	s20 =	sadd.s32 s20, s23;
	s24 =	spop (v2sf)  }
0x57: {  	v58 =	vmpcnt.ones.xlane vm7;
	[tilespmem:s20+$0x10000] =	vst.msk vm8, v16;
	vm8 =	vgt.f32 v10, v2;
	v16 =	vld [tilespmem:s21+$0x30];
	(v2sf) =	vpush v56, $0x0;
	s20 =	sadd.s32 s20, s24;
	s25 =	spop (v2sf)  }
0x58: {  	v59 =	vmpcnt.ones.xlane vm8;
	[tilespmem:s20+$0x10000] =	vst.msk vm9, v17;
	vm9 =	vgt.f32 v11, v2;
	v17 =	vld [tilespmem:s21+$0x40];
	(v2sf) =	vpush v57, $0x0;
	s20 =	sadd.s32 s20, s25;
	s26 =	spop (v2sf)  }
0x59: {  	v60 =	vmpcnt.ones.xlane vm9;
	[tilespmem:s20+$0x10000] =	vst.msk vm10, v18;
	vm10 =	vgt.f32 v13, v2;
	v18 =	vld [tilespmem:s21+$0x50];
	(v2sf) =	vpush v58, $0x0;
	s20 =	sadd.s32 s20, s26;
	s28 =	spop (v2sf)  }
0x5a: {  	v61 =	vmpcnt.ones.xlane vm10;
	[tilespmem:s20+$0x10000] =	vst.msk vm11, v19;
	vm11 =	vgt.f32 v14, v2;
	(v2sf) =	vpush v59, $0x0;
	s20 =	sadd.s32 s20, s28;
	s29 =	spop (v2sf);
	v19 =	vld [tilespmem:s21+$0x60]  }
0x5b: {  	v62 =	vmpcnt.ones.xlane vm11;
	[tilespmem:s20+$0x10000] =	vst.msk vm12, v20;
	vm12 =	vgt.f32 v15, v2;
	(v2sf) =	vpush v60, $0x0;
	s20 =	sadd.s32 s20, s29;
	s30 =	spop (v2sf);
	v20 =	vld [tilespmem:s21+$0x70]  }
0x5c: {  	v63 =	vmpcnt.ones.xlane vm12;
	[tilespmem:s20+$0x10000] =	vst.msk vm13, v21;
	vm13 =	vgt.f32 v16, v2;
	(v2sf) =	vpush v61, $0x0;
	s22 =	sadd.s32 s20, s30;
	s23 =	spop (v2sf)  }
0x5d: {  	s21 =	simm.s32 $0x280;
	v21 =	vmpcnt.ones.xlane vm13;
	[tilespmem:s22+$0x10000] =	vst.msk vm14, v22;
	vm14 =	vgt.f32 v17, v2;
	(v2sf) =	vpush v62, $0x0;
	s22 =	sadd.s32 s22, s23;
	s31 =	spop (v2sf)  }
0x5e: {  	s20 =	simm.s32 $0x100;
	v22 =	vmpcnt.ones.xlane vm14;
	[tilespmem:s22+$0x10000] =	vst.msk vm15, v23;
	vm15 =	vgt.f32 v18, v2;
	(v2sf) =	vpush v63, $0x0;
	s22 =	sadd.s32 s22, s31;
	s23 =	spop (v2sf)  }
.LBB2_4:
0x5f: {  	v23 =	vld [tilespmem:s21+$0xFFFFFF80];
	s20 =	sadd.s32 $0x100, s20;
	v24 =	vmpcnt.ones.xlane vm15;
	(v2sf) =	vpush v21, $0x0;
	[tilespmem:s22+$0x10000] =	vst.msk vm0, v3;
	vm0 =	vgt.f32 v19, v2;
	s22 =	sadd.s32 s22, s23;
	s23 =	spop (v2sf);
	v3 =	vmovc v19  }
0x60: {  	v19 =	vld [tilespmem:s21+$0xFFFFFF90];
	p0 =	slt.u32 s20, $0x7F00;
	v21 =	vmpcnt.ones.xlane vm0;
	(v2sf) =	vpush v22, $0x0;
	[tilespmem:s22+$0x10000] =	vst.msk vm1, v4;
	vm1 =	vgt.f32 v20, v2;
	s22 =	sadd.s32 s22, s23;
	v4 =	vmovc v20  }
0x61: {  	v20 =	vld [tilespmem:s21+$0xFFFFFFA0];
	[tilespmem:s22+$0x10000] =	vst.msk vm4, v12;
	v25 =	vmpcnt.ones.xlane vm1;
	(v2sf) =	vpush v24, $0x0  }
0x62: {  	v22 =	vld [tilespmem:s21+$0xFFFFFFB0];
	(v2sf) =	vpush v21, $0x0  }
0x63: {  	v21 =	vld [tilespmem:s21+$0xFFFFFFC0];
	s23 =	spop (v2sf);
	(v2sf) =	vpush v25, $0x0  }
0x64: {  	vm4 =	vgt.f32 v23, v2;
	v24 =	vld [tilespmem:s21+$0xFFFFFFD0];
	s22 =	sadd.s32 s22, s23;
	s23 =	spop (v2sf);
	v12 =	vmov v23  }
0x65: {  	v23 =	vmpcnt.ones.xlane vm4;
	v25 =	vld [tilespmem:s21+$0xFFFFFFE0];
	[tilespmem:s22+$0x10000] =	vst.msk vm2, v6;
	vm2 =	vgt.f32 v19, v2;
	s22 =	sadd.s32 s22, s23;
	s23 =	spop (v2sf);
	v6 =	vmov v19  }
0x66: {  	v19 =	vmpcnt.ones.xlane vm2;
	v26 =	vld [tilespmem:s21+$0xFFFFFFF0];
	[tilespmem:s22+$0x10000] =	vst.msk vm3, v7;
	vm3 =	vgt.f32 v20, v2;
	s22 =	sadd.s32 s22, s23;
	s23 =	spop (v2sf);
	v7 =	vmov v20  }
0x67: {  	v20 =	vmpcnt.ones.xlane vm3;
	v27 =	vld [tilespmem:s21+$0x0];
	(v2sf) =	vpush v23, $0x0;
	[tilespmem:s22+$0x10000] =	vst.msk vm5, v5;
	vm5 =	vgt.f32 v22, v2;
	s22 =	sadd.s32 s22, s23;
	s23 =	spop (v2sf);
	v5 =	vmovc v22  }
0x68: {  	v22 =	vmpcnt.ones.xlane vm5;
	v23 =	vld [tilespmem:s21+$0x10];
	(v2sf) =	vpush v19, $0x0;
	[tilespmem:s22+$0x10000] =	vst.msk vm6, v8;
	vm6 =	vgt.f32 v21, v2;
	s22 =	sadd.s32 s22, s23;
	s23 =	spop (v2sf);
	v8 =	vmovc v21  }
0x69: {  	v19 =	vmpcnt.ones.xlane vm6;
	v21 =	vld [tilespmem:s21+$0x20];
	(v2sf) =	vpush v20, $0x0;
	[tilespmem:s22+$0x10000] =	vst.msk vm7, v9;
	vm7 =	vgt.f32 v24, v2;
	s22 =	sadd.s32 s22, s23;
	s23 =	spop (v2sf);
	v9 =	vmovc v24  }
0x6a: {  	v20 =	vmpcnt.ones.xlane vm7;
	v24 =	vld [tilespmem:s21+$0x30];
	(v2sf) =	vpush v22, $0x0;
	[tilespmem:s22+$0x10000] =	vst.msk vm8, v10;
	vm8 =	vgt.f32 v25, v2;
	s22 =	sadd.s32 s22, s23;
	s23 =	spop (v2sf);
	v10 =	vmovc v25  }
0x6b: {  	v22 =	vmpcnt.ones.xlane vm8;
	v25 =	vld [tilespmem:s21+$0x40];
	(v2sf) =	vpush v19, $0x0;
	[tilespmem:s22+$0x10000] =	vst.msk vm9, v11;
	vm9 =	vgt.f32 v26, v2;
	s22 =	sadd.s32 s22, s23;
	s23 =	spop (v2sf);
	v11 =	vmovc v26  }
0x6c: {  	v26 =	vmpcnt.ones.xlane vm9;
	v28 =	vld [tilespmem:s21+$0x50];
	(v2sf) =	vpush v20, $0x0;
	[tilespmem:s22+$0x10000] =	vst.msk vm10, v13;
	vm10 =	vgt.f32 v27, v2;
	s22 =	sadd.s32 s22, s23;
	s23 =	spop (v2sf);
	v13 =	vmovc v27  }
.Ltmp1:
0x6d: {  	v27 =	vmpcnt.ones.xlane vm10;
	v19 =	vld [tilespmem:s21+$0x60];
	(v2sf) =	vpush v22, $0x0;
	[tilespmem:s22+$0x10000] =	vst.msk vm11, v14;
	vm11 =	vgt.f32 v23, v2;
	s22 =	sadd.s32 s22, s23;
	s23 =	spop (v2sf);
	v14 =	vmovc v23;
	(pc) =	sbr.rel @p0 .LBB2_4-.Ltmp1, $4  }
0x6e: {  	v22 =	vmpcnt.ones.xlane vm11;
	v20 =	vld [tilespmem:s21+$0x70];
	(v2sf) =	vpush v26, $0x0;
	[tilespmem:s22+$0x10000] =	vst.msk vm12, v15;
	vm12 =	vgt.f32 v21, v2;
	s22 =	sadd.s32 s22, s23;
	s23 =	spop (v2sf);
	v15 =	vmovc v21  }
0x6f: {  	v23 =	vmpcnt.ones.xlane vm12;
	(v2sf) =	vpush v27, $0x0;
	[tilespmem:s22+$0x10000] =	vst.msk vm13, v16;
	vm13 =	vgt.f32 v24, v2;
	s22 =	sadd.s32 s22, s23;
	s23 =	spop (v2sf);
	v16 =	vmovc v24  }
0x70: {  	v21 =	vmpcnt.ones.xlane vm13;
	(v2sf) =	vpush v22, $0x0;
	[tilespmem:s22+$0x10000] =	vst.msk vm14, v17;
	vm14 =	vgt.f32 v25, v2;
	s22 =	sadd.s32 s22, s23;
	s23 =	spop (v2sf);
	v17 =	vmovc v25  }
0x71: {  	s21 =	sadd.s32 $0x100, s21;
	v22 =	vmpcnt.ones.xlane vm14;
	(v2sf) =	vpush v23, $0x0;
	[tilespmem:s22+$0x10000] =	vst.msk vm15, v18;
	vm15 =	vgt.f32 v28, v2;
	s22 =	sadd.s32 s22, s23;
	s23 =	spop (v2sf);
	v18 =	vmovc v28  }
0x72: {  	(v2sf) =	vpush v21, $0x0;
	v62 =	vimm.s32 $0x0  }
0x73: {  	v63 =	vimm.s32 $0x0;
	v21 =	vsel vm1, $0xFFFFFFFF, v62;
	vm1 =	vgt.f32 v19, v2  }
0x74: {  	[tilespmem:$0x1FFD0] =	vst v21;
	v21 =	vsel vm1, $0xFFFFFFFF, v63  }
0x75: {  	[tilespmem:$0x1FFE0] =	vst v21  }
0x76: {  	v21 =	vld [tilespmem:$0x1FFE0];
	_ =	sdelay $0x4  }
0x77: {  	vm1 =	vnez.u8 v21  }
0x78: {  	v21 =	vmpcnt.ones.xlane vm1  }
0x79: {  	vm1 =	vmmov vm0;
	vm0 =	vgt.f32 v20, v2;
	v2 =	vimm.s32 $0x0  }
0x7a: {  	v2 =	vsel vm0, $0xFFFFFFFF, v2  }
0x7b: {  	[tilespmem:$0x1FFF0] =	vst v2  }
0x7c: {  	v2 =	vld [tilespmem:$0x1FFF0];
	_ =	sdelay $0x3  }
0x7d: {  	v23 =	vmpcnt.ones.xlane vm15  }
0x7e: {  	(v2sf) =	vpush v22, $0x0;
	vm0 =	vnez.u8 v2  }
0x7f: {  	s20 =	sadd.s32 s22, s23;
	s21 =	spop (v2sf);
	(v2sf) =	vpush v23, $0x0;
	v2 =	vmpcnt.ones.xlane vm0  }
0x80: {  	s21 =	sadd.s32 s20, s21;
	s28 =	spop (v2sf);
	(v2sf) =	vpush v21, $0x0;
	[tilespmem:s22+$0x10000] =	vst.msk vm1, v3  }
0x81: {  	s23 =	sadd.s32 s21, s28;
	s24 =	spop (v2sf);
	(v2sf) =	vpush v2, $0x0;
	v2 =	vld [tilespmem:$0x1FFD0];
	[tilespmem:s21+$0x10000] =	vst.msk vm4, v12  }
0x82: {  	s24 =	sadd.s32 s23, s24;
	s25 =	spop (v2sf);
	[tilespmem:s23+$0x10000] =	vst.msk vm2, v6  }
0x83: {  	s25 =	sadd.s32 s24, s25;
	s26 =	spop (v2sf);
	[tilespmem:s24+$0x10000] =	vst.msk vm3, v7  }
0x84: {  	s26 =	sadd.s32 s25, s26;
	s28 =	spop (v2sf);
	[tilespmem:s25+$0x10000] =	vst.msk vm5, v5  }
0x85: {  	s22 =	sadd.s32 s26, s28;
	[tilespmem:s26+$0x10000] =	vst.msk vm6, v8  }
0x86: {  	s29 =	spop (v2sf);
	[tilespmem:s22+$0x10000] =	vst.msk vm7, v9;
	vm0 =	vnez.u8 v2  }
0x87: {  	s30 =	spop (v2sf);
	[tilespmem:s20+$0x10000] =	vst.msk vm0, v4;
	s20 =	sadd.s32 s22, s29  }
0x88: {  	s31 =	spop (v2sf);
	s21 =	sadd.s32 s20, s30;
	[tilespmem:s20+$0x10000] =	vst.msk vm8, v10  }
0x89: {  	s29 =	spop (v2sf);
	s23 =	sadd.s32 s21, s31;
	[tilespmem:s21+$0x10000] =	vst.msk vm9, v11  }
0x8a: {  	s30 =	spop (v2sf);
	s24 =	sadd.s32 s23, s29;
	[tilespmem:s23+$0x10000] =	vst.msk vm10, v13  }
0x8b: {  	s31 =	spop (v2sf);
	s25 =	sadd.s32 s24, s30;
	[tilespmem:s24+$0x10000] =	vst.msk vm11, v14  }
0x8c: {  	s29 =	spop (v2sf);
	s26 =	sadd.s32 s25, s31;
	[tilespmem:s25+$0x10000] =	vst.msk vm12, v15  }
0x8d: {  	s30 =	spop (v2sf);
	s22 =	sadd.s32 s26, s29;
	[tilespmem:s26+$0x10000] =	vst.msk vm13, v16  }
0x8e: {  	s20 =	sadd.s32 s22, s30;
	[tilespmem:s22+$0x10000] =	vst.msk vm14, v17  }
0x8f: {  	[tilespmem:s20+$0x10000] =	vst.msk vm15, v18  }
0x90: {  	s31 =	spop (v2sf);
	v2 =	vld [tilespmem:$0x1FFE0]  }
0x91: {  	s29 =	spop (v2sf);
	s21 =	sadd.s32 s20, s31  }
0x92: {  	s23 =	sadd.s32 s21, s29;
	s30 =	spop (v2sf)  }
0x93: {  	s24 =	sadd.s32 s23, s30  }
0x94: {  	s31 =	sadd.s32 $0xF, s24  }
0x95: {  	s28 =	sand.u32 $0xF, s31;
	vm14 =	vnez.u8 v2  }
0x96: {  	s29 =	sshra.s32 s31, $0x1F;
	p1 =	slt.s32 s31, $0x1;
	p0 =	sne.s32 s28, $0x0;
	[tilespmem:s21+$0x10000] =	vst.msk vm14, v19  }
0x97: {  	s30 =	sshrl.u32 s29, $0x1C;
	p0 =	por !p1, !p0;
	v2 =	vld [tilespmem:$0x1FFF0]  }
0x98: {  	s20 =	sadd.s32 s30, s31;
	p0 =	por !p0, !p0;
	s21 =	simm.s32 $0x1  }
0x99: {  	s20 =	sshra.s32 s20, $0x4;
	s21 =	simm.s32 @!p0 $0x0  }
0x9a: {  	s20 =	ssub.s32 s20, s21  }
.Ltmp2:
0x9b: {  	s21 =	sshll.u32 s20, $0x6;
	(pc) =	sbr.rel .LBB2_6-.Ltmp2, $4  }
0x9c: {  	s20 =	sshll.u32 s20, $0x4;
	s21 =	sshra.s32 s21, $0x2;
	vm15 =	vnez.u8 v2  }
0x9d: {  	p0 =	slt.s32 s20, $0x40;
	s31 =	sand.u32 $0xFFFFFFC0, s21;
	s21 =	sand.u32 $0xFFFFFFC0, s20;
	[tilespmem:s23+$0x10000] =	vst.msk vm15, v20  }
0x9e: {  	s22 =	sadd.s32 $0x10000, s31;
	p1 =	seq.s32 s21, s20;
	s23 =	simm.s32 $0x0;
	[tilespmem:s24+$0x10000] =	vst v0  }
0x9f: {  	v2 =	vimm.f32 $-1.000000000e+00;
	[tilespmem:s15], [sflag:$0x2] =	stream.strided.gather [hbm4b:s4+s14], $0x8000, s12, s14, $0x38;
	[tilespmem:$0x18080] =	vst v63  }
.LBB2_14:
0xa0: {  	(xrf2) =	vadd.scan.msk.f32 $0xffff, v4;
	_ =	sdelay $0x6  }
0xa1: {  	(xrf2) =	vadd.scan.msk.f32 $0xffff, v5;
	_ =	sdelay $0x2  }
0xa2: {  	v3, _, _ =	vpop (xrf2)  }
0xa3: {  	v3 =	vmax.f32 v3, $1.000000000e-30  }
0xa4: {  	v3 =	vbroadcast v3, $0xF;
	_ =	sdelay $0x1  }
0xa5: {  	(erf) = vrcp.f32 v3;
	_ =	sdelay $0x2  }
0xa6: {  	v3, _, _ =	vpop (xrf2)  }
0xa7: {  	v3 =	vmul.f32 $2.500000000e-01, v3;
	_ =	sdelay $0x1  }
0xa8: {  	v3 =	vadd.f32 $-1.000000000e+00, v3;
	_ =	sdelay $0x1  }
0xa9: {  	v3 =	vbroadcast v3, $0xF  }
0xaa: {  	v63 =	vpop (erf)  }
0xab: {  	v3 =	vmul.f32 v3, v63;
	_ =	sdelay $0x1  }
0xac: {  	(v2sf) =	vpush v3, $0x0;
	_ =	sdelay $0xe  }
0xad: {  	p2 =	sgt.u32 s23, $0x16;
	s24 =	spop (v2sf)  }
0xae: {  	p3 =	sgt.f32 @!p2 s24, $1.000000010e-07;
	_ =	sdelay $0x1  }
0xaf: {  	p2 =	por p2, !p3  }
.Ltmp3:
0xb0: {  	_ = 	snop;
	(pc) =	sbr.rel @p2 .LBB2_15-.Ltmp3, $2  }
0xb1: {  	_ =	sdelay $0x2  }
0xb2: {  	s23 =	sadd.s32 $0x1, s23;
	v2 =	vadd.f32 v3, v2  }
.LBB2_6:
.Ltmp4:
0xb3: {  	(pc) =	sbr.rel @p0 .LBB2_12-.Ltmp4, $3  }
0xb4: {  	_ = 	snop  }
0xb5: {  	v3 =	vadd.f32 v2, v2;
	_ =	sdelay $0x1  }
0xb6: {  	v4 =	vimm.f32 $0.0e+00;
	v5 =	vimm.f32 $0.0e+00;
	v3 =	vadd.f32 v3, v1  }
0xb7: {  	s24 =	simm.s32 $0x10020  }
0xb8: {  	v5 =	vld [tilespmem:s24+$0xFFFFFFE0];
	_ =	sdelay $0x1  }
0xb9: {  	p3 =	sgt.s32 s21, $0x40;
	v8 =	vld [tilespmem:s24+$0xFFFFFFF0]  }
.Ltmp5:
0xba: {  	_ = 	snop;
	(pc) =	sbr.rel @!p3 .LBB2_8-.Ltmp5, $4  }
0xbb: {  	_ = 	snop  }
0xbc: {  	v7 =	vsub.f32 v5, v3  }
0xbd: {  	v6 =	vld [tilespmem:s24+$0x0]  }
0xbe: {  	v4 =	vimm.f32 $0.0e+00;
	s25 =	simm.s32 $0x10060;
	p2 =	por $0x0, $0x0;
	v5 =	vld [tilespmem:s24+$0x10];
	v8 =	vsub.f32 v8, v3;
	v7 =	vmax.f32 v7, $0.0e+00  }
0xbf: {  	_ =	sdelay $0x1  }
0xc0: {  	v9 =	vld [tilespmem:s25+$0xFFFFFFE0];
	v10 =	vmul.f32 v7, v7  }
0xc1: {  	v8 =	vmax.f32 v8, $0.0e+00;
	v6 =	vsub.f32 v6, v3  }
0xc2: {  	v13 =	vld [tilespmem:s25+$0xFFFFFFF0];
	v7 =	vadd.f32 v7, v4;
	p3 =	sgt.s32 s21, $0x80;
	v10 =	vadd.f32 v10, v4;
	v11 =	vmul.f32 v8, v8  }
.Ltmp6:
0xc3: {  	v5 =	vsub.f32 v5, v3;
	v12 =	vmax.f32 v6, $0.0e+00;
	(pc) =	sbr.rel @!p3 .LBB2_11-.Ltmp6, $4  }
0xc4: {  	v7 =	vadd.f32 v8, v7;
	v8 =	vadd.f32 v11, v10;
	v6 =	vld [tilespmem:s25+$0x0];
	v11 =	vmul.f32 v12, v12  }
0xc5: {  	v14 =	vsub.f32 v9, v3;
	v9 =	vmax.f32 v5, $0.0e+00  }
0xc6: {  	v10 =	vadd.f32 v12, v7;
	v5 =	vld [tilespmem:s25+$0x10];
	v12 =	vmul.f32 v9, v9;
	v11 =	vadd.f32 v11, v8  }
0xc7: {  	s24 =	simm.s32 $0x80;
	p2 =	por $0x1, $0x1;
	s25 =	simm.s32 $0x100A0;
	v7 =	vmax.f32 v14, $0.0e+00;
	v8 =	vsub.f32 v13, v3  }
.LBB2_10:
0xc8: {  	v13 =	vld [tilespmem:s25+$0xFFFFFFE0];
	s24 =	sadd.s32 $0x40, s24;
	v14 =	vmul.f32 v7, v7;
	v9 =	vadd.f32 v9, v10;
	v10 =	vadd.f32 v12, v11  }
0xc9: {  	p3 =	slt.s32 s24, s21;
	v8 =	vmax.f32 v8, $0.0e+00;
	v6 =	vsub.f32 v6, v3  }
0xca: {  	v15 =	vld [tilespmem:s25+$0xFFFFFFF0];
	v7 =	vadd.f32 v7, v9;
	v9 =	vadd.f32 v14, v10;
	v10 =	vmul.f32 v8, v8  }
.Ltmp7:
0xcb: {  	v11 =	vmax.f32 v6, $0.0e+00;
	v5 =	vsub.f32 v5, v3;
	(pc) =	sbr.rel @p3 .LBB2_10-.Ltmp7, $4  }
0xcc: {  	v6 =	vld [tilespmem:s25+$0x0];
	v7 =	vadd.f32 v8, v7;
	v8 =	vadd.f32 v10, v9;
	v12 =	vmul.f32 v11, v11  }
0xcd: {  	v13 =	vsub.f32 v13, v3;
	v9 =	vmax.f32 v5, $0.0e+00  }
0xce: {  	v5 =	vld [tilespmem:s25+$0x10];
	v10 =	vadd.f32 v11, v7;
	v11 =	vadd.f32 v12, v8;
	v12 =	vmul.f32 v9, v9  }
0xcf: {  	s25 =	sadd.s32 $0x40, s25;
	v7 =	vmax.f32 v13, $0.0e+00;
	v8 =	vsub.f32 v15, v3  }
.LBB2_11:
0xd0: {  	v9 =	vadd.f32 @p2 v9, v10;
	v10 =	vadd.f32 @p2 v12, v11  }
0xd1: {  	v60 =	vmul.f32 v7, v7;
	v8 =	vmax.f32 v8, $0.0e+00  }
0xd2: {  	v6 =	vsub.f32 v6, v3;
	v9 =	vpsel p2, v9, v4;
	v4 =	vpsel p2, v10, v4  }
0xd3: {  	v61 =	vmul.f32 v8, v8;
	v7 =	vadd.f32 v7, v9;
	v4 =	vadd.f32 v60, v4  }
0xd4: {  	v6 =	vmax.f32 v6, $0.0e+00;
	v5 =	vsub.f32 v5, v3  }
0xd5: {  	v62 =	vmul.f32 v6, v6;
	v7 =	vadd.f32 v8, v7;
	v4 =	vadd.f32 v61, v4  }
0xd6: {  	v5 =	vmax.f32 v5, $0.0e+00  }
0xd7: {  	v63 =	vmul.f32 v5, v5;
	v6 =	vadd.f32 v6, v7;
	v7 =	vadd.f32 v62, v4;
	_ =	sdelay $0x1  }
0xd8: {  	v4 =	vadd.f32 v5, v6;
	v5 =	vadd.f32 v63, v7  }
.LBB2_12:
.Ltmp8:
0xd9: {  	(pc) =	sbr.rel @p1 .LBB2_14-.Ltmp8, $2  }
0xda: {  	_ =	sdelay $0x2  }
0xdb: {  	s24 =	smov.u32 s22;
	s25 =	smov.u32 s21  }
.LBB2_13:
0xdc: {  	v6 =	vld [tilespmem:s24+$0x0];
	_ =	sdelay $0x3  }
0xdd: {  	s25 =	sadd.s32 $0x10, s25  }
0xde: {  	p2 =	slt.s32 s25, s20;
	v6 =	vsub.f32 v6, v3  }
.Ltmp9:
0xdf: {  	_ = 	snop;
	(pc) =	sbr.rel @p2 .LBB2_13-.Ltmp9, $3  }
0xe0: {  	v6 =	vmax.f32 v6, $0.0e+00  }
0xe1: {  	v7 =	vmul.f32 v6, v6;
	_ =	sdelay $0x1  }
0xe2: {  	s24 =	sadd.s32 $0x10, s24;
	v4 =	vadd.f32 v6, v4;
	v5 =	vadd.f32 v7, v5  }
.Ltmp10:
0xe3: {  	_ = 	snop;
	(pc) =	sbr.rel .LBB2_14-.Ltmp10, $1  }
0xe4: {  	_ =	sdelay $0x3  }
.LBB2_8:
.Ltmp11:
0xe5: {  	(pc) =	sbr.rel .LBB2_11-.Ltmp11, $2  }
0xe6: {  	_ =	sdelay $0x2  }
0xe7: {  	_ = 	snop  }
.LBB2_15:
0xe8: {  	s20 =	simm.s32 $0x80  }
0xe9: {  	v3 =	vld [tilespmem:s20+$0xFFFFFFD0]  }
0xea: {  	v4 =	vld [tilespmem:s20+$0x70]  }
0xeb: {  	v5 =	vld [tilespmem:s20+$0x50]  }
0xec: {  	v6 =	vld [tilespmem:s20+$0x60]  }
0xed: {  	v2 =	vadd.f32 v2, v2;
	v7 =	vld [tilespmem:s20+$0x40]  }
0xee: {  	v8 =	vld [tilespmem:s20+$0x10]  }
0xef: {  	v9 =	vld [tilespmem:s20+$0x20];
	v1 =	vadd.f32 v2, v1  }
0xf0: {  	v2 =	vld [tilespmem:s20+$0xFFFFFFC0]  }
0xf1: {  	v11 =	vld [tilespmem:s20+$0xFFFFFFF0];
	v4 =	vsub.f32 v4, v1  }
0xf2: {  	v12 =	vld [tilespmem:s20+$0x30];
	v3 =	vsub.f32 v3, v1;
	v10 =	vsub.f32 v5, v1  }
0xf3: {  	v5 =	vsub.f32 v6, v1;
	v6 =	vsub.f32 v8, v1;
	v8 =	vld [tilespmem:s20+$0xFFFFFFB0]  }
0xf4: {  	v14 =	vld [tilespmem:s20+$0xFFFFFF90];
	v7 =	vsub.f32 v7, v1;
	v4 =	vmax.f32 v4, $0.0e+00;
	v13 =	vmax.f32 v3, $0.0e+00  }
0xf5: {  	v2 =	vsub.f32 v2, v1;
	v3 =	vmul.f32 $5.000000000e-01, v4;
	v4 =	vmax.f32 v5, $0.0e+00  }
0xf6: {  	v5 =	vmax.f32 v6, $0.0e+00;
	v6 =	vmax.f32 v7, $0.0e+00;
	v4 =	vmul.f32 $5.000000000e-01, v4  }
0xf7: {  	v15 =	vld [tilespmem:s20+$0xFFFFFFE0];
	v16 =	vmul.f32 $5.000000000e-01, v5;
	v5 =	vsub.f32 v9, v1;
	v9 =	vsub.f32 v11, v1  }
0xf8: {  	v7 =	vmul.f32 v3, v3;
	v3 =	vmul.f32 $5.000000000e-01, v6;
	v18 =	vsub.f32 v8, v1  }
0xf9: {  	v17 =	vld [tilespmem:s20+$0x0];
	v6 =	vmax.f32 v10, $0.0e+00;
	v8 =	vsub.f32 v12, v1;
	v12 =	vsub.f32 v14, v1  }
0xfa: {  	v10 =	vmul.f32 $5.000000000e-01, v6;
	v6 =	vmul.f32 v4, v4;
	v4 =	vmax.f32 v9, $0.0e+00  }
0xfb: {  	v2 =	vmax.f32 v2, $0.0e+00;
	v11 =	vmul.f32 $5.000000000e-01, v4;
	v4 =	vld [tilespmem:s20+$0xFFFFFFA0]  }
0xfc: {  	v9 =	vsub.f32 v15, v1;
	v15 =	vmul.f32 $5.000000000e-01, v2;
	v2 =	vmax.f32 v12, $0.0e+00;
	v12 =	vld [tilespmem:s20+$0xFFFFFF80]  }
0xfd: {  	v13 =	vmul.f32 $5.000000000e-01, v13;
	v16 =	vmul.f32 v16, v16  }
0xfe: {  	v17 =	vsub.f32 v17, v1;
	[tilespmem:s20+$0x70] =	vst v7;
	v10 =	vmul.f32 v10, v10  }
0xff: {  	v14 =	vmax.f32 v18, $0.0e+00;
	v7 =	vmul.f32 v13, v13;
	[tilespmem:s20+$0x10] =	vst v16  }
0x100: {  	s21 =	simm.s32 $0x0;
	s22 =	simm.s32 $0x180;
	v2 =	vmul.f32 $5.000000000e-01, v2;
	v13 =	vmul.f32 v15, v15;
	[tilespmem:s20+$0x50] =	vst v10;
	v10 =	vmax.f32 v17, $0.0e+00  }
.LBB2_16:
0x101: {  	v15 =	vld [tilespmem:s22+$0xFFFFFFD0];
	s21 =	sadd.s32 $0x100, s21;
	v12 =	vsub.f32 v12, v1;
	v4 =	vsub.f32 v4, v1;
	v14 =	vmul.f32 $5.000000000e-01, v14  }
0x102: {  	v11 =	vmul.f32 v11, v11;
	v5 =	vmax.f32 v5, $0.0e+00;
	v8 =	vmax.f32 v8, $0.0e+00;
	v16 =	vld [tilespmem:s22+$0x70];
	p0 =	slt.u32 s21, $0x7F00;
	[tilespmem:s20+$0x60] =	vst v6  }
0x103: {  	v8 =	vmul.f32 $5.000000000e-01, v8;
	v6 =	vld [tilespmem:s22+$0x50];
	v12 =	vmax.f32 v12, $0.0e+00;
	v14 =	vmul.f32 v14, v14;
	[tilespmem:s20+$0xFFFFFFC0] =	vst v13  }
0x104: {  	v9 =	vmax.f32 v9, $0.0e+00;
	v5 =	vmul.f32 $5.000000000e-01, v5;
	v13 =	vld [tilespmem:s22+$0x60];
	v12 =	vmul.f32 $5.000000000e-01, v12;
	[tilespmem:s20+$0xFFFFFFF0] =	vst v11  }
0x105: {  	v10 =	vmul.f32 $5.000000000e-01, v10;
	v3 =	vmul.f32 v3, v3;
	v4 =	vmax.f32 v4, $0.0e+00;
	v11 =	vld [tilespmem:s22+$0x40]  }
0x106: {  	v9 =	vmul.f32 $5.000000000e-01, v9;
	v5 =	vmul.f32 v5, v5;
	v17 =	vld [tilespmem:s22+$0x10];
	[tilespmem:s20+$0xFFFFFFB0] =	vst v14  }
0x107: {  	v18 =	vmul.f32 $5.000000000e-01, v4;
	v14 =	vld [tilespmem:s22+$0xFFFFFFC0];
	v16 =	vsub.f32 v16, v1;
	[tilespmem:s20+$0xFFFFFFD0] =	vst v7;
	v7 =	vmul.f32 v10, v10  }
0x108: {  	v9 =	vmul.f32 v9, v9;
	v4 =	vsub.f32 v15, v1;
	v10 =	vld [tilespmem:s22+$0x20];
	v6 =	vsub.f32 v6, v1;
	[tilespmem:s20+$0x20] =	vst v5  }
0x109: {  	v8 =	vmul.f32 v8, v8;
	v15 =	vld [tilespmem:s22+$0xFFFFFFF0];
	v5 =	vsub.f32 v13, v1;
	v13 =	vmax.f32 v16, $0.0e+00;
	[tilespmem:s20+$0x40] =	vst v3  }
0x10a: {  	v12 =	vmul.f32 v12, v12;
	v16 =	vmax.f32 v4, $0.0e+00;
	v19 =	vld [tilespmem:s22+$0x30];
	v3 =	vmul.f32 $5.000000000e-01, v13;
	[tilespmem:s20+$0xFFFFFFE0] =	vst v9  }
0x10b: {  	v11 =	vsub.f32 v11, v1;
	v4 =	vld [tilespmem:s22+$0xFFFFFFA0];
	v9 =	vsub.f32 v17, v1;
	v5 =	vmax.f32 v5, $0.0e+00;
	[tilespmem:s20+$0x30] =	vst v8  }
0x10c: {  	v17 =	vmul.f32 v18, v18;
	v8 =	vld [tilespmem:s22+$0xFFFFFFB0];
	v13 =	vmul.f32 $5.000000000e-01, v5;
	[tilespmem:s20+$0x0] =	vst v7  }
0x10d: {  	v7 =	vld [tilespmem:s22+$0xFFFFFF90];
	v5 =	vmax.f32 v9, $0.0e+00;
	v9 =	vmax.f32 v11, $0.0e+00;
	v11 =	vmul.f32 v3, v3;
	[tilespmem:s20+$0xFFFFFF80] =	vst v12  }
0x10e: {  	v2 =	vmul.f32 v2, v2;
	v18 =	vld [tilespmem:s22+$0xFFFFFFE0];
	v20 =	vmul.f32 $5.000000000e-01, v5;
	v5 =	vsub.f32 v10, v1;
	[tilespmem:s20+$0xFFFFFFA0] =	vst v17  }
0x10f: {  	v6 =	vmax.f32 v6, $0.0e+00;
	v10 =	vsub.f32 v15, v1;
	v3 =	vmul.f32 $5.000000000e-01, v9;
	v15 =	vld [tilespmem:s22+$0x0];
	[tilespmem:s22+$0x70] =	vst v11  }
0x110: {  	v9 =	vsub.f32 v14, v1;
	v11 =	vmul.f32 $5.000000000e-01, v6;
	v6 =	vmul.f32 v13, v13;
	[tilespmem:s20+$0xFFFFFF90] =	vst v2;
	s20 =	smov.u32 s22  }
0x111: {  	v10 =	vmax.f32 v10, $0.0e+00;
	v2 =	vsub.f32 v8, v1;
	v8 =	vsub.f32 v19, v1  }
.Ltmp12:
0x112: {  	v13 =	vmax.f32 v9, $0.0e+00;
	v14 =	vmul.f32 v11, v11;
	v12 =	vld [tilespmem:s22+$0xFFFFFF80];
	v7 =	vsub.f32 v7, v1;
	(pc) =	sbr.rel @p0 .LBB2_16-.Ltmp12, $4  }
0x113: {  	v16 =	vmul.f32 $5.000000000e-01, v16;
	v11 =	vmul.f32 $5.000000000e-01, v10;
	v9 =	vsub.f32 v18, v1  }
0x114: {  	v17 =	vmul.f32 v20, v20;
	v10 =	vmul.f32 $5.000000000e-01, v13;
	v15 =	vsub.f32 v15, v1;
	[tilespmem:s22+$0x50] =	vst v14  }
0x115: {  	v13 =	vmax.f32 v7, $0.0e+00;
	v14 =	vmax.f32 v2, $0.0e+00;
	v7 =	vmul.f32 v16, v16  }
0x116: {  	s22 =	sadd.s32 $0x100, s22;
	v2 =	vmul.f32 $5.000000000e-01, v13;
	v13 =	vmul.f32 v10, v10;
	v10 =	vmax.f32 v15, $0.0e+00;
	[tilespmem:s20+$0x10] =	vst v17  }
0x117: {  	[tilespmem:s20+$0x60] =	vst v6  }
0x118: {  	v14 =	vmul.f32 $5.000000000e-01, v14;
	v11 =	vmul.f32 v11, v11;
	v5 =	vmax.f32 v5, $0.0e+00;
	[tilespmem:s20+$0xFFFFFFD0] =	vst v7  }
0x119: {  	v12 =	vsub.f32 v12, v1;
	v8 =	vmax.f32 v8, $0.0e+00;
	v3 =	vmul.f32 v3, v3;
	[tilespmem:s20+$0xFFFFFFC0] =	vst v13  }
0x11a: {  	v1 =	vsub.f32 v4, v1;
	v5 =	vmul.f32 $5.000000000e-01, v5;
	v2 =	vmul.f32 v2, v2;
	[tilespmem:s20+$0xFFFFFFF0] =	vst v11  }
0x11b: {  	v4 =	vmul.f32 $5.000000000e-01, v8;
	v6 =	vmul.f32 v14, v14;
	[tilespmem:s20+$0x40] =	vst v3  }
0x11c: {  	v8 =	vmul.f32 $5.000000000e-01, v10;
	v1 =	vmax.f32 v1, $0.0e+00;
	v5 =	vmul.f32 v5, v5;
	[tilespmem:s20+$0xFFFFFF90] =	vst v2  }
0x11d: {  	v9 =	vmax.f32 v9, $0.0e+00;
	v4 =	vmul.f32 v4, v4;
	v1 =	vmul.f32 $5.000000000e-01, v1;
	[tilespmem:s20+$0xFFFFFFB0] =	vst v6  }
0x11e: {  	v7 =	vmax.f32 v12, $0.0e+00;
	v3 =	vmul.f32 v8, v8;
	v6 =	vmul.f32 $5.000000000e-01, v9;
	[tilespmem:s20+$0x20] =	vst v5  }
0x11f: {  	v5 =	vmul.f32 $5.000000000e-01, v7;
	[tilespmem:s20+$0x30] =	vst v4;
	v1 =	vmul.f32 v1, v1  }
0x120: {  	[tilespmem:s20+$0x0] =	vst v3;
	v6 =	vmul.f32 v6, v6  }
0x121: {  	v5 =	vmul.f32 v5, v5;
	[tilespmem:s20+$0xFFFFFFA0] =	vst v1  }
0x122: {  	[tilespmem:s20+$0xFFFFFFE0] =	vst v6  }
0x123: {  	[tilespmem:s20+$0xFFFFFF80] =	vst v5  }
0x124: {  	[hbm4b:s5+s14] =	stream.strided.scatter [tilespmem:s2], [sflag:$0x3], $0x8000, s12, s14, $0x38;
	[tilespmem:$0x18080] =	vst v63  }
0x125: {  	_ =	swait.ge [sflag:s16], $0x8000  }
0x126: {  	[sflag:s16] =	ssyncset.done $0x0  }
0x127: {  	s21 =	simm.s32 $0x8080;
	[sflag:s16] =	ssyncadd.s32 $0xFFFF8000  }
0x128: {  	v1 =	vld [tilespmem:s21+$0xFFFFFF80]  }
0x129: {  	v2 =	vld [tilespmem:s21+$0xFFFFFF90]  }
0x12a: {  	v3 =	vld [tilespmem:s21+$0xFFFFFFA0]  }
0x12b: {  	v4 =	vld [tilespmem:s21+$0xFFFFFFB0]  }
0x12c: {  	v5 =	vimm.f32 $-Inf;
	v6 =	vld [tilespmem:s21+$0xFFFFFFC0]  }
0x12d: {  	v1 =	vmax.f32 v5, v1;
	v5 =	vld [tilespmem:s21+$0xFFFFFFD0]  }
0x12e: {  	v1 =	vmax.f32 v1, v2;
	v2 =	vld [tilespmem:s21+$0xFFFFFFE0]  }
0x12f: {  	v1 =	vmax.f32 v1, v3;
	v3 =	vld [tilespmem:s21+$0xFFFFFFF0]  }
0x130: {  	v1 =	vmax.f32 v1, v4;
	v4 =	vld [tilespmem:s21+$0x0]  }
0x131: {  	v1 =	vmax.f32 v1, v6;
	v6 =	vld [tilespmem:s21+$0x10]  }
0x132: {  	v1 =	vmax.f32 v1, v5;
	v5 =	vld [tilespmem:s21+$0x20]  }
0x133: {  	v2 =	vmax.f32 v1, v2;
	v1 =	vld [tilespmem:s21+$0x30]  }
0x134: {  	v3 =	vmax.f32 v2, v3;
	v2 =	vld [tilespmem:s21+$0x40]  }
0x135: {  	v4 =	vmax.f32 v3, v4;
	v3 =	vld [tilespmem:s21+$0x50]  }
0x136: {  	v6 =	vmax.f32 v4, v6;
	v4 =	vld [tilespmem:s21+$0x60]  }
0x137: {  	s20 =	simm.s32 $0x0;
	v6 =	vmax.f32 v6, v5;
	v5 =	vld [tilespmem:s21+$0x70];
	s21 =	simm.s32 $0x8180  }
.LBB2_18:
0x138: {  	v7 =	vld [tilespmem:s21+$0xFFFFFF80];
	s20 =	sadd.s32 $0x100, s20;
	v1 =	vmax.f32 v6, v1  }
0x139: {  	v6 =	vld [tilespmem:s21+$0xFFFFFF90];
	p0 =	slt.u32 s20, $0x7F00;
	v1 =	vmax.f32 v1, v2  }
0x13a: {  	v2 =	vld [tilespmem:s21+$0xFFFFFFA0];
	v1 =	vmax.f32 v1, v3  }
0x13b: {  	v3 =	vld [tilespmem:s21+$0xFFFFFFB0];
	v1 =	vmax.f32 v1, v4  }
0x13c: {  	v4 =	vld [tilespmem:s21+$0xFFFFFFC0];
	v1 =	vmax.f32 v1, v5  }
0x13d: {  	v1 =	vmax.f32 v1, v7;
	v5 =	vld [tilespmem:s21+$0xFFFFFFD0]  }
0x13e: {  	v1 =	vmax.f32 v1, v6;
	v6 =	vld [tilespmem:s21+$0xFFFFFFE0]  }
0x13f: {  	v1 =	vmax.f32 v1, v2;
	v2 =	vld [tilespmem:s21+$0xFFFFFFF0]  }
0x140: {  	v1 =	vmax.f32 v1, v3;
	v3 =	vld [tilespmem:s21+$0x0]  }
0x141: {  	v1 =	vmax.f32 v1, v4;
	v4 =	vld [tilespmem:s21+$0x10]  }
0x142: {  	v1 =	vmax.f32 v1, v5;
	v5 =	vld [tilespmem:s21+$0x20]  }
.Ltmp13:
0x143: {  	v6 =	vmax.f32 v1, v6;
	v1 =	vld [tilespmem:s21+$0x30];
	(pc) =	sbr.rel @p0 .LBB2_18-.Ltmp13, $4  }
0x144: {  	v6 =	vmax.f32 v6, v2;
	v2 =	vld [tilespmem:s21+$0x40]  }
0x145: {  	v6 =	vmax.f32 v6, v3;
	v3 =	vld [tilespmem:s21+$0x50]  }
0x146: {  	v6 =	vmax.f32 v6, v4;
	v4 =	vld [tilespmem:s21+$0x60]  }
0x147: {  	v6 =	vmax.f32 v6, v5;
	v5 =	vld [tilespmem:s21+$0x70];
	s21 =	sadd.s32 $0x100, s21  }
0x148: {  	v1 =	vmax.f32 v6, v1  }
0x149: {  	v1 =	vmax.f32 v1, v2  }
0x14a: {  	v1 =	vmax.f32 v1, v3  }
0x14b: {  	v1 =	vmax.f32 v1, v4  }
0x14c: {  	v1 =	vmax.f32 v1, v5  }
0x14d: {  	(xrf0) =	vmax.scan.msk.f32 $0xffff, v1;
	_ =	sdelay $0x4  }
0x14e: {  	s20 =	simm.s32 $0x8080  }
0x14f: {  	v9 =	vld [tilespmem:s20+$0xFFFFFF80];
	v1, _, _ =	vpop (xrf0)  }
0x150: {  	v10 =	vld [tilespmem:s20+$0xFFFFFF90];
	v1 =	vbroadcast v1, $0xF  }
0x151: {  	v11 =	vld [tilespmem:s20+$0xFFFFFFA0]  }
0x152: {  	v13 =	vld [tilespmem:s20+$0xFFFFFFB0];
	v2 =	vadd.f32 $-2.000000000e+00, v1  }
0x153: {  	v14 =	vld [tilespmem:s20+$0xFFFFFFC0]  }
0x154: {  	v15 =	vld [tilespmem:s20+$0xFFFFFFD0];
	vm4 =	vgt.f32 v9, v2  }
0x155: {  	v16 =	vld [tilespmem:s20+$0xFFFFFFE0];
	vm2 =	vgt.f32 v10, v2;
	v3 =	vmpcnt.ones.xlane vm4  }
0x156: {  	v17 =	vld [tilespmem:s20+$0xFFFFFFF0];
	vm3 =	vgt.f32 v11, v2;
	v4 =	vmpcnt.ones.xlane vm2  }
0x157: {  	v18 =	vld [tilespmem:s20+$0x0];
	vm5 =	vgt.f32 v13, v2;
	v5 =	vmpcnt.ones.xlane vm3;
	(v2sf) =	vpush v3, $0x0  }
0x158: {  	v19 =	vld [tilespmem:s20+$0x10];
	vm6 =	vgt.f32 v14, v2;
	v3 =	vmpcnt.ones.xlane vm5;
	(v2sf) =	vpush v4, $0x0  }
0x159: {  	v20 =	vld [tilespmem:s20+$0x20];
	vm7 =	vgt.f32 v15, v2;
	v4 =	vmpcnt.ones.xlane vm6;
	(v2sf) =	vpush v5, $0x0  }
0x15a: {  	v21 =	vld [tilespmem:s20+$0x30];
	vm8 =	vgt.f32 v16, v2;
	v5 =	vmpcnt.ones.xlane vm7;
	(v2sf) =	vpush v3, $0x0  }
0x15b: {  	v22 =	vld [tilespmem:s20+$0x40];
	vm9 =	vgt.f32 v17, v2;
	v6 =	vmpcnt.ones.xlane vm8;
	(v2sf) =	vpush v4, $0x0  }
0x15c: {  	v23 =	vld [tilespmem:s20+$0x50];
	vm10 =	vgt.f32 v18, v2;
	v4 =	vmpcnt.ones.xlane vm9;
	(v2sf) =	vpush v5, $0x0  }
0x15d: {  	vm11 =	vgt.f32 v19, v2;
	v3 =	vld [tilespmem:s20+$0x60];
	v5 =	vmpcnt.ones.xlane vm10;
	(v2sf) =	vpush v6, $0x0  }
0x15e: {  	vm12 =	vgt.f32 v20, v2;
	v6 =	vmpcnt.ones.xlane vm11;
	(v2sf) =	vpush v4, $0x0;
	v4 =	vld [tilespmem:s20+$0x70]  }
0x15f: {  	vm13 =	vgt.f32 v21, v2;
	v7 =	vmpcnt.ones.xlane vm12;
	(v2sf) =	vpush v5, $0x0  }
0x160: {  	vm14 =	vgt.f32 v22, v2;
	v5 =	vmpcnt.ones.xlane vm13;
	(v2sf) =	vpush v6, $0x0  }
0x161: {  	s21 =	simm.s32 $0x8180;
	vm15 =	vgt.f32 v23, v2;
	v8 =	vmpcnt.ones.xlane vm14;
	(v2sf) =	vpush v7, $0x0  }
0x162: {  	v12 =	vld [tilespmem:s21+$0xFFFFFF80];
	v24 =	vmpcnt.ones.xlane vm15;
	vm0 =	vgt.f32 v3, v2;
	(v2sf) =	vpush v5, $0x0  }
0x163: {  	v6 =	vld [tilespmem:s21+$0xFFFFFF90];
	v25 =	vmpcnt.ones.xlane vm0;
	(v2sf) =	vpush v8, $0x0;
	vm1 =	vgt.f32 v4, v2  }
0x164: {  	v7 =	vld [tilespmem:s21+$0xFFFFFFA0];
	(v2sf) =	vpush v24, $0x0;
	v53 =	vmpcnt.ones.xlane vm1  }
0x165: {  	v5 =	vld [tilespmem:s21+$0xFFFFFFB0];
	(v2sf) =	vpush v25, $0x0  }
0x166: {  	s25 =	simm.s32 $0x0;
	v8 =	vld [tilespmem:s21+$0xFFFFFFC0];
	s22 =	spop (v2sf);
	(v2sf) =	vpush v53, $0x0  }
0x167: {  	[tilespmem:s25+$0x10000] =	vst.msk vm4, v9;
	vm4 =	vgt.f32 v12, v2;
	v9 =	vld [tilespmem:s21+$0xFFFFFFD0];
	s26 =	sadd.s32 $0x0, s22;
	s28 =	spop (v2sf)  }
0x168: {  	v54 =	vmpcnt.ones.xlane vm4;
	[tilespmem:s26+$0x10000] =	vst.msk vm2, v10;
	vm2 =	vgt.f32 v6, v2;
	v10 =	vld [tilespmem:s21+$0xFFFFFFE0];
	s20 =	sadd.s32 s26, s28;
	s29 =	spop (v2sf)  }
0x169: {  	v55 =	vmpcnt.ones.xlane vm2;
	[tilespmem:s20+$0x10000] =	vst.msk vm3, v11;
	vm3 =	vgt.f32 v7, v2;
	v11 =	vld [tilespmem:s21+$0xFFFFFFF0];
	s20 =	sadd.s32 s20, s29;
	s30 =	spop (v2sf)  }
0x16a: {  	(v2sf) =	vpush v54, $0x0;
	v26 =	vmpcnt.ones.xlane vm3;
	[tilespmem:s20+$0x10000] =	vst.msk vm5, v13;
	vm5 =	vgt.f32 v5, v2;
	v13 =	vld [tilespmem:s21+$0x0];
	s20 =	sadd.s32 s20, s30;
	s31 =	spop (v2sf)  }
0x16b: {  	v56 =	vmpcnt.ones.xlane vm5;
	[tilespmem:s20+$0x10000] =	vst.msk vm6, v14;
	vm6 =	vgt.f32 v8, v2;
	v14 =	vld [tilespmem:s21+$0x10];
	(v2sf) =	vpush v55, $0x0;
	s20 =	sadd.s32 s20, s31;
	s23 =	spop (v2sf)  }
0x16c: {  	v57 =	vmpcnt.ones.xlane vm6;
	[tilespmem:s20+$0x10000] =	vst.msk vm7, v15;
	vm7 =	vgt.f32 v9, v2;
	v15 =	vld [tilespmem:s21+$0x20];
	(v2sf) =	vpush v26, $0x0;
	s20 =	sadd.s32 s20, s23;
	s24 =	spop (v2sf)  }
0x16d: {  	v58 =	vmpcnt.ones.xlane vm7;
	[tilespmem:s20+$0x10000] =	vst.msk vm8, v16;
	vm8 =	vgt.f32 v10, v2;
	v16 =	vld [tilespmem:s21+$0x30];
	(v2sf) =	vpush v56, $0x0;
	s20 =	sadd.s32 s20, s24;
	s25 =	spop (v2sf)  }
0x16e: {  	v59 =	vmpcnt.ones.xlane vm8;
	[tilespmem:s20+$0x10000] =	vst.msk vm9, v17;
	vm9 =	vgt.f32 v11, v2;
	v17 =	vld [tilespmem:s21+$0x40];
	(v2sf) =	vpush v57, $0x0;
	s20 =	sadd.s32 s20, s25;
	s26 =	spop (v2sf)  }
0x16f: {  	v60 =	vmpcnt.ones.xlane vm9;
	[tilespmem:s20+$0x10000] =	vst.msk vm10, v18;
	vm10 =	vgt.f32 v13, v2;
	v18 =	vld [tilespmem:s21+$0x50];
	(v2sf) =	vpush v58, $0x0;
	s20 =	sadd.s32 s20, s26;
	s28 =	spop (v2sf)  }
0x170: {  	v61 =	vmpcnt.ones.xlane vm10;
	[tilespmem:s20+$0x10000] =	vst.msk vm11, v19;
	vm11 =	vgt.f32 v14, v2;
	(v2sf) =	vpush v59, $0x0;
	s20 =	sadd.s32 s20, s28;
	s29 =	spop (v2sf);
	v19 =	vld [tilespmem:s21+$0x60]  }
0x171: {  	v62 =	vmpcnt.ones.xlane vm11;
	[tilespmem:s20+$0x10000] =	vst.msk vm12, v20;
	vm12 =	vgt.f32 v15, v2;
	(v2sf) =	vpush v60, $0x0;
	s20 =	sadd.s32 s20, s29;
	s30 =	spop (v2sf);
	v20 =	vld [tilespmem:s21+$0x70]  }
0x172: {  	v63 =	vmpcnt.ones.xlane vm12;
	[tilespmem:s20+$0x10000] =	vst.msk vm13, v21;
	vm13 =	vgt.f32 v16, v2;
	(v2sf) =	vpush v61, $0x0;
	s22 =	sadd.s32 s20, s30;
	s23 =	spop (v2sf)  }
0x173: {  	s21 =	simm.s32 $0x8280;
	v21 =	vmpcnt.ones.xlane vm13;
	[tilespmem:s22+$0x10000] =	vst.msk vm14, v22;
	vm14 =	vgt.f32 v17, v2;
	(v2sf) =	vpush v62, $0x0;
	s22 =	sadd.s32 s22, s23;
	s31 =	spop (v2sf)  }
0x174: {  	s20 =	simm.s32 $0x100;
	v22 =	vmpcnt.ones.xlane vm14;
	[tilespmem:s22+$0x10000] =	vst.msk vm15, v23;
	vm15 =	vgt.f32 v18, v2;
	(v2sf) =	vpush v63, $0x0;
	s22 =	sadd.s32 s22, s31;
	s23 =	spop (v2sf)  }
.LBB2_20:
0x175: {  	v23 =	vld [tilespmem:s21+$0xFFFFFF80];
	s20 =	sadd.s32 $0x100, s20;
	v24 =	vmpcnt.ones.xlane vm15;
	(v2sf) =	vpush v21, $0x0;
	[tilespmem:s22+$0x10000] =	vst.msk vm0, v3;
	vm0 =	vgt.f32 v19, v2;
	s22 =	sadd.s32 s22, s23;
	s23 =	spop (v2sf);
	v3 =	vmovc v19  }
0x176: {  	v19 =	vld [tilespmem:s21+$0xFFFFFF90];
	p0 =	slt.u32 s20, $0x7F00;
	v21 =	vmpcnt.ones.xlane vm0;
	(v2sf) =	vpush v22, $0x0;
	[tilespmem:s22+$0x10000] =	vst.msk vm1, v4;
	vm1 =	vgt.f32 v20, v2;
	s22 =	sadd.s32 s22, s23;
	v4 =	vmovc v20  }
0x177: {  	v20 =	vld [tilespmem:s21+$0xFFFFFFA0];
	[tilespmem:s22+$0x10000] =	vst.msk vm4, v12;
	v25 =	vmpcnt.ones.xlane vm1;
	(v2sf) =	vpush v24, $0x0  }
0x178: {  	v22 =	vld [tilespmem:s21+$0xFFFFFFB0];
	(v2sf) =	vpush v21, $0x0  }
0x179: {  	v21 =	vld [tilespmem:s21+$0xFFFFFFC0];
	s23 =	spop (v2sf);
	(v2sf) =	vpush v25, $0x0  }
0x17a: {  	vm4 =	vgt.f32 v23, v2;
	v24 =	vld [tilespmem:s21+$0xFFFFFFD0];
	s22 =	sadd.s32 s22, s23;
	s23 =	spop (v2sf);
	v12 =	vmov v23  }
0x17b: {  	v23 =	vmpcnt.ones.xlane vm4;
	v25 =	vld [tilespmem:s21+$0xFFFFFFE0];
	[tilespmem:s22+$0x10000] =	vst.msk vm2, v6;
	vm2 =	vgt.f32 v19, v2;
	s22 =	sadd.s32 s22, s23;
	s23 =	spop (v2sf);
	v6 =	vmov v19  }
0x17c: {  	v19 =	vmpcnt.ones.xlane vm2;
	v26 =	vld [tilespmem:s21+$0xFFFFFFF0];
	[tilespmem:s22+$0x10000] =	vst.msk vm3, v7;
	vm3 =	vgt.f32 v20, v2;
	s22 =	sadd.s32 s22, s23;
	s23 =	spop (v2sf);
	v7 =	vmov v20  }
0x17d: {  	v20 =	vmpcnt.ones.xlane vm3;
	v27 =	vld [tilespmem:s21+$0x0];
	(v2sf) =	vpush v23, $0x0;
	[tilespmem:s22+$0x10000] =	vst.msk vm5, v5;
	vm5 =	vgt.f32 v22, v2;
	s22 =	sadd.s32 s22, s23;
	s23 =	spop (v2sf);
	v5 =	vmovc v22  }
0x17e: {  	v22 =	vmpcnt.ones.xlane vm5;
	v23 =	vld [tilespmem:s21+$0x10];
	(v2sf) =	vpush v19, $0x0;
	[tilespmem:s22+$0x10000] =	vst.msk vm6, v8;
	vm6 =	vgt.f32 v21, v2;
	s22 =	sadd.s32 s22, s23;
	s23 =	spop (v2sf);
	v8 =	vmovc v21  }
0x17f: {  	v19 =	vmpcnt.ones.xlane vm6;
	v21 =	vld [tilespmem:s21+$0x20];
	(v2sf) =	vpush v20, $0x0;
	[tilespmem:s22+$0x10000] =	vst.msk vm7, v9;
	vm7 =	vgt.f32 v24, v2;
	s22 =	sadd.s32 s22, s23;
	s23 =	spop (v2sf);
	v9 =	vmovc v24  }
0x180: {  	v20 =	vmpcnt.ones.xlane vm7;
	v24 =	vld [tilespmem:s21+$0x30];
	(v2sf) =	vpush v22, $0x0;
	[tilespmem:s22+$0x10000] =	vst.msk vm8, v10;
	vm8 =	vgt.f32 v25, v2;
	s22 =	sadd.s32 s22, s23;
	s23 =	spop (v2sf);
	v10 =	vmovc v25  }
0x181: {  	v22 =	vmpcnt.ones.xlane vm8;
	v25 =	vld [tilespmem:s21+$0x40];
	(v2sf) =	vpush v19, $0x0;
	[tilespmem:s22+$0x10000] =	vst.msk vm9, v11;
	vm9 =	vgt.f32 v26, v2;
	s22 =	sadd.s32 s22, s23;
	s23 =	spop (v2sf);
	v11 =	vmovc v26  }
0x182: {  	v26 =	vmpcnt.ones.xlane vm9;
	v28 =	vld [tilespmem:s21+$0x50];
	(v2sf) =	vpush v20, $0x0;
	[tilespmem:s22+$0x10000] =	vst.msk vm10, v13;
	vm10 =	vgt.f32 v27, v2;
	s22 =	sadd.s32 s22, s23;
	s23 =	spop (v2sf);
	v13 =	vmovc v27  }
.Ltmp14:
0x183: {  	v27 =	vmpcnt.ones.xlane vm10;
	v19 =	vld [tilespmem:s21+$0x60];
	(v2sf) =	vpush v22, $0x0;
	[tilespmem:s22+$0x10000] =	vst.msk vm11, v14;
	vm11 =	vgt.f32 v23, v2;
	s22 =	sadd.s32 s22, s23;
	s23 =	spop (v2sf);
	v14 =	vmovc v23;
	(pc) =	sbr.rel @p0 .LBB2_20-.Ltmp14, $4  }
0x184: {  	v22 =	vmpcnt.ones.xlane vm11;
	v20 =	vld [tilespmem:s21+$0x70];
	(v2sf) =	vpush v26, $0x0;
	[tilespmem:s22+$0x10000] =	vst.msk vm12, v15;
	vm12 =	vgt.f32 v21, v2;
	s22 =	sadd.s32 s22, s23;
	s23 =	spop (v2sf);
	v15 =	vmovc v21  }
0x185: {  	v23 =	vmpcnt.ones.xlane vm12;
	(v2sf) =	vpush v27, $0x0;
	[tilespmem:s22+$0x10000] =	vst.msk vm13, v16;
	vm13 =	vgt.f32 v24, v2;
	s22 =	sadd.s32 s22, s23;
	s23 =	spop (v2sf);
	v16 =	vmovc v24  }
0x186: {  	v21 =	vmpcnt.ones.xlane vm13;
	(v2sf) =	vpush v22, $0x0;
	[tilespmem:s22+$0x10000] =	vst.msk vm14, v17;
	vm14 =	vgt.f32 v25, v2;
	s22 =	sadd.s32 s22, s23;
	s23 =	spop (v2sf);
	v17 =	vmovc v25  }
0x187: {  	s21 =	sadd.s32 $0x100, s21;
	v22 =	vmpcnt.ones.xlane vm14;
	(v2sf) =	vpush v23, $0x0;
	[tilespmem:s22+$0x10000] =	vst.msk vm15, v18;
	vm15 =	vgt.f32 v28, v2;
	s22 =	sadd.s32 s22, s23;
	s23 =	spop (v2sf);
	v18 =	vmovc v28  }
0x188: {  	(v2sf) =	vpush v21, $0x0;
	v62 =	vimm.s32 $0x0  }
0x189: {  	v63 =	vimm.s32 $0x0;
	v21 =	vsel vm0, $0xFFFFFFFF, v62;
	vm0 =	vgt.f32 v19, v2  }
0x18a: {  	[tilespmem:$0x1FFA0] =	vst v21;
	v21 =	vsel vm0, $0xFFFFFFFF, v63  }
0x18b: {  	[tilespmem:$0x1FFB0] =	vst v21  }
0x18c: {  	v21 =	vld [tilespmem:$0x1FFB0];
	_ =	sdelay $0x4  }
0x18d: {  	v23 =	vmpcnt.ones.xlane vm15;
	vm0 =	vnez.u8 v21  }
0x18e: {  	v21 =	vmpcnt.ones.xlane vm0;
	vm0 =	vgt.f32 v20, v2;
	v2 =	vimm.s32 $0x0  }
0x18f: {  	(v2sf) =	vpush v22, $0x0;
	v2 =	vsel vm0, $0xFFFFFFFF, v2  }
0x190: {  	(v2sf) =	vpush v23, $0x0;
	[tilespmem:$0x1FFC0] =	vst v2;
	v2 =	vmpcnt.ones.xlane vm0  }
0x191: {  	s20 =	sadd.s32 s22, s23;
	s21 =	spop (v2sf);
	(v2sf) =	vpush v21, $0x0  }
0x192: {  	s21 =	sadd.s32 s20, s21;
	s25 =	spop (v2sf);
	(v2sf) =	vpush v2, $0x0;
	v2 =	vld [tilespmem:$0x1FFA0];
	[tilespmem:s20+$0x10000] =	vst.msk vm1, v4  }
0x193: {  	s23 =	sadd.s32 s21, s25;
	s24 =	spop (v2sf);
	[tilespmem:s21+$0x10000] =	vst.msk vm4, v12  }
0x194: {  	s26 =	sadd.s32 s23, s24;
	s28 =	spop (v2sf);
	[tilespmem:s23+$0x10000] =	vst.msk vm2, v6  }
0x195: {  	s29 =	sadd.s32 s26, s28;
	s30 =	spop (v2sf);
	[tilespmem:s26+$0x10000] =	vst.msk vm3, v7  }
0x196: {  	s31 =	spop (v2sf);
	s21 =	sadd.s32 s29, s30;
	[tilespmem:s29+$0x10000] =	vst.msk vm5, v5  }
0x197: {  	s25 =	spop (v2sf);
	s23 =	sadd.s32 s21, s31;
	[tilespmem:s21+$0x10000] =	vst.msk vm6, v8  }
0x198: {  	s28 =	spop (v2sf);
	s26 =	sadd.s32 s23, s25;
	[tilespmem:s23+$0x10000] =	vst.msk vm7, v9  }
0x199: {  	s30 =	spop (v2sf);
	s29 =	sadd.s32 s26, s28;
	[tilespmem:s26+$0x10000] =	vst.msk vm8, v10  }
0x19a: {  	s21 =	sadd.s32 s29, s30;
	[tilespmem:s29+$0x10000] =	vst.msk vm9, v11  }
0x19b: {  	s31 =	spop (v2sf);
	vm0 =	vnez.u8 v2;
	[tilespmem:s21+$0x10000] =	vst.msk vm10, v13  }
0x19c: {  	s25 =	spop (v2sf);
	s23 =	sadd.s32 s21, s31;
	[tilespmem:s22+$0x10000] =	vst.msk vm0, v3  }
0x19d: {  	s28 =	spop (v2sf);
	s26 =	sadd.s32 s23, s25;
	[tilespmem:s23+$0x10000] =	vst.msk vm11, v14  }
0x19e: {  	s30 =	spop (v2sf);
	s29 =	sadd.s32 s26, s28;
	[tilespmem:s26+$0x10000] =	vst.msk vm12, v15  }
0x19f: {  	s31 =	spop (v2sf);
	s21 =	sadd.s32 s29, s30;
	[tilespmem:s29+$0x10000] =	vst.msk vm13, v16  }
0x1a0: {  	s23 =	sadd.s32 s21, s31;
	[tilespmem:s21+$0x10000] =	vst.msk vm14, v17  }
0x1a1: {  	[tilespmem:s23+$0x10000] =	vst.msk vm15, v18  }
0x1a2: {  	v2 =	vld [tilespmem:$0x1FFB0];
	_ =	sdelay $0x3  }
0x1a3: {  	s25 =	spop (v2sf)  }
0x1a4: {  	s26 =	sadd.s32 s23, s25;
	vm14 =	vnez.u8 v2  }
0x1a5: {  	[tilespmem:s26+$0x10000] =	vst.msk vm14, v19  }
0x1a6: {  	s28 =	spop (v2sf);
	v2 =	vld [tilespmem:$0x1FFC0]  }
0x1a7: {  	s29 =	sadd.s32 s26, s28;
	s30 =	spop (v2sf)  }
0x1a8: {  	s31 =	sadd.s32 s29, s30  }
0x1a9: {  	s25 =	sadd.s32 $0xF, s31  }
0x1aa: {  	s28 =	sand.u32 $0xF, s25  }
0x1ab: {  	s26 =	sshra.s32 s25, $0x1F;
	p0 =	slt.s32 s25, $0x1;
	p1 =	sne.s32 s28, $0x0;
	vm15 =	vnez.u8 v2  }
0x1ac: {  	p0 =	por !p0, !p1;
	[tilespmem:s29+$0x10000] =	vst.msk vm15, v20;
	s29 =	sshrl.u32 s26, $0x1C  }
0x1ad: {  	s21 =	simm.s32 $0x1;
	p0 =	por !p0, !p0;
	[tilespmem:s31+$0x10000] =	vst v0;
	s20 =	sadd.s32 s29, s25  }
0x1ae: {  	s21 =	simm.s32 @!p0 $0x0;
	_ =	swait.ge [sflag:s17], $0x8000;
	s20 =	sshra.s32 s20, $0x4  }
0x1af: {  	[sflag:s17] =	ssyncset.done $0x0;
	s20 =	ssub.s32 s20, s21;
	s21 =	simm.s32 $0x0  }
.Ltmp15:
0x1b0: {  	[sflag:s17] =	ssyncadd.s32 $0xFFFF8000;
	s30 =	sshll.u32 s20, $0x6;
	(pc) =	sbr.rel .LBB2_22-.Ltmp15, $4  }
0x1b1: {  	[tilespmem:s21], [sflag:$0x1] =	stream.strided.gather [hbm4b:s6+s14], $0x8000, s12, s14, $0x38;
	[tilespmem:$0x18080] =	vst v63  }
0x1b2: {  	s20 =	sshll.u32 s20, $0x4;
	s31 =	sshra.s32 s30, $0x2  }
0x1b3: {  	s22 =	sand.u32 $0xFFFFFFC0, s20;
	s23 =	sand.u32 $0xFFFFFFC0, s31  }
0x1b4: {  	v2 =	vimm.f32 $-1.000000000e+00;
	p0 =	slt.s32 s20, $0x40;
	p1 =	seq.s32 s22, s20;
	s23 =	sadd.s32 $0x10000, s23  }
.LBB2_30:
0x1b5: {  	(xrf2) =	vadd.scan.msk.f32 $0xffff, v4;
	_ =	sdelay $0x6  }
0x1b6: {  	(xrf2) =	vadd.scan.msk.f32 $0xffff, v5;
	_ =	sdelay $0x2  }
0x1b7: {  	v3, _, _ =	vpop (xrf2)  }
0x1b8: {  	v3 =	vmax.f32 v3, $1.000000000e-30  }
0x1b9: {  	v3 =	vbroadcast v3, $0xF;
	_ =	sdelay $0x1  }
0x1ba: {  	(erf) = vrcp.f32 v3;
	_ =	sdelay $0x2  }
0x1bb: {  	v3, _, _ =	vpop (xrf2)  }
0x1bc: {  	v3 =	vmul.f32 $2.500000000e-01, v3;
	_ =	sdelay $0x1  }
0x1bd: {  	v3 =	vadd.f32 $-1.000000000e+00, v3;
	_ =	sdelay $0x1  }
0x1be: {  	v3 =	vbroadcast v3, $0xF  }
0x1bf: {  	v63 =	vpop (erf)  }
0x1c0: {  	v3 =	vmul.f32 v3, v63;
	_ =	sdelay $0x1  }
0x1c1: {  	(v2sf) =	vpush v3, $0x0;
	_ =	sdelay $0xe  }
0x1c2: {  	p2 =	sgt.u32 s21, $0x16;
	s24 =	spop (v2sf)  }
0x1c3: {  	p3 =	sgt.f32 @!p2 s24, $1.000000010e-07;
	_ =	sdelay $0x1  }
0x1c4: {  	p2 =	por p2, !p3  }
.Ltmp16:
0x1c5: {  	_ = 	snop;
	(pc) =	sbr.rel @p2 .LBB2_31-.Ltmp16, $2  }
0x1c6: {  	_ =	sdelay $0x2  }
0x1c7: {  	s21 =	sadd.s32 $0x1, s21;
	v2 =	vadd.f32 v3, v2  }
.LBB2_22:
.Ltmp17:
0x1c8: {  	(pc) =	sbr.rel @p0 .LBB2_28-.Ltmp17, $3  }
0x1c9: {  	_ = 	snop  }
0x1ca: {  	v3 =	vadd.f32 v2, v2;
	_ =	sdelay $0x1  }
0x1cb: {  	v4 =	vimm.f32 $0.0e+00;
	v5 =	vimm.f32 $0.0e+00;
	v3 =	vadd.f32 v3, v1  }
0x1cc: {  	s24 =	simm.s32 $0x10020  }
0x1cd: {  	v5 =	vld [tilespmem:s24+$0xFFFFFFE0];
	_ =	sdelay $0x1  }
0x1ce: {  	p3 =	sgt.s32 s22, $0x40;
	v8 =	vld [tilespmem:s24+$0xFFFFFFF0]  }
.Ltmp18:
0x1cf: {  	_ = 	snop;
	(pc) =	sbr.rel @!p3 .LBB2_24-.Ltmp18, $4  }
0x1d0: {  	_ = 	snop  }
0x1d1: {  	v7 =	vsub.f32 v5, v3  }
0x1d2: {  	v6 =	vld [tilespmem:s24+$0x0]  }
0x1d3: {  	v4 =	vimm.f32 $0.0e+00;
	s25 =	simm.s32 $0x10060;
	p2 =	por $0x0, $0x0;
	v5 =	vld [tilespmem:s24+$0x10];
	v8 =	vsub.f32 v8, v3;
	v7 =	vmax.f32 v7, $0.0e+00  }
0x1d4: {  	_ =	sdelay $0x1  }
0x1d5: {  	v9 =	vld [tilespmem:s25+$0xFFFFFFE0];
	v10 =	vmul.f32 v7, v7  }
0x1d6: {  	v8 =	vmax.f32 v8, $0.0e+00;
	v6 =	vsub.f32 v6, v3  }
0x1d7: {  	v13 =	vld [tilespmem:s25+$0xFFFFFFF0];
	v7 =	vadd.f32 v7, v4;
	p3 =	sgt.s32 s22, $0x80;
	v10 =	vadd.f32 v10, v4;
	v11 =	vmul.f32 v8, v8  }
.Ltmp19:
0x1d8: {  	v5 =	vsub.f32 v5, v3;
	v12 =	vmax.f32 v6, $0.0e+00;
	(pc) =	sbr.rel @!p3 .LBB2_27-.Ltmp19, $4  }
0x1d9: {  	v7 =	vadd.f32 v8, v7;
	v8 =	vadd.f32 v11, v10;
	v6 =	vld [tilespmem:s25+$0x0];
	v11 =	vmul.f32 v12, v12  }
0x1da: {  	v14 =	vsub.f32 v9, v3;
	v9 =	vmax.f32 v5, $0.0e+00  }
0x1db: {  	v10 =	vadd.f32 v12, v7;
	v5 =	vld [tilespmem:s25+$0x10];
	v12 =	vmul.f32 v9, v9;
	v11 =	vadd.f32 v11, v8  }
0x1dc: {  	s24 =	simm.s32 $0x80;
	p2 =	por $0x1, $0x1;
	s25 =	simm.s32 $0x100A0;
	v7 =	vmax.f32 v14, $0.0e+00;
	v8 =	vsub.f32 v13, v3  }
.LBB2_26:
0x1dd: {  	v13 =	vld [tilespmem:s25+$0xFFFFFFE0];
	s24 =	sadd.s32 $0x40, s24;
	v14 =	vmul.f32 v7, v7;
	v9 =	vadd.f32 v9, v10;
	v10 =	vadd.f32 v12, v11  }
0x1de: {  	p3 =	slt.s32 s24, s22;
	v8 =	vmax.f32 v8, $0.0e+00;
	v6 =	vsub.f32 v6, v3  }
0x1df: {  	v15 =	vld [tilespmem:s25+$0xFFFFFFF0];
	v7 =	vadd.f32 v7, v9;
	v9 =	vadd.f32 v14, v10;
	v10 =	vmul.f32 v8, v8  }
.Ltmp20:
0x1e0: {  	v11 =	vmax.f32 v6, $0.0e+00;
	v5 =	vsub.f32 v5, v3;
	(pc) =	sbr.rel @p3 .LBB2_26-.Ltmp20, $4  }
0x1e1: {  	v6 =	vld [tilespmem:s25+$0x0];
	v7 =	vadd.f32 v8, v7;
	v8 =	vadd.f32 v10, v9;
	v12 =	vmul.f32 v11, v11  }
0x1e2: {  	v13 =	vsub.f32 v13, v3;
	v9 =	vmax.f32 v5, $0.0e+00  }
0x1e3: {  	v5 =	vld [tilespmem:s25+$0x10];
	v10 =	vadd.f32 v11, v7;
	v11 =	vadd.f32 v12, v8;
	v12 =	vmul.f32 v9, v9  }
0x1e4: {  	s25 =	sadd.s32 $0x40, s25;
	v7 =	vmax.f32 v13, $0.0e+00;
	v8 =	vsub.f32 v15, v3  }
.LBB2_27:
0x1e5: {  	v9 =	vadd.f32 @p2 v9, v10;
	v10 =	vadd.f32 @p2 v12, v11  }
0x1e6: {  	v60 =	vmul.f32 v7, v7;
	v8 =	vmax.f32 v8, $0.0e+00  }
0x1e7: {  	v6 =	vsub.f32 v6, v3;
	v9 =	vpsel p2, v9, v4;
	v4 =	vpsel p2, v10, v4  }
0x1e8: {  	v61 =	vmul.f32 v8, v8;
	v7 =	vadd.f32 v7, v9;
	v4 =	vadd.f32 v60, v4  }
0x1e9: {  	v6 =	vmax.f32 v6, $0.0e+00;
	v5 =	vsub.f32 v5, v3  }
0x1ea: {  	v62 =	vmul.f32 v6, v6;
	v7 =	vadd.f32 v8, v7;
	v4 =	vadd.f32 v61, v4  }
0x1eb: {  	v5 =	vmax.f32 v5, $0.0e+00  }
0x1ec: {  	v63 =	vmul.f32 v5, v5;
	v6 =	vadd.f32 v6, v7;
	v7 =	vadd.f32 v62, v4;
	_ =	sdelay $0x1  }
0x1ed: {  	v4 =	vadd.f32 v5, v6;
	v5 =	vadd.f32 v63, v7  }
.LBB2_28:
.Ltmp21:
0x1ee: {  	(pc) =	sbr.rel @p1 .LBB2_30-.Ltmp21, $2  }
0x1ef: {  	_ =	sdelay $0x2  }
0x1f0: {  	s24 =	smov.u32 s23;
	s25 =	smov.u32 s22  }
.LBB2_29:
0x1f1: {  	v6 =	vld [tilespmem:s24+$0x0];
	_ =	sdelay $0x3  }
0x1f2: {  	s25 =	sadd.s32 $0x10, s25  }
0x1f3: {  	p2 =	slt.s32 s25, s20;
	v6 =	vsub.f32 v6, v3  }
.Ltmp22:
0x1f4: {  	_ = 	snop;
	(pc) =	sbr.rel @p2 .LBB2_29-.Ltmp22, $3  }
0x1f5: {  	v6 =	vmax.f32 v6, $0.0e+00  }
0x1f6: {  	v7 =	vmul.f32 v6, v6;
	_ =	sdelay $0x1  }
0x1f7: {  	s24 =	sadd.s32 $0x10, s24;
	v4 =	vadd.f32 v6, v4;
	v5 =	vadd.f32 v7, v5  }
.Ltmp23:
0x1f8: {  	_ = 	snop;
	(pc) =	sbr.rel .LBB2_30-.Ltmp23, $1  }
0x1f9: {  	_ =	sdelay $0x3  }
.LBB2_24:
.Ltmp24:
0x1fa: {  	(pc) =	sbr.rel .LBB2_27-.Ltmp24, $2  }
0x1fb: {  	_ =	sdelay $0x2  }
0x1fc: {  	_ = 	snop  }
.LBB2_31:
0x1fd: {  	s20 =	simm.s32 $0x8080  }
0x1fe: {  	v3 =	vld [tilespmem:s20+$0xFFFFFFD0]  }
0x1ff: {  	v4 =	vld [tilespmem:s20+$0x70]  }
0x200: {  	v5 =	vld [tilespmem:s20+$0x50]  }
0x201: {  	v6 =	vld [tilespmem:s20+$0x60]  }
0x202: {  	v2 =	vadd.f32 v2, v2;
	v7 =	vld [tilespmem:s20+$0x40]  }
0x203: {  	v8 =	vld [tilespmem:s20+$0x10]  }
0x204: {  	v9 =	vld [tilespmem:s20+$0x20];
	v1 =	vadd.f32 v2, v1  }
0x205: {  	v2 =	vld [tilespmem:s20+$0xFFFFFFC0]  }
0x206: {  	v11 =	vld [tilespmem:s20+$0xFFFFFFF0];
	v4 =	vsub.f32 v4, v1  }
0x207: {  	v12 =	vld [tilespmem:s20+$0x30];
	v3 =	vsub.f32 v3, v1;
	v10 =	vsub.f32 v5, v1  }
0x208: {  	v5 =	vsub.f32 v6, v1;
	v6 =	vsub.f32 v8, v1;
	v8 =	vld [tilespmem:s20+$0xFFFFFFB0]  }
0x209: {  	v14 =	vld [tilespmem:s20+$0xFFFFFF90];
	v7 =	vsub.f32 v7, v1;
	v4 =	vmax.f32 v4, $0.0e+00;
	v13 =	vmax.f32 v3, $0.0e+00  }
0x20a: {  	v2 =	vsub.f32 v2, v1;
	v3 =	vmul.f32 $5.000000000e-01, v4;
	v4 =	vmax.f32 v5, $0.0e+00  }
0x20b: {  	v5 =	vmax.f32 v6, $0.0e+00;
	v6 =	vmax.f32 v7, $0.0e+00;
	v4 =	vmul.f32 $5.000000000e-01, v4  }
0x20c: {  	v15 =	vld [tilespmem:s20+$0xFFFFFFE0];
	v16 =	vmul.f32 $5.000000000e-01, v5;
	v5 =	vsub.f32 v9, v1;
	v9 =	vsub.f32 v11, v1  }
0x20d: {  	v7 =	vmul.f32 v3, v3;
	v3 =	vmul.f32 $5.000000000e-01, v6;
	v18 =	vsub.f32 v8, v1  }
0x20e: {  	v17 =	vld [tilespmem:s20+$0x0];
	v6 =	vmax.f32 v10, $0.0e+00;
	v8 =	vsub.f32 v12, v1;
	v12 =	vsub.f32 v14, v1  }
0x20f: {  	v10 =	vmul.f32 $5.000000000e-01, v6;
	v6 =	vmul.f32 v4, v4;
	v4 =	vmax.f32 v9, $0.0e+00  }
0x210: {  	v2 =	vmax.f32 v2, $0.0e+00;
	v11 =	vmul.f32 $5.000000000e-01, v4;
	v4 =	vld [tilespmem:s20+$0xFFFFFFA0]  }
0x211: {  	v9 =	vsub.f32 v15, v1;
	v15 =	vmul.f32 $5.000000000e-01, v2;
	v2 =	vmax.f32 v12, $0.0e+00;
	v12 =	vld [tilespmem:s20+$0xFFFFFF80]  }
0x212: {  	v13 =	vmul.f32 $5.000000000e-01, v13;
	v16 =	vmul.f32 v16, v16  }
0x213: {  	v17 =	vsub.f32 v17, v1;
	[tilespmem:s20+$0x70] =	vst v7;
	v10 =	vmul.f32 v10, v10  }
0x214: {  	v14 =	vmax.f32 v18, $0.0e+00;
	v7 =	vmul.f32 v13, v13;
	[tilespmem:s20+$0x10] =	vst v16  }
0x215: {  	s21 =	simm.s32 $0x0;
	s22 =	simm.s32 $0x8180;
	v2 =	vmul.f32 $5.000000000e-01, v2;
	v13 =	vmul.f32 v15, v15;
	[tilespmem:s20+$0x50] =	vst v10;
	v10 =	vmax.f32 v17, $0.0e+00  }
.LBB2_32:
0x216: {  	v15 =	vld [tilespmem:s22+$0xFFFFFFD0];
	s21 =	sadd.s32 $0x100, s21;
	v12 =	vsub.f32 v12, v1;
	v4 =	vsub.f32 v4, v1;
	v14 =	vmul.f32 $5.000000000e-01, v14  }
0x217: {  	v11 =	vmul.f32 v11, v11;
	v5 =	vmax.f32 v5, $0.0e+00;
	v8 =	vmax.f32 v8, $0.0e+00;
	v16 =	vld [tilespmem:s22+$0x70];
	p0 =	slt.u32 s21, $0x7F00;
	[tilespmem:s20+$0x60] =	vst v6  }
0x218: {  	v8 =	vmul.f32 $5.000000000e-01, v8;
	v6 =	vld [tilespmem:s22+$0x50];
	v12 =	vmax.f32 v12, $0.0e+00;
	v14 =	vmul.f32 v14, v14;
	[tilespmem:s20+$0xFFFFFFC0] =	vst v13  }
0x219: {  	v9 =	vmax.f32 v9, $0.0e+00;
	v5 =	vmul.f32 $5.000000000e-01, v5;
	v13 =	vld [tilespmem:s22+$0x60];
	v12 =	vmul.f32 $5.000000000e-01, v12;
	[tilespmem:s20+$0xFFFFFFF0] =	vst v11  }
0x21a: {  	v10 =	vmul.f32 $5.000000000e-01, v10;
	v3 =	vmul.f32 v3, v3;
	v4 =	vmax.f32 v4, $0.0e+00;
	v11 =	vld [tilespmem:s22+$0x40]  }
0x21b: {  	v9 =	vmul.f32 $5.000000000e-01, v9;
	v5 =	vmul.f32 v5, v5;
	v17 =	vld [tilespmem:s22+$0x10];
	[tilespmem:s20+$0xFFFFFFB0] =	vst v14  }
0x21c: {  	v18 =	vmul.f32 $5.000000000e-01, v4;
	v14 =	vld [tilespmem:s22+$0xFFFFFFC0];
	v16 =	vsub.f32 v16, v1;
	[tilespmem:s20+$0xFFFFFFD0] =	vst v7;
	v7 =	vmul.f32 v10, v10  }
0x21d: {  	v9 =	vmul.f32 v9, v9;
	v4 =	vsub.f32 v15, v1;
	v10 =	vld [tilespmem:s22+$0x20];
	v6 =	vsub.f32 v6, v1;
	[tilespmem:s20+$0x20] =	vst v5  }
0x21e: {  	v8 =	vmul.f32 v8, v8;
	v15 =	vld [tilespmem:s22+$0xFFFFFFF0];
	v5 =	vsub.f32 v13, v1;
	v13 =	vmax.f32 v16, $0.0e+00;
	[tilespmem:s20+$0x40] =	vst v3  }
0x21f: {  	v12 =	vmul.f32 v12, v12;
	v16 =	vmax.f32 v4, $0.0e+00;
	v19 =	vld [tilespmem:s22+$0x30];
	v3 =	vmul.f32 $5.000000000e-01, v13;
	[tilespmem:s20+$0xFFFFFFE0] =	vst v9  }
0x220: {  	v11 =	vsub.f32 v11, v1;
	v4 =	vld [tilespmem:s22+$0xFFFFFFA0];
	v9 =	vsub.f32 v17, v1;
	v5 =	vmax.f32 v5, $0.0e+00;
	[tilespmem:s20+$0x30] =	vst v8  }
0x221: {  	v17 =	vmul.f32 v18, v18;
	v8 =	vld [tilespmem:s22+$0xFFFFFFB0];
	v13 =	vmul.f32 $5.000000000e-01, v5;
	[tilespmem:s20+$0x0] =	vst v7  }
0x222: {  	v7 =	vld [tilespmem:s22+$0xFFFFFF90];
	v5 =	vmax.f32 v9, $0.0e+00;
	v9 =	vmax.f32 v11, $0.0e+00;
	v11 =	vmul.f32 v3, v3;
	[tilespmem:s20+$0xFFFFFF80] =	vst v12  }
0x223: {  	v2 =	vmul.f32 v2, v2;
	v18 =	vld [tilespmem:s22+$0xFFFFFFE0];
	v20 =	vmul.f32 $5.000000000e-01, v5;
	v5 =	vsub.f32 v10, v1;
	[tilespmem:s20+$0xFFFFFFA0] =	vst v17  }
0x224: {  	v6 =	vmax.f32 v6, $0.0e+00;
	v10 =	vsub.f32 v15, v1;
	v3 =	vmul.f32 $5.000000000e-01, v9;
	v15 =	vld [tilespmem:s22+$0x0];
	[tilespmem:s22+$0x70] =	vst v11  }
0x225: {  	v9 =	vsub.f32 v14, v1;
	v11 =	vmul.f32 $5.000000000e-01, v6;
	v6 =	vmul.f32 v13, v13;
	[tilespmem:s20+$0xFFFFFF90] =	vst v2;
	s20 =	smov.u32 s22  }
0x226: {  	v10 =	vmax.f32 v10, $0.0e+00;
	v2 =	vsub.f32 v8, v1;
	v8 =	vsub.f32 v19, v1  }
.Ltmp25:
0x227: {  	v13 =	vmax.f32 v9, $0.0e+00;
	v14 =	vmul.f32 v11, v11;
	v12 =	vld [tilespmem:s22+$0xFFFFFF80];
	v7 =	vsub.f32 v7, v1;
	(pc) =	sbr.rel @p0 .LBB2_32-.Ltmp25, $4  }
0x228: {  	v16 =	vmul.f32 $5.000000000e-01, v16;
	v11 =	vmul.f32 $5.000000000e-01, v10;
	v9 =	vsub.f32 v18, v1  }
0x229: {  	v17 =	vmul.f32 v20, v20;
	v10 =	vmul.f32 $5.000000000e-01, v13;
	v15 =	vsub.f32 v15, v1;
	[tilespmem:s22+$0x50] =	vst v14  }
0x22a: {  	v13 =	vmax.f32 v7, $0.0e+00;
	v14 =	vmax.f32 v2, $0.0e+00;
	v7 =	vmul.f32 v16, v16  }
0x22b: {  	s22 =	sadd.s32 $0x100, s22;
	v2 =	vmul.f32 $5.000000000e-01, v13;
	v13 =	vmul.f32 v10, v10;
	v10 =	vmax.f32 v15, $0.0e+00;
	[tilespmem:s20+$0x10] =	vst v17  }
0x22c: {  	[tilespmem:s20+$0x60] =	vst v6  }
0x22d: {  	v14 =	vmul.f32 $5.000000000e-01, v14;
	v11 =	vmul.f32 v11, v11;
	v5 =	vmax.f32 v5, $0.0e+00;
	[tilespmem:s20+$0xFFFFFFD0] =	vst v7  }
0x22e: {  	v12 =	vsub.f32 v12, v1;
	v8 =	vmax.f32 v8, $0.0e+00;
	v3 =	vmul.f32 v3, v3;
	[tilespmem:s20+$0xFFFFFFC0] =	vst v13  }
0x22f: {  	v1 =	vsub.f32 v4, v1;
	v5 =	vmul.f32 $5.000000000e-01, v5;
	v2 =	vmul.f32 v2, v2;
	[tilespmem:s20+$0xFFFFFFF0] =	vst v11  }
0x230: {  	v4 =	vmul.f32 $5.000000000e-01, v8;
	v6 =	vmul.f32 v14, v14;
	[tilespmem:s20+$0x40] =	vst v3  }
0x231: {  	v8 =	vmul.f32 $5.000000000e-01, v10;
	v1 =	vmax.f32 v1, $0.0e+00;
	v5 =	vmul.f32 v5, v5;
	[tilespmem:s20+$0xFFFFFF90] =	vst v2  }
0x232: {  	v9 =	vmax.f32 v9, $0.0e+00;
	v4 =	vmul.f32 v4, v4;
	v1 =	vmul.f32 $5.000000000e-01, v1;
	[tilespmem:s20+$0xFFFFFFB0] =	vst v6  }
0x233: {  	v7 =	vmax.f32 v12, $0.0e+00;
	v3 =	vmul.f32 v8, v8;
	v6 =	vmul.f32 $5.000000000e-01, v9;
	[tilespmem:s20+$0x20] =	vst v5  }
0x234: {  	v5 =	vmul.f32 $5.000000000e-01, v7;
	[tilespmem:s20+$0x30] =	vst v4;
	v1 =	vmul.f32 v1, v1  }
0x235: {  	[tilespmem:s20+$0x0] =	vst v3;
	v6 =	vmul.f32 v6, v6  }
0x236: {  	v5 =	vmul.f32 v5, v5;
	[tilespmem:s20+$0xFFFFFFA0] =	vst v1  }
0x237: {  	[tilespmem:s20+$0xFFFFFFE0] =	vst v6  }
0x238: {  	s21 =	simm.s32 $0x80;
	[tilespmem:s20+$0xFFFFFF80] =	vst v5  }
0x239: {  	[hbm4b:s7+s21] =	stream.strided.scatter [tilespmem:s15], [sflag:$0x4], $0x8000, s12, s21, $0x38;
	[tilespmem:$0x18080] =	vst v63  }
0x23a: {  	_ =	swait.ge [sflag:s13], $0x8000  }
0x23b: {  	[sflag:s13] =	ssyncset.done $0x0  }
0x23c: {  	[sflag:s13] =	ssyncadd.s32 $0xFFFF8000  }
0x23d: {  	v1 =	vld [tilespmem:s21+$0xFFFFFF80]  }
0x23e: {  	v2 =	vld [tilespmem:s21+$0xFFFFFF90]  }
0x23f: {  	v3 =	vld [tilespmem:s21+$0xFFFFFFA0]  }
0x240: {  	v4 =	vld [tilespmem:s21+$0xFFFFFFB0]  }
0x241: {  	v5 =	vimm.f32 $-Inf;
	v6 =	vld [tilespmem:s21+$0xFFFFFFC0]  }
0x242: {  	v1 =	vmax.f32 v5, v1;
	v5 =	vld [tilespmem:s21+$0xFFFFFFD0]  }
0x243: {  	v1 =	vmax.f32 v1, v2;
	v2 =	vld [tilespmem:s21+$0xFFFFFFE0]  }
0x244: {  	v1 =	vmax.f32 v1, v3;
	v3 =	vld [tilespmem:s21+$0xFFFFFFF0]  }
0x245: {  	v1 =	vmax.f32 v1, v4;
	v4 =	vld [tilespmem:s21+$0x0]  }
0x246: {  	v1 =	vmax.f32 v1, v6;
	v6 =	vld [tilespmem:s21+$0x10]  }
0x247: {  	v1 =	vmax.f32 v1, v5;
	v5 =	vld [tilespmem:s21+$0x20]  }
0x248: {  	v2 =	vmax.f32 v1, v2;
	v1 =	vld [tilespmem:s21+$0x30]  }
0x249: {  	v3 =	vmax.f32 v2, v3;
	v2 =	vld [tilespmem:s21+$0x40]  }
0x24a: {  	v4 =	vmax.f32 v3, v4;
	v3 =	vld [tilespmem:s21+$0x50]  }
0x24b: {  	v6 =	vmax.f32 v4, v6;
	v4 =	vld [tilespmem:s21+$0x60]  }
0x24c: {  	s20 =	simm.s32 $0x0;
	v6 =	vmax.f32 v6, v5;
	v5 =	vld [tilespmem:s21+$0x70];
	s21 =	simm.s32 $0x180  }
.LBB2_34:
0x24d: {  	v7 =	vld [tilespmem:s21+$0xFFFFFF80];
	s20 =	sadd.s32 $0x100, s20;
	v1 =	vmax.f32 v6, v1  }
0x24e: {  	v6 =	vld [tilespmem:s21+$0xFFFFFF90];
	p0 =	slt.u32 s20, $0x7F00;
	v1 =	vmax.f32 v1, v2  }
0x24f: {  	v2 =	vld [tilespmem:s21+$0xFFFFFFA0];
	v1 =	vmax.f32 v1, v3  }
0x250: {  	v3 =	vld [tilespmem:s21+$0xFFFFFFB0];
	v1 =	vmax.f32 v1, v4  }
0x251: {  	v4 =	vld [tilespmem:s21+$0xFFFFFFC0];
	v1 =	vmax.f32 v1, v5  }
0x252: {  	v1 =	vmax.f32 v1, v7;
	v5 =	vld [tilespmem:s21+$0xFFFFFFD0]  }
0x253: {  	v1 =	vmax.f32 v1, v6;
	v6 =	vld [tilespmem:s21+$0xFFFFFFE0]  }
0x254: {  	v1 =	vmax.f32 v1, v2;
	v2 =	vld [tilespmem:s21+$0xFFFFFFF0]  }
0x255: {  	v1 =	vmax.f32 v1, v3;
	v3 =	vld [tilespmem:s21+$0x0]  }
0x256: {  	v1 =	vmax.f32 v1, v4;
	v4 =	vld [tilespmem:s21+$0x10]  }
0x257: {  	v1 =	vmax.f32 v1, v5;
	v5 =	vld [tilespmem:s21+$0x20]  }
.Ltmp26:
0x258: {  	v6 =	vmax.f32 v1, v6;
	v1 =	vld [tilespmem:s21+$0x30];
	(pc) =	sbr.rel @p0 .LBB2_34-.Ltmp26, $4  }
0x259: {  	v6 =	vmax.f32 v6, v2;
	v2 =	vld [tilespmem:s21+$0x40]  }
0x25a: {  	v6 =	vmax.f32 v6, v3;
	v3 =	vld [tilespmem:s21+$0x50]  }
0x25b: {  	v6 =	vmax.f32 v6, v4;
	v4 =	vld [tilespmem:s21+$0x60]  }
0x25c: {  	v6 =	vmax.f32 v6, v5;
	v5 =	vld [tilespmem:s21+$0x70];
	s21 =	sadd.s32 $0x100, s21  }
0x25d: {  	v1 =	vmax.f32 v6, v1  }
0x25e: {  	v1 =	vmax.f32 v1, v2  }
0x25f: {  	v1 =	vmax.f32 v1, v3  }
0x260: {  	v1 =	vmax.f32 v1, v4  }
0x261: {  	v1 =	vmax.f32 v1, v5  }
0x262: {  	(xrf0) =	vmax.scan.msk.f32 $0xffff, v1;
	_ =	sdelay $0x4  }
0x263: {  	s20 =	simm.s32 $0x80  }
0x264: {  	v9 =	vld [tilespmem:s20+$0xFFFFFF80];
	v1, _, _ =	vpop (xrf0)  }
0x265: {  	v10 =	vld [tilespmem:s20+$0xFFFFFF90];
	v1 =	vbroadcast v1, $0xF  }
0x266: {  	v11 =	vld [tilespmem:s20+$0xFFFFFFA0]  }
0x267: {  	v13 =	vld [tilespmem:s20+$0xFFFFFFB0];
	v2 =	vadd.f32 $-2.000000000e+00, v1  }
0x268: {  	v14 =	vld [tilespmem:s20+$0xFFFFFFC0]  }
0x269: {  	v15 =	vld [tilespmem:s20+$0xFFFFFFD0];
	vm4 =	vgt.f32 v9, v2  }
0x26a: {  	v16 =	vld [tilespmem:s20+$0xFFFFFFE0];
	vm2 =	vgt.f32 v10, v2;
	v3 =	vmpcnt.ones.xlane vm4  }
0x26b: {  	v17 =	vld [tilespmem:s20+$0xFFFFFFF0];
	vm3 =	vgt.f32 v11, v2;
	v4 =	vmpcnt.ones.xlane vm2  }
0x26c: {  	v18 =	vld [tilespmem:s20+$0x0];
	vm5 =	vgt.f32 v13, v2;
	v5 =	vmpcnt.ones.xlane vm3;
	(v2sf) =	vpush v3, $0x0  }
0x26d: {  	v19 =	vld [tilespmem:s20+$0x10];
	vm6 =	vgt.f32 v14, v2;
	v3 =	vmpcnt.ones.xlane vm5;
	(v2sf) =	vpush v4, $0x0  }
0x26e: {  	v20 =	vld [tilespmem:s20+$0x20];
	vm7 =	vgt.f32 v15, v2;
	v4 =	vmpcnt.ones.xlane vm6;
	(v2sf) =	vpush v5, $0x0  }
0x26f: {  	v21 =	vld [tilespmem:s20+$0x30];
	vm8 =	vgt.f32 v16, v2;
	v5 =	vmpcnt.ones.xlane vm7;
	(v2sf) =	vpush v3, $0x0  }
0x270: {  	v22 =	vld [tilespmem:s20+$0x40];
	vm9 =	vgt.f32 v17, v2;
	v6 =	vmpcnt.ones.xlane vm8;
	(v2sf) =	vpush v4, $0x0  }
0x271: {  	v23 =	vld [tilespmem:s20+$0x50];
	vm10 =	vgt.f32 v18, v2;
	v4 =	vmpcnt.ones.xlane vm9;
	(v2sf) =	vpush v5, $0x0  }
0x272: {  	vm11 =	vgt.f32 v19, v2;
	v3 =	vld [tilespmem:s20+$0x60];
	v5 =	vmpcnt.ones.xlane vm10;
	(v2sf) =	vpush v6, $0x0  }
0x273: {  	vm12 =	vgt.f32 v20, v2;
	v6 =	vmpcnt.ones.xlane vm11;
	(v2sf) =	vpush v4, $0x0;
	v4 =	vld [tilespmem:s20+$0x70]  }
0x274: {  	vm13 =	vgt.f32 v21, v2;
	v7 =	vmpcnt.ones.xlane vm12;
	(v2sf) =	vpush v5, $0x0  }
0x275: {  	vm14 =	vgt.f32 v22, v2;
	v5 =	vmpcnt.ones.xlane vm13;
	(v2sf) =	vpush v6, $0x0  }
0x276: {  	s21 =	simm.s32 $0x180;
	vm15 =	vgt.f32 v23, v2;
	v8 =	vmpcnt.ones.xlane vm14;
	(v2sf) =	vpush v7, $0x0  }
0x277: {  	v12 =	vld [tilespmem:s21+$0xFFFFFF80];
	v24 =	vmpcnt.ones.xlane vm15;
	vm0 =	vgt.f32 v3, v2;
	(v2sf) =	vpush v5, $0x0  }
0x278: {  	v6 =	vld [tilespmem:s21+$0xFFFFFF90];
	v25 =	vmpcnt.ones.xlane vm0;
	(v2sf) =	vpush v8, $0x0;
	vm1 =	vgt.f32 v4, v2  }
0x279: {  	v7 =	vld [tilespmem:s21+$0xFFFFFFA0];
	(v2sf) =	vpush v24, $0x0;
	v53 =	vmpcnt.ones.xlane vm1  }
0x27a: {  	v5 =	vld [tilespmem:s21+$0xFFFFFFB0];
	(v2sf) =	vpush v25, $0x0  }
0x27b: {  	s25 =	simm.s32 $0x0;
	v8 =	vld [tilespmem:s21+$0xFFFFFFC0];
	s22 =	spop (v2sf);
	(v2sf) =	vpush v53, $0x0  }
0x27c: {  	[tilespmem:s25+$0x10000] =	vst.msk vm4, v9;
	vm4 =	vgt.f32 v12, v2;
	v9 =	vld [tilespmem:s21+$0xFFFFFFD0];
	s26 =	sadd.s32 $0x0, s22;
	s28 =	spop (v2sf)  }
0x27d: {  	v54 =	vmpcnt.ones.xlane vm4;
	[tilespmem:s26+$0x10000] =	vst.msk vm2, v10;
	vm2 =	vgt.f32 v6, v2;
	v10 =	vld [tilespmem:s21+$0xFFFFFFE0];
	s20 =	sadd.s32 s26, s28;
	s29 =	spop (v2sf)  }
0x27e: {  	v55 =	vmpcnt.ones.xlane vm2;
	[tilespmem:s20+$0x10000] =	vst.msk vm3, v11;
	vm3 =	vgt.f32 v7, v2;
	v11 =	vld [tilespmem:s21+$0xFFFFFFF0];
	s20 =	sadd.s32 s20, s29;
	s30 =	spop (v2sf)  }
0x27f: {  	(v2sf) =	vpush v54, $0x0;
	v26 =	vmpcnt.ones.xlane vm3;
	[tilespmem:s20+$0x10000] =	vst.msk vm5, v13;
	vm5 =	vgt.f32 v5, v2;
	v13 =	vld [tilespmem:s21+$0x0];
	s20 =	sadd.s32 s20, s30;
	s31 =	spop (v2sf)  }
0x280: {  	v56 =	vmpcnt.ones.xlane vm5;
	[tilespmem:s20+$0x10000] =	vst.msk vm6, v14;
	vm6 =	vgt.f32 v8, v2;
	v14 =	vld [tilespmem:s21+$0x10];
	(v2sf) =	vpush v55, $0x0;
	s20 =	sadd.s32 s20, s31;
	s23 =	spop (v2sf)  }
0x281: {  	v57 =	vmpcnt.ones.xlane vm6;
	[tilespmem:s20+$0x10000] =	vst.msk vm7, v15;
	vm7 =	vgt.f32 v9, v2;
	v15 =	vld [tilespmem:s21+$0x20];
	(v2sf) =	vpush v26, $0x0;
	s20 =	sadd.s32 s20, s23;
	s24 =	spop (v2sf)  }
0x282: {  	v58 =	vmpcnt.ones.xlane vm7;
	[tilespmem:s20+$0x10000] =	vst.msk vm8, v16;
	vm8 =	vgt.f32 v10, v2;
	v16 =	vld [tilespmem:s21+$0x30];
	(v2sf) =	vpush v56, $0x0;
	s20 =	sadd.s32 s20, s24;
	s25 =	spop (v2sf)  }
0x283: {  	v59 =	vmpcnt.ones.xlane vm8;
	[tilespmem:s20+$0x10000] =	vst.msk vm9, v17;
	vm9 =	vgt.f32 v11, v2;
	v17 =	vld [tilespmem:s21+$0x40];
	(v2sf) =	vpush v57, $0x0;
	s20 =	sadd.s32 s20, s25;
	s26 =	spop (v2sf)  }
0x284: {  	v60 =	vmpcnt.ones.xlane vm9;
	[tilespmem:s20+$0x10000] =	vst.msk vm10, v18;
	vm10 =	vgt.f32 v13, v2;
	v18 =	vld [tilespmem:s21+$0x50];
	(v2sf) =	vpush v58, $0x0;
	s20 =	sadd.s32 s20, s26;
	s28 =	spop (v2sf)  }
0x285: {  	v61 =	vmpcnt.ones.xlane vm10;
	[tilespmem:s20+$0x10000] =	vst.msk vm11, v19;
	vm11 =	vgt.f32 v14, v2;
	(v2sf) =	vpush v59, $0x0;
	s20 =	sadd.s32 s20, s28;
	s29 =	spop (v2sf);
	v19 =	vld [tilespmem:s21+$0x60]  }
0x286: {  	v62 =	vmpcnt.ones.xlane vm11;
	[tilespmem:s20+$0x10000] =	vst.msk vm12, v20;
	vm12 =	vgt.f32 v15, v2;
	(v2sf) =	vpush v60, $0x0;
	s20 =	sadd.s32 s20, s29;
	s30 =	spop (v2sf);
	v20 =	vld [tilespmem:s21+$0x70]  }
0x287: {  	v63 =	vmpcnt.ones.xlane vm12;
	[tilespmem:s20+$0x10000] =	vst.msk vm13, v21;
	vm13 =	vgt.f32 v16, v2;
	(v2sf) =	vpush v61, $0x0;
	s22 =	sadd.s32 s20, s30;
	s23 =	spop (v2sf)  }
0x288: {  	s21 =	simm.s32 $0x280;
	v21 =	vmpcnt.ones.xlane vm13;
	[tilespmem:s22+$0x10000] =	vst.msk vm14, v22;
	vm14 =	vgt.f32 v17, v2;
	(v2sf) =	vpush v62, $0x0;
	s22 =	sadd.s32 s22, s23;
	s31 =	spop (v2sf)  }
0x289: {  	s20 =	simm.s32 $0x100;
	v22 =	vmpcnt.ones.xlane vm14;
	[tilespmem:s22+$0x10000] =	vst.msk vm15, v23;
	vm15 =	vgt.f32 v18, v2;
	(v2sf) =	vpush v63, $0x0;
	s22 =	sadd.s32 s22, s31;
	s23 =	spop (v2sf)  }
.LBB2_36:
0x28a: {  	v23 =	vld [tilespmem:s21+$0xFFFFFF80];
	s20 =	sadd.s32 $0x100, s20;
	v24 =	vmpcnt.ones.xlane vm15;
	(v2sf) =	vpush v21, $0x0;
	[tilespmem:s22+$0x10000] =	vst.msk vm0, v3;
	vm0 =	vgt.f32 v19, v2;
	s22 =	sadd.s32 s22, s23;
	s23 =	spop (v2sf);
	v3 =	vmovc v19  }
0x28b: {  	v19 =	vld [tilespmem:s21+$0xFFFFFF90];
	p0 =	slt.u32 s20, $0x7F00;
	v21 =	vmpcnt.ones.xlane vm0;
	(v2sf) =	vpush v22, $0x0;
	[tilespmem:s22+$0x10000] =	vst.msk vm1, v4;
	vm1 =	vgt.f32 v20, v2;
	s22 =	sadd.s32 s22, s23;
	v4 =	vmovc v20  }
0x28c: {  	v20 =	vld [tilespmem:s21+$0xFFFFFFA0];
	[tilespmem:s22+$0x10000] =	vst.msk vm4, v12;
	v25 =	vmpcnt.ones.xlane vm1;
	(v2sf) =	vpush v24, $0x0  }
0x28d: {  	v22 =	vld [tilespmem:s21+$0xFFFFFFB0];
	(v2sf) =	vpush v21, $0x0  }
0x28e: {  	v21 =	vld [tilespmem:s21+$0xFFFFFFC0];
	s23 =	spop (v2sf);
	(v2sf) =	vpush v25, $0x0  }
0x28f: {  	vm4 =	vgt.f32 v23, v2;
	v24 =	vld [tilespmem:s21+$0xFFFFFFD0];
	s22 =	sadd.s32 s22, s23;
	s23 =	spop (v2sf);
	v12 =	vmov v23  }
0x290: {  	v23 =	vmpcnt.ones.xlane vm4;
	v25 =	vld [tilespmem:s21+$0xFFFFFFE0];
	[tilespmem:s22+$0x10000] =	vst.msk vm2, v6;
	vm2 =	vgt.f32 v19, v2;
	s22 =	sadd.s32 s22, s23;
	s23 =	spop (v2sf);
	v6 =	vmov v19  }
0x291: {  	v19 =	vmpcnt.ones.xlane vm2;
	v26 =	vld [tilespmem:s21+$0xFFFFFFF0];
	[tilespmem:s22+$0x10000] =	vst.msk vm3, v7;
	vm3 =	vgt.f32 v20, v2;
	s22 =	sadd.s32 s22, s23;
	s23 =	spop (v2sf);
	v7 =	vmov v20  }
0x292: {  	v20 =	vmpcnt.ones.xlane vm3;
	v27 =	vld [tilespmem:s21+$0x0];
	(v2sf) =	vpush v23, $0x0;
	[tilespmem:s22+$0x10000] =	vst.msk vm5, v5;
	vm5 =	vgt.f32 v22, v2;
	s22 =	sadd.s32 s22, s23;
	s23 =	spop (v2sf);
	v5 =	vmovc v22  }
0x293: {  	v22 =	vmpcnt.ones.xlane vm5;
	v23 =	vld [tilespmem:s21+$0x10];
	(v2sf) =	vpush v19, $0x0;
	[tilespmem:s22+$0x10000] =	vst.msk vm6, v8;
	vm6 =	vgt.f32 v21, v2;
	s22 =	sadd.s32 s22, s23;
	s23 =	spop (v2sf);
	v8 =	vmovc v21  }
0x294: {  	v19 =	vmpcnt.ones.xlane vm6;
	v21 =	vld [tilespmem:s21+$0x20];
	(v2sf) =	vpush v20, $0x0;
	[tilespmem:s22+$0x10000] =	vst.msk vm7, v9;
	vm7 =	vgt.f32 v24, v2;
	s22 =	sadd.s32 s22, s23;
	s23 =	spop (v2sf);
	v9 =	vmovc v24  }
0x295: {  	v20 =	vmpcnt.ones.xlane vm7;
	v24 =	vld [tilespmem:s21+$0x30];
	(v2sf) =	vpush v22, $0x0;
	[tilespmem:s22+$0x10000] =	vst.msk vm8, v10;
	vm8 =	vgt.f32 v25, v2;
	s22 =	sadd.s32 s22, s23;
	s23 =	spop (v2sf);
	v10 =	vmovc v25  }
0x296: {  	v22 =	vmpcnt.ones.xlane vm8;
	v25 =	vld [tilespmem:s21+$0x40];
	(v2sf) =	vpush v19, $0x0;
	[tilespmem:s22+$0x10000] =	vst.msk vm9, v11;
	vm9 =	vgt.f32 v26, v2;
	s22 =	sadd.s32 s22, s23;
	s23 =	spop (v2sf);
	v11 =	vmovc v26  }
0x297: {  	v26 =	vmpcnt.ones.xlane vm9;
	v28 =	vld [tilespmem:s21+$0x50];
	(v2sf) =	vpush v20, $0x0;
	[tilespmem:s22+$0x10000] =	vst.msk vm10, v13;
	vm10 =	vgt.f32 v27, v2;
	s22 =	sadd.s32 s22, s23;
	s23 =	spop (v2sf);
	v13 =	vmovc v27  }
.Ltmp27:
0x298: {  	v27 =	vmpcnt.ones.xlane vm10;
	v19 =	vld [tilespmem:s21+$0x60];
	(v2sf) =	vpush v22, $0x0;
	[tilespmem:s22+$0x10000] =	vst.msk vm11, v14;
	vm11 =	vgt.f32 v23, v2;
	s22 =	sadd.s32 s22, s23;
	s23 =	spop (v2sf);
	v14 =	vmovc v23;
	(pc) =	sbr.rel @p0 .LBB2_36-.Ltmp27, $4  }
0x299: {  	v22 =	vmpcnt.ones.xlane vm11;
	v20 =	vld [tilespmem:s21+$0x70];
	(v2sf) =	vpush v26, $0x0;
	[tilespmem:s22+$0x10000] =	vst.msk vm12, v15;
	vm12 =	vgt.f32 v21, v2;
	s22 =	sadd.s32 s22, s23;
	s23 =	spop (v2sf);
	v15 =	vmovc v21  }
0x29a: {  	v23 =	vmpcnt.ones.xlane vm12;
	(v2sf) =	vpush v27, $0x0;
	[tilespmem:s22+$0x10000] =	vst.msk vm13, v16;
	vm13 =	vgt.f32 v24, v2;
	s22 =	sadd.s32 s22, s23;
	s23 =	spop (v2sf);
	v16 =	vmovc v24  }
0x29b: {  	v21 =	vmpcnt.ones.xlane vm13;
	(v2sf) =	vpush v22, $0x0;
	[tilespmem:s22+$0x10000] =	vst.msk vm14, v17;
	vm14 =	vgt.f32 v25, v2;
	s22 =	sadd.s32 s22, s23;
	s23 =	spop (v2sf);
	v17 =	vmovc v25  }
0x29c: {  	s21 =	sadd.s32 $0x100, s21;
	v22 =	vmpcnt.ones.xlane vm14;
	(v2sf) =	vpush v23, $0x0;
	[tilespmem:s22+$0x10000] =	vst.msk vm15, v18;
	vm15 =	vgt.f32 v28, v2;
	s22 =	sadd.s32 s22, s23;
	s23 =	spop (v2sf);
	v18 =	vmovc v28  }
0x29d: {  	(v2sf) =	vpush v21, $0x0;
	v62 =	vimm.s32 $0x0  }
0x29e: {  	v63 =	vimm.s32 $0x0;
	v21 =	vsel vm0, $0xFFFFFFFF, v62;
	vm0 =	vgt.f32 v19, v2  }
0x29f: {  	[tilespmem:$0x1FF70] =	vst v21;
	v21 =	vsel vm0, $0xFFFFFFFF, v63  }
0x2a0: {  	[tilespmem:$0x1FF80] =	vst v21  }
0x2a1: {  	v21 =	vld [tilespmem:$0x1FF80];
	_ =	sdelay $0x4  }
0x2a2: {  	v23 =	vmpcnt.ones.xlane vm15;
	vm0 =	vnez.u8 v21  }
0x2a3: {  	v21 =	vmpcnt.ones.xlane vm0;
	vm0 =	vgt.f32 v20, v2;
	v2 =	vimm.s32 $0x0  }
0x2a4: {  	(v2sf) =	vpush v22, $0x0;
	v2 =	vsel vm0, $0xFFFFFFFF, v2  }
0x2a5: {  	(v2sf) =	vpush v23, $0x0;
	[tilespmem:$0x1FF90] =	vst v2;
	v2 =	vmpcnt.ones.xlane vm0  }
0x2a6: {  	s20 =	sadd.s32 s22, s23;
	s21 =	spop (v2sf);
	(v2sf) =	vpush v21, $0x0  }
0x2a7: {  	s21 =	sadd.s32 s20, s21;
	s26 =	spop (v2sf);
	(v2sf) =	vpush v2, $0x0;
	v2 =	vld [tilespmem:$0x1FF70];
	[tilespmem:s20+$0x10000] =	vst.msk vm1, v4  }
0x2a8: {  	s23 =	sadd.s32 s21, s26;
	s24 =	spop (v2sf);
	[tilespmem:s21+$0x10000] =	vst.msk vm4, v12  }
0x2a9: {  	s28 =	sadd.s32 s23, s24;
	s29 =	spop (v2sf);
	[tilespmem:s23+$0x10000] =	vst.msk vm2, v6  }
0x2aa: {  	s30 =	sadd.s32 s28, s29;
	s31 =	spop (v2sf);
	[tilespmem:s28+$0x10000] =	vst.msk vm3, v7  }
0x2ab: {  	s25 =	spop (v2sf);
	s21 =	sadd.s32 s30, s31;
	[tilespmem:s30+$0x10000] =	vst.msk vm5, v5  }
0x2ac: {  	s26 =	spop (v2sf);
	s23 =	sadd.s32 s21, s25;
	[tilespmem:s21+$0x10000] =	vst.msk vm6, v8  }
0x2ad: {  	s29 =	spop (v2sf);
	s28 =	sadd.s32 s23, s26;
	[tilespmem:s23+$0x10000] =	vst.msk vm7, v9  }
0x2ae: {  	s31 =	spop (v2sf);
	s30 =	sadd.s32 s28, s29;
	[tilespmem:s28+$0x10000] =	vst.msk vm8, v10  }
0x2af: {  	s21 =	sadd.s32 s30, s31;
	[tilespmem:s30+$0x10000] =	vst.msk vm9, v11  }
0x2b0: {  	s25 =	spop (v2sf);
	vm0 =	vnez.u8 v2;
	[tilespmem:s21+$0x10000] =	vst.msk vm10, v13  }
0x2b1: {  	s26 =	spop (v2sf);
	s23 =	sadd.s32 s21, s25;
	[tilespmem:s22+$0x10000] =	vst.msk vm0, v3  }
0x2b2: {  	s29 =	spop (v2sf);
	s28 =	sadd.s32 s23, s26;
	[tilespmem:s23+$0x10000] =	vst.msk vm11, v14  }
0x2b3: {  	s31 =	spop (v2sf);
	s30 =	sadd.s32 s28, s29;
	[tilespmem:s28+$0x10000] =	vst.msk vm12, v15  }
0x2b4: {  	s25 =	spop (v2sf);
	s21 =	sadd.s32 s30, s31;
	[tilespmem:s30+$0x10000] =	vst.msk vm13, v16  }
0x2b5: {  	s23 =	sadd.s32 s21, s25;
	[tilespmem:s21+$0x10000] =	vst.msk vm14, v17  }
0x2b6: {  	[tilespmem:s23+$0x10000] =	vst.msk vm15, v18  }
0x2b7: {  	v2 =	vld [tilespmem:$0x1FF80];
	_ =	sdelay $0x3  }
0x2b8: {  	s26 =	spop (v2sf)  }
0x2b9: {  	s28 =	sadd.s32 s23, s26;
	vm14 =	vnez.u8 v2  }
0x2ba: {  	[tilespmem:s28+$0x10000] =	vst.msk vm14, v19  }
0x2bb: {  	s29 =	spop (v2sf);
	v2 =	vld [tilespmem:$0x1FF90]  }
0x2bc: {  	s30 =	sadd.s32 s28, s29;
	s31 =	spop (v2sf)  }
0x2bd: {  	s25 =	sadd.s32 s30, s31  }
0x2be: {  	s26 =	sadd.s32 $0xF, s25  }
0x2bf: {  	s29 =	sand.u32 $0xF, s26  }
0x2c0: {  	s28 =	sshra.s32 s26, $0x1F;
	p0 =	slt.s32 s26, $0x1;
	p1 =	sne.s32 s29, $0x0;
	vm15 =	vnez.u8 v2  }
0x2c1: {  	p0 =	por !p0, !p1;
	[tilespmem:s30+$0x10000] =	vst.msk vm15, v20;
	s30 =	sshrl.u32 s28, $0x1C  }
0x2c2: {  	s21 =	simm.s32 $0x1;
	p0 =	por !p0, !p0;
	[tilespmem:s25+$0x10000] =	vst v0;
	s20 =	sadd.s32 s30, s26  }
0x2c3: {  	s21 =	simm.s32 @!p0 $0x0;
	_ =	swait.ge [sflag:s18], $0x8000;
	s20 =	sshra.s32 s20, $0x4  }
0x2c4: {  	[sflag:s18] =	ssyncset.done $0x0;
	s20 =	ssub.s32 s20, s21  }
.Ltmp28:
0x2c5: {  	[sflag:s18] =	ssyncadd.s32 $0xFFFF8000;
	s21 =	sshll.u32 s20, $0x6;
	(pc) =	sbr.rel .LBB2_38-.Ltmp28, $4  }
0x2c6: {  	[tilespmem:s15], [sflag:$0x2] =	stream.strided.gather [hbm4b:s8+s14], $0x8000, s12, s14, $0x38;
	[tilespmem:$0x18080] =	vst v63  }
0x2c7: {  	s20 =	sshll.u32 s20, $0x4;
	s21 =	sshra.s32 s21, $0x2  }
0x2c8: {  	s23 =	simm.s32 $0x0;
	s31 =	sand.u32 $0xFFFFFFC0, s21;
	s21 =	sand.u32 $0xFFFFFFC0, s20  }
0x2c9: {  	v2 =	vimm.f32 $-1.000000000e+00;
	p0 =	slt.s32 s20, $0x40;
	s22 =	sadd.s32 $0x10000, s31;
	p1 =	seq.s32 s21, s20  }
.LBB2_46:
0x2ca: {  	(xrf2) =	vadd.scan.msk.f32 $0xffff, v4;
	_ =	sdelay $0x6  }
0x2cb: {  	(xrf2) =	vadd.scan.msk.f32 $0xffff, v5;
	_ =	sdelay $0x2  }
0x2cc: {  	v3, _, _ =	vpop (xrf2)  }
0x2cd: {  	v3 =	vmax.f32 v3, $1.000000000e-30  }
0x2ce: {  	v3 =	vbroadcast v3, $0xF;
	_ =	sdelay $0x1  }
0x2cf: {  	(erf) = vrcp.f32 v3;
	_ =	sdelay $0x2  }
0x2d0: {  	v3, _, _ =	vpop (xrf2)  }
0x2d1: {  	v3 =	vmul.f32 $2.500000000e-01, v3;
	_ =	sdelay $0x1  }
0x2d2: {  	v3 =	vadd.f32 $-1.000000000e+00, v3;
	_ =	sdelay $0x1  }
0x2d3: {  	v3 =	vbroadcast v3, $0xF  }
0x2d4: {  	v63 =	vpop (erf)  }
0x2d5: {  	v3 =	vmul.f32 v3, v63;
	_ =	sdelay $0x1  }
0x2d6: {  	(v2sf) =	vpush v3, $0x0;
	_ =	sdelay $0xe  }
0x2d7: {  	p2 =	sgt.u32 s23, $0x16;
	s24 =	spop (v2sf)  }
0x2d8: {  	p3 =	sgt.f32 @!p2 s24, $1.000000010e-07;
	_ =	sdelay $0x1  }
0x2d9: {  	p2 =	por p2, !p3  }
.Ltmp29:
0x2da: {  	_ = 	snop;
	(pc) =	sbr.rel @p2 .LBB2_47-.Ltmp29, $2  }
0x2db: {  	_ =	sdelay $0x2  }
0x2dc: {  	s23 =	sadd.s32 $0x1, s23;
	v2 =	vadd.f32 v3, v2  }
.LBB2_38:
.Ltmp30:
0x2dd: {  	(pc) =	sbr.rel @p0 .LBB2_44-.Ltmp30, $3  }
0x2de: {  	_ = 	snop  }
0x2df: {  	v3 =	vadd.f32 v2, v2;
	_ =	sdelay $0x1  }
0x2e0: {  	v4 =	vimm.f32 $0.0e+00;
	v5 =	vimm.f32 $0.0e+00;
	v3 =	vadd.f32 v3, v1  }
0x2e1: {  	s24 =	simm.s32 $0x10020  }
0x2e2: {  	v5 =	vld [tilespmem:s24+$0xFFFFFFE0];
	_ =	sdelay $0x1  }
0x2e3: {  	p3 =	sgt.s32 s21, $0x40;
	v8 =	vld [tilespmem:s24+$0xFFFFFFF0]  }
.Ltmp31:
0x2e4: {  	_ = 	snop;
	(pc) =	sbr.rel @!p3 .LBB2_40-.Ltmp31, $4  }
0x2e5: {  	_ = 	snop  }
0x2e6: {  	v7 =	vsub.f32 v5, v3  }
0x2e7: {  	v6 =	vld [tilespmem:s24+$0x0]  }
0x2e8: {  	v4 =	vimm.f32 $0.0e+00;
	s25 =	simm.s32 $0x10060;
	p2 =	por $0x0, $0x0;
	v5 =	vld [tilespmem:s24+$0x10];
	v8 =	vsub.f32 v8, v3;
	v7 =	vmax.f32 v7, $0.0e+00  }
0x2e9: {  	_ =	sdelay $0x1  }
0x2ea: {  	v9 =	vld [tilespmem:s25+$0xFFFFFFE0];
	v10 =	vmul.f32 v7, v7  }
0x2eb: {  	v8 =	vmax.f32 v8, $0.0e+00;
	v6 =	vsub.f32 v6, v3  }
0x2ec: {  	v13 =	vld [tilespmem:s25+$0xFFFFFFF0];
	v7 =	vadd.f32 v7, v4;
	p3 =	sgt.s32 s21, $0x80;
	v10 =	vadd.f32 v10, v4;
	v11 =	vmul.f32 v8, v8  }
.Ltmp32:
0x2ed: {  	v5 =	vsub.f32 v5, v3;
	v12 =	vmax.f32 v6, $0.0e+00;
	(pc) =	sbr.rel @!p3 .LBB2_43-.Ltmp32, $4  }
0x2ee: {  	v7 =	vadd.f32 v8, v7;
	v8 =	vadd.f32 v11, v10;
	v6 =	vld [tilespmem:s25+$0x0];
	v11 =	vmul.f32 v12, v12  }
0x2ef: {  	v14 =	vsub.f32 v9, v3;
	v9 =	vmax.f32 v5, $0.0e+00  }
0x2f0: {  	v10 =	vadd.f32 v12, v7;
	v5 =	vld [tilespmem:s25+$0x10];
	v12 =	vmul.f32 v9, v9;
	v11 =	vadd.f32 v11, v8  }
0x2f1: {  	s24 =	simm.s32 $0x80;
	p2 =	por $0x1, $0x1;
	s25 =	simm.s32 $0x100A0;
	v7 =	vmax.f32 v14, $0.0e+00;
	v8 =	vsub.f32 v13, v3  }
.LBB2_42:
0x2f2: {  	v13 =	vld [tilespmem:s25+$0xFFFFFFE0];
	s24 =	sadd.s32 $0x40, s24;
	v14 =	vmul.f32 v7, v7;
	v9 =	vadd.f32 v9, v10;
	v10 =	vadd.f32 v12, v11  }
0x2f3: {  	p3 =	slt.s32 s24, s21;
	v8 =	vmax.f32 v8, $0.0e+00;
	v6 =	vsub.f32 v6, v3  }
0x2f4: {  	v15 =	vld [tilespmem:s25+$0xFFFFFFF0];
	v7 =	vadd.f32 v7, v9;
	v9 =	vadd.f32 v14, v10;
	v10 =	vmul.f32 v8, v8  }
.Ltmp33:
0x2f5: {  	v11 =	vmax.f32 v6, $0.0e+00;
	v5 =	vsub.f32 v5, v3;
	(pc) =	sbr.rel @p3 .LBB2_42-.Ltmp33, $4  }
0x2f6: {  	v6 =	vld [tilespmem:s25+$0x0];
	v7 =	vadd.f32 v8, v7;
	v8 =	vadd.f32 v10, v9;
	v12 =	vmul.f32 v11, v11  }
0x2f7: {  	v13 =	vsub.f32 v13, v3;
	v9 =	vmax.f32 v5, $0.0e+00  }
0x2f8: {  	v5 =	vld [tilespmem:s25+$0x10];
	v10 =	vadd.f32 v11, v7;
	v11 =	vadd.f32 v12, v8;
	v12 =	vmul.f32 v9, v9  }
0x2f9: {  	s25 =	sadd.s32 $0x40, s25;
	v7 =	vmax.f32 v13, $0.0e+00;
	v8 =	vsub.f32 v15, v3  }
.LBB2_43:
0x2fa: {  	v9 =	vadd.f32 @p2 v9, v10;
	v10 =	vadd.f32 @p2 v12, v11  }
0x2fb: {  	v60 =	vmul.f32 v7, v7;
	v8 =	vmax.f32 v8, $0.0e+00  }
0x2fc: {  	v6 =	vsub.f32 v6, v3;
	v9 =	vpsel p2, v9, v4;
	v4 =	vpsel p2, v10, v4  }
0x2fd: {  	v61 =	vmul.f32 v8, v8;
	v7 =	vadd.f32 v7, v9;
	v4 =	vadd.f32 v60, v4  }
0x2fe: {  	v6 =	vmax.f32 v6, $0.0e+00;
	v5 =	vsub.f32 v5, v3  }
0x2ff: {  	v62 =	vmul.f32 v6, v6;
	v7 =	vadd.f32 v8, v7;
	v4 =	vadd.f32 v61, v4  }
0x300: {  	v5 =	vmax.f32 v5, $0.0e+00  }
0x301: {  	v63 =	vmul.f32 v5, v5;
	v6 =	vadd.f32 v6, v7;
	v7 =	vadd.f32 v62, v4;
	_ =	sdelay $0x1  }
0x302: {  	v4 =	vadd.f32 v5, v6;
	v5 =	vadd.f32 v63, v7  }
.LBB2_44:
.Ltmp34:
0x303: {  	(pc) =	sbr.rel @p1 .LBB2_46-.Ltmp34, $2  }
0x304: {  	_ =	sdelay $0x2  }
0x305: {  	s24 =	smov.u32 s22;
	s25 =	smov.u32 s21  }
.LBB2_45:
0x306: {  	v6 =	vld [tilespmem:s24+$0x0];
	_ =	sdelay $0x3  }
0x307: {  	s25 =	sadd.s32 $0x10, s25  }
0x308: {  	p2 =	slt.s32 s25, s20;
	v6 =	vsub.f32 v6, v3  }
.Ltmp35:
0x309: {  	_ = 	snop;
	(pc) =	sbr.rel @p2 .LBB2_45-.Ltmp35, $3  }
0x30a: {  	v6 =	vmax.f32 v6, $0.0e+00  }
0x30b: {  	v7 =	vmul.f32 v6, v6;
	_ =	sdelay $0x1  }
0x30c: {  	s24 =	sadd.s32 $0x10, s24;
	v4 =	vadd.f32 v6, v4;
	v5 =	vadd.f32 v7, v5  }
.Ltmp36:
0x30d: {  	_ = 	snop;
	(pc) =	sbr.rel .LBB2_46-.Ltmp36, $1  }
0x30e: {  	_ =	sdelay $0x3  }
.LBB2_40:
.Ltmp37:
0x30f: {  	(pc) =	sbr.rel .LBB2_43-.Ltmp37, $2  }
0x310: {  	_ =	sdelay $0x2  }
0x311: {  	_ = 	snop  }
.LBB2_47:
0x312: {  	s20 =	simm.s32 $0x80  }
0x313: {  	v3 =	vld [tilespmem:s20+$0xFFFFFFD0]  }
0x314: {  	v4 =	vld [tilespmem:s20+$0x70]  }
0x315: {  	v5 =	vld [tilespmem:s20+$0x50]  }
0x316: {  	v6 =	vld [tilespmem:s20+$0x60]  }
0x317: {  	v2 =	vadd.f32 v2, v2;
	v7 =	vld [tilespmem:s20+$0x40]  }
0x318: {  	v8 =	vld [tilespmem:s20+$0x10]  }
0x319: {  	v9 =	vld [tilespmem:s20+$0x20];
	v1 =	vadd.f32 v2, v1  }
0x31a: {  	v2 =	vld [tilespmem:s20+$0xFFFFFFC0]  }
0x31b: {  	v11 =	vld [tilespmem:s20+$0xFFFFFFF0];
	v4 =	vsub.f32 v4, v1  }
0x31c: {  	v12 =	vld [tilespmem:s20+$0x30];
	v3 =	vsub.f32 v3, v1;
	v10 =	vsub.f32 v5, v1  }
0x31d: {  	v5 =	vsub.f32 v6, v1;
	v6 =	vsub.f32 v8, v1;
	v8 =	vld [tilespmem:s20+$0xFFFFFFB0]  }
0x31e: {  	v14 =	vld [tilespmem:s20+$0xFFFFFF90];
	v7 =	vsub.f32 v7, v1;
	v4 =	vmax.f32 v4, $0.0e+00;
	v13 =	vmax.f32 v3, $0.0e+00  }
0x31f: {  	v2 =	vsub.f32 v2, v1;
	v3 =	vmul.f32 $5.000000000e-01, v4;
	v4 =	vmax.f32 v5, $0.0e+00  }
0x320: {  	v5 =	vmax.f32 v6, $0.0e+00;
	v6 =	vmax.f32 v7, $0.0e+00;
	v4 =	vmul.f32 $5.000000000e-01, v4  }
0x321: {  	v15 =	vld [tilespmem:s20+$0xFFFFFFE0];
	v16 =	vmul.f32 $5.000000000e-01, v5;
	v5 =	vsub.f32 v9, v1;
	v9 =	vsub.f32 v11, v1  }
0x322: {  	v7 =	vmul.f32 v3, v3;
	v3 =	vmul.f32 $5.000000000e-01, v6;
	v18 =	vsub.f32 v8, v1  }
0x323: {  	v17 =	vld [tilespmem:s20+$0x0];
	v6 =	vmax.f32 v10, $0.0e+00;
	v8 =	vsub.f32 v12, v1;
	v12 =	vsub.f32 v14, v1  }
0x324: {  	v10 =	vmul.f32 $5.000000000e-01, v6;
	v6 =	vmul.f32 v4, v4;
	v4 =	vmax.f32 v9, $0.0e+00  }
0x325: {  	v2 =	vmax.f32 v2, $0.0e+00;
	v11 =	vmul.f32 $5.000000000e-01, v4;
	v4 =	vld [tilespmem:s20+$0xFFFFFFA0]  }
0x326: {  	v9 =	vsub.f32 v15, v1;
	v15 =	vmul.f32 $5.000000000e-01, v2;
	v2 =	vmax.f32 v12, $0.0e+00;
	v12 =	vld [tilespmem:s20+$0xFFFFFF80]  }
0x327: {  	v13 =	vmul.f32 $5.000000000e-01, v13;
	v16 =	vmul.f32 v16, v16  }
0x328: {  	v17 =	vsub.f32 v17, v1;
	[tilespmem:s20+$0x70] =	vst v7;
	v10 =	vmul.f32 v10, v10  }
0x329: {  	v14 =	vmax.f32 v18, $0.0e+00;
	v7 =	vmul.f32 v13, v13;
	[tilespmem:s20+$0x10] =	vst v16  }
0x32a: {  	s21 =	simm.s32 $0x0;
	s22 =	simm.s32 $0x180;
	v2 =	vmul.f32 $5.000000000e-01, v2;
	v13 =	vmul.f32 v15, v15;
	[tilespmem:s20+$0x50] =	vst v10;
	v10 =	vmax.f32 v17, $0.0e+00  }
.LBB2_48:
0x32b: {  	v15 =	vld [tilespmem:s22+$0xFFFFFFD0];
	s21 =	sadd.s32 $0x100, s21;
	v12 =	vsub.f32 v12, v1;
	v4 =	vsub.f32 v4, v1;
	v14 =	vmul.f32 $5.000000000e-01, v14  }
0x32c: {  	v11 =	vmul.f32 v11, v11;
	v5 =	vmax.f32 v5, $0.0e+00;
	v8 =	vmax.f32 v8, $0.0e+00;
	v16 =	vld [tilespmem:s22+$0x70];
	p0 =	slt.u32 s21, $0x7F00;
	[tilespmem:s20+$0x60] =	vst v6  }
0x32d: {  	v8 =	vmul.f32 $5.000000000e-01, v8;
	v6 =	vld [tilespmem:s22+$0x50];
	v12 =	vmax.f32 v12, $0.0e+00;
	v14 =	vmul.f32 v14, v14;
	[tilespmem:s20+$0xFFFFFFC0] =	vst v13  }
0x32e: {  	v9 =	vmax.f32 v9, $0.0e+00;
	v5 =	vmul.f32 $5.000000000e-01, v5;
	v13 =	vld [tilespmem:s22+$0x60];
	v12 =	vmul.f32 $5.000000000e-01, v12;
	[tilespmem:s20+$0xFFFFFFF0] =	vst v11  }
0x32f: {  	v10 =	vmul.f32 $5.000000000e-01, v10;
	v3 =	vmul.f32 v3, v3;
	v4 =	vmax.f32 v4, $0.0e+00;
	v11 =	vld [tilespmem:s22+$0x40]  }
0x330: {  	v9 =	vmul.f32 $5.000000000e-01, v9;
	v5 =	vmul.f32 v5, v5;
	v17 =	vld [tilespmem:s22+$0x10];
	[tilespmem:s20+$0xFFFFFFB0] =	vst v14  }
0x331: {  	v18 =	vmul.f32 $5.000000000e-01, v4;
	v14 =	vld [tilespmem:s22+$0xFFFFFFC0];
	v16 =	vsub.f32 v16, v1;
	[tilespmem:s20+$0xFFFFFFD0] =	vst v7;
	v7 =	vmul.f32 v10, v10  }
0x332: {  	v9 =	vmul.f32 v9, v9;
	v4 =	vsub.f32 v15, v1;
	v10 =	vld [tilespmem:s22+$0x20];
	v6 =	vsub.f32 v6, v1;
	[tilespmem:s20+$0x20] =	vst v5  }
0x333: {  	v8 =	vmul.f32 v8, v8;
	v15 =	vld [tilespmem:s22+$0xFFFFFFF0];
	v5 =	vsub.f32 v13, v1;
	v13 =	vmax.f32 v16, $0.0e+00;
	[tilespmem:s20+$0x40] =	vst v3  }
0x334: {  	v12 =	vmul.f32 v12, v12;
	v16 =	vmax.f32 v4, $0.0e+00;
	v19 =	vld [tilespmem:s22+$0x30];
	v3 =	vmul.f32 $5.000000000e-01, v13;
	[tilespmem:s20+$0xFFFFFFE0] =	vst v9  }
0x335: {  	v11 =	vsub.f32 v11, v1;
	v4 =	vld [tilespmem:s22+$0xFFFFFFA0];
	v9 =	vsub.f32 v17, v1;
	v5 =	vmax.f32 v5, $0.0e+00;
	[tilespmem:s20+$0x30] =	vst v8  }
0x336: {  	v17 =	vmul.f32 v18, v18;
	v8 =	vld [tilespmem:s22+$0xFFFFFFB0];
	v13 =	vmul.f32 $5.000000000e-01, v5;
	[tilespmem:s20+$0x0] =	vst v7  }
0x337: {  	v7 =	vld [tilespmem:s22+$0xFFFFFF90];
	v5 =	vmax.f32 v9, $0.0e+00;
	v9 =	vmax.f32 v11, $0.0e+00;
	v11 =	vmul.f32 v3, v3;
	[tilespmem:s20+$0xFFFFFF80] =	vst v12  }
0x338: {  	v2 =	vmul.f32 v2, v2;
	v18 =	vld [tilespmem:s22+$0xFFFFFFE0];
	v20 =	vmul.f32 $5.000000000e-01, v5;
	v5 =	vsub.f32 v10, v1;
	[tilespmem:s20+$0xFFFFFFA0] =	vst v17  }
0x339: {  	v6 =	vmax.f32 v6, $0.0e+00;
	v10 =	vsub.f32 v15, v1;
	v3 =	vmul.f32 $5.000000000e-01, v9;
	v15 =	vld [tilespmem:s22+$0x0];
	[tilespmem:s22+$0x70] =	vst v11  }
0x33a: {  	v9 =	vsub.f32 v14, v1;
	v11 =	vmul.f32 $5.000000000e-01, v6;
	v6 =	vmul.f32 v13, v13;
	[tilespmem:s20+$0xFFFFFF90] =	vst v2;
	s20 =	smov.u32 s22  }
0x33b: {  	v10 =	vmax.f32 v10, $0.0e+00;
	v2 =	vsub.f32 v8, v1;
	v8 =	vsub.f32 v19, v1  }
.Ltmp38:
0x33c: {  	v13 =	vmax.f32 v9, $0.0e+00;
	v14 =	vmul.f32 v11, v11;
	v12 =	vld [tilespmem:s22+$0xFFFFFF80];
	v7 =	vsub.f32 v7, v1;
	(pc) =	sbr.rel @p0 .LBB2_48-.Ltmp38, $4  }
0x33d: {  	v16 =	vmul.f32 $5.000000000e-01, v16;
	v11 =	vmul.f32 $5.000000000e-01, v10;
	v9 =	vsub.f32 v18, v1  }
0x33e: {  	v17 =	vmul.f32 v20, v20;
	v10 =	vmul.f32 $5.000000000e-01, v13;
	v15 =	vsub.f32 v15, v1;
	[tilespmem:s22+$0x50] =	vst v14  }
0x33f: {  	v13 =	vmax.f32 v7, $0.0e+00;
	v14 =	vmax.f32 v2, $0.0e+00;
	v7 =	vmul.f32 v16, v16  }
0x340: {  	s22 =	sadd.s32 $0x100, s22;
	v2 =	vmul.f32 $5.000000000e-01, v13;
	v13 =	vmul.f32 v10, v10;
	v10 =	vmax.f32 v15, $0.0e+00;
	[tilespmem:s20+$0x10] =	vst v17  }
0x341: {  	[tilespmem:s20+$0x60] =	vst v6  }
0x342: {  	v14 =	vmul.f32 $5.000000000e-01, v14;
	v11 =	vmul.f32 v11, v11;
	v5 =	vmax.f32 v5, $0.0e+00;
	[tilespmem:s20+$0xFFFFFFD0] =	vst v7  }
0x343: {  	v12 =	vsub.f32 v12, v1;
	v8 =	vmax.f32 v8, $0.0e+00;
	v3 =	vmul.f32 v3, v3;
	[tilespmem:s20+$0xFFFFFFC0] =	vst v13  }
0x344: {  	v1 =	vsub.f32 v4, v1;
	v5 =	vmul.f32 $5.000000000e-01, v5;
	v2 =	vmul.f32 v2, v2;
	[tilespmem:s20+$0xFFFFFFF0] =	vst v11  }
0x345: {  	v4 =	vmul.f32 $5.000000000e-01, v8;
	v6 =	vmul.f32 v14, v14;
	[tilespmem:s20+$0x40] =	vst v3  }
0x346: {  	v8 =	vmul.f32 $5.000000000e-01, v10;
	v1 =	vmax.f32 v1, $0.0e+00;
	v5 =	vmul.f32 v5, v5;
	[tilespmem:s20+$0xFFFFFF90] =	vst v2  }
0x347: {  	v9 =	vmax.f32 v9, $0.0e+00;
	v4 =	vmul.f32 v4, v4;
	v1 =	vmul.f32 $5.000000000e-01, v1;
	[tilespmem:s20+$0xFFFFFFB0] =	vst v6  }
0x348: {  	v7 =	vmax.f32 v12, $0.0e+00;
	v3 =	vmul.f32 v8, v8;
	v6 =	vmul.f32 $5.000000000e-01, v9;
	[tilespmem:s20+$0x20] =	vst v5  }
0x349: {  	v5 =	vmul.f32 $5.000000000e-01, v7;
	[tilespmem:s20+$0x30] =	vst v4;
	v1 =	vmul.f32 v1, v1  }
0x34a: {  	[tilespmem:s20+$0x0] =	vst v3;
	v6 =	vmul.f32 v6, v6  }
0x34b: {  	v5 =	vmul.f32 v5, v5;
	[tilespmem:s20+$0xFFFFFFA0] =	vst v1  }
0x34c: {  	[tilespmem:s20+$0xFFFFFFE0] =	vst v6  }
0x34d: {  	[tilespmem:s20+$0xFFFFFF80] =	vst v5  }
0x34e: {  	[hbm4b:s9+s14] =	stream.strided.scatter [tilespmem:s2], [sflag:$0x3], $0x8000, s12, s14, $0x38;
	[tilespmem:$0x18080] =	vst v63  }
0x34f: {  	_ =	swait.ge [sflag:s16], $0x8000  }
0x350: {  	[sflag:s16] =	ssyncset.done $0x0  }
0x351: {  	s21 =	simm.s32 $0x8080;
	[sflag:s16] =	ssyncadd.s32 $0xFFFF8000  }
0x352: {  	v1 =	vld [tilespmem:s21+$0xFFFFFF80]  }
0x353: {  	v2 =	vld [tilespmem:s21+$0xFFFFFF90]  }
0x354: {  	v3 =	vld [tilespmem:s21+$0xFFFFFFA0]  }
0x355: {  	v4 =	vld [tilespmem:s21+$0xFFFFFFB0]  }
0x356: {  	v5 =	vimm.f32 $-Inf;
	v6 =	vld [tilespmem:s21+$0xFFFFFFC0]  }
0x357: {  	v1 =	vmax.f32 v5, v1;
	v5 =	vld [tilespmem:s21+$0xFFFFFFD0]  }
0x358: {  	v1 =	vmax.f32 v1, v2;
	v2 =	vld [tilespmem:s21+$0xFFFFFFE0]  }
0x359: {  	v1 =	vmax.f32 v1, v3;
	v3 =	vld [tilespmem:s21+$0xFFFFFFF0]  }
0x35a: {  	v1 =	vmax.f32 v1, v4;
	v4 =	vld [tilespmem:s21+$0x0]  }
0x35b: {  	v1 =	vmax.f32 v1, v6;
	v6 =	vld [tilespmem:s21+$0x10]  }
0x35c: {  	v1 =	vmax.f32 v1, v5;
	v5 =	vld [tilespmem:s21+$0x20]  }
0x35d: {  	v2 =	vmax.f32 v1, v2;
	v1 =	vld [tilespmem:s21+$0x30]  }
0x35e: {  	v3 =	vmax.f32 v2, v3;
	v2 =	vld [tilespmem:s21+$0x40]  }
0x35f: {  	v4 =	vmax.f32 v3, v4;
	v3 =	vld [tilespmem:s21+$0x50]  }
0x360: {  	v6 =	vmax.f32 v4, v6;
	v4 =	vld [tilespmem:s21+$0x60]  }
0x361: {  	s20 =	simm.s32 $0x0;
	v6 =	vmax.f32 v6, v5;
	v5 =	vld [tilespmem:s21+$0x70];
	s21 =	simm.s32 $0x8180  }
.LBB2_50:
0x362: {  	v7 =	vld [tilespmem:s21+$0xFFFFFF80];
	s20 =	sadd.s32 $0x100, s20;
	v1 =	vmax.f32 v6, v1  }
0x363: {  	v6 =	vld [tilespmem:s21+$0xFFFFFF90];
	p0 =	slt.u32 s20, $0x7F00;
	v1 =	vmax.f32 v1, v2  }
0x364: {  	v2 =	vld [tilespmem:s21+$0xFFFFFFA0];
	v1 =	vmax.f32 v1, v3  }
0x365: {  	v3 =	vld [tilespmem:s21+$0xFFFFFFB0];
	v1 =	vmax.f32 v1, v4  }
0x366: {  	v4 =	vld [tilespmem:s21+$0xFFFFFFC0];
	v1 =	vmax.f32 v1, v5  }
0x367: {  	v1 =	vmax.f32 v1, v7;
	v5 =	vld [tilespmem:s21+$0xFFFFFFD0]  }
0x368: {  	v1 =	vmax.f32 v1, v6;
	v6 =	vld [tilespmem:s21+$0xFFFFFFE0]  }
0x369: {  	v1 =	vmax.f32 v1, v2;
	v2 =	vld [tilespmem:s21+$0xFFFFFFF0]  }
0x36a: {  	v1 =	vmax.f32 v1, v3;
	v3 =	vld [tilespmem:s21+$0x0]  }
0x36b: {  	v1 =	vmax.f32 v1, v4;
	v4 =	vld [tilespmem:s21+$0x10]  }
0x36c: {  	v1 =	vmax.f32 v1, v5;
	v5 =	vld [tilespmem:s21+$0x20]  }
.Ltmp39:
0x36d: {  	v6 =	vmax.f32 v1, v6;
	v1 =	vld [tilespmem:s21+$0x30];
	(pc) =	sbr.rel @p0 .LBB2_50-.Ltmp39, $4  }
0x36e: {  	v6 =	vmax.f32 v6, v2;
	v2 =	vld [tilespmem:s21+$0x40]  }
0x36f: {  	v6 =	vmax.f32 v6, v3;
	v3 =	vld [tilespmem:s21+$0x50]  }
0x370: {  	v6 =	vmax.f32 v6, v4;
	v4 =	vld [tilespmem:s21+$0x60]  }
0x371: {  	v6 =	vmax.f32 v6, v5;
	v5 =	vld [tilespmem:s21+$0x70];
	s21 =	sadd.s32 $0x100, s21  }
0x372: {  	v1 =	vmax.f32 v6, v1  }
0x373: {  	v1 =	vmax.f32 v1, v2  }
0x374: {  	v1 =	vmax.f32 v1, v3  }
0x375: {  	v1 =	vmax.f32 v1, v4  }
0x376: {  	v1 =	vmax.f32 v1, v5  }
0x377: {  	(xrf0) =	vmax.scan.msk.f32 $0xffff, v1;
	_ =	sdelay $0x4  }
0x378: {  	s20 =	simm.s32 $0x8080  }
0x379: {  	v9 =	vld [tilespmem:s20+$0xFFFFFF80];
	v1, _, _ =	vpop (xrf0)  }
0x37a: {  	v10 =	vld [tilespmem:s20+$0xFFFFFF90];
	v1 =	vbroadcast v1, $0xF  }
0x37b: {  	v11 =	vld [tilespmem:s20+$0xFFFFFFA0]  }
0x37c: {  	v13 =	vld [tilespmem:s20+$0xFFFFFFB0];
	v2 =	vadd.f32 $-2.000000000e+00, v1  }
0x37d: {  	v14 =	vld [tilespmem:s20+$0xFFFFFFC0]  }
0x37e: {  	v15 =	vld [tilespmem:s20+$0xFFFFFFD0];
	vm4 =	vgt.f32 v9, v2  }
0x37f: {  	v16 =	vld [tilespmem:s20+$0xFFFFFFE0];
	vm2 =	vgt.f32 v10, v2;
	v3 =	vmpcnt.ones.xlane vm4  }
0x380: {  	v17 =	vld [tilespmem:s20+$0xFFFFFFF0];
	vm3 =	vgt.f32 v11, v2;
	v4 =	vmpcnt.ones.xlane vm2  }
0x381: {  	v18 =	vld [tilespmem:s20+$0x0];
	vm5 =	vgt.f32 v13, v2;
	v5 =	vmpcnt.ones.xlane vm3;
	(v2sf) =	vpush v3, $0x0  }
0x382: {  	v19 =	vld [tilespmem:s20+$0x10];
	vm6 =	vgt.f32 v14, v2;
	v3 =	vmpcnt.ones.xlane vm5;
	(v2sf) =	vpush v4, $0x0  }
0x383: {  	v20 =	vld [tilespmem:s20+$0x20];
	vm7 =	vgt.f32 v15, v2;
	v4 =	vmpcnt.ones.xlane vm6;
	(v2sf) =	vpush v5, $0x0  }
0x384: {  	v21 =	vld [tilespmem:s20+$0x30];
	vm8 =	vgt.f32 v16, v2;
	v5 =	vmpcnt.ones.xlane vm7;
	(v2sf) =	vpush v3, $0x0  }
0x385: {  	v22 =	vld [tilespmem:s20+$0x40];
	vm9 =	vgt.f32 v17, v2;
	v6 =	vmpcnt.ones.xlane vm8;
	(v2sf) =	vpush v4, $0x0  }
0x386: {  	v23 =	vld [tilespmem:s20+$0x50];
	vm10 =	vgt.f32 v18, v2;
	v4 =	vmpcnt.ones.xlane vm9;
	(v2sf) =	vpush v5, $0x0  }
0x387: {  	vm11 =	vgt.f32 v19, v2;
	v3 =	vld [tilespmem:s20+$0x60];
	v5 =	vmpcnt.ones.xlane vm10;
	(v2sf) =	vpush v6, $0x0  }
0x388: {  	vm12 =	vgt.f32 v20, v2;
	v6 =	vmpcnt.ones.xlane vm11;
	(v2sf) =	vpush v4, $0x0;
	v4 =	vld [tilespmem:s20+$0x70]  }
0x389: {  	vm13 =	vgt.f32 v21, v2;
	v7 =	vmpcnt.ones.xlane vm12;
	(v2sf) =	vpush v5, $0x0  }
0x38a: {  	vm14 =	vgt.f32 v22, v2;
	v5 =	vmpcnt.ones.xlane vm13;
	(v2sf) =	vpush v6, $0x0  }
0x38b: {  	s21 =	simm.s32 $0x8180;
	vm15 =	vgt.f32 v23, v2;
	v8 =	vmpcnt.ones.xlane vm14;
	(v2sf) =	vpush v7, $0x0  }
0x38c: {  	v12 =	vld [tilespmem:s21+$0xFFFFFF80];
	v24 =	vmpcnt.ones.xlane vm15;
	vm0 =	vgt.f32 v3, v2;
	(v2sf) =	vpush v5, $0x0  }
0x38d: {  	v6 =	vld [tilespmem:s21+$0xFFFFFF90];
	v25 =	vmpcnt.ones.xlane vm0;
	(v2sf) =	vpush v8, $0x0;
	vm1 =	vgt.f32 v4, v2  }
0x38e: {  	v7 =	vld [tilespmem:s21+$0xFFFFFFA0];
	(v2sf) =	vpush v24, $0x0;
	v53 =	vmpcnt.ones.xlane vm1  }
0x38f: {  	v5 =	vld [tilespmem:s21+$0xFFFFFFB0];
	(v2sf) =	vpush v25, $0x0  }
0x390: {  	s25 =	simm.s32 $0x0;
	v8 =	vld [tilespmem:s21+$0xFFFFFFC0];
	s22 =	spop (v2sf);
	(v2sf) =	vpush v53, $0x0  }
0x391: {  	[tilespmem:s25+$0x10000] =	vst.msk vm4, v9;
	vm4 =	vgt.f32 v12, v2;
	v9 =	vld [tilespmem:s21+$0xFFFFFFD0];
	s26 =	sadd.s32 $0x0, s22;
	s28 =	spop (v2sf)  }
0x392: {  	v54 =	vmpcnt.ones.xlane vm4;
	[tilespmem:s26+$0x10000] =	vst.msk vm2, v10;
	vm2 =	vgt.f32 v6, v2;
	v10 =	vld [tilespmem:s21+$0xFFFFFFE0];
	s20 =	sadd.s32 s26, s28;
	s29 =	spop (v2sf)  }
0x393: {  	v55 =	vmpcnt.ones.xlane vm2;
	[tilespmem:s20+$0x10000] =	vst.msk vm3, v11;
	vm3 =	vgt.f32 v7, v2;
	v11 =	vld [tilespmem:s21+$0xFFFFFFF0];
	s20 =	sadd.s32 s20, s29;
	s30 =	spop (v2sf)  }
0x394: {  	(v2sf) =	vpush v54, $0x0;
	v26 =	vmpcnt.ones.xlane vm3;
	[tilespmem:s20+$0x10000] =	vst.msk vm5, v13;
	vm5 =	vgt.f32 v5, v2;
	v13 =	vld [tilespmem:s21+$0x0];
	s20 =	sadd.s32 s20, s30;
	s31 =	spop (v2sf)  }
0x395: {  	v56 =	vmpcnt.ones.xlane vm5;
	[tilespmem:s20+$0x10000] =	vst.msk vm6, v14;
	vm6 =	vgt.f32 v8, v2;
	v14 =	vld [tilespmem:s21+$0x10];
	(v2sf) =	vpush v55, $0x0;
	s20 =	sadd.s32 s20, s31;
	s23 =	spop (v2sf)  }
0x396: {  	v57 =	vmpcnt.ones.xlane vm6;
	[tilespmem:s20+$0x10000] =	vst.msk vm7, v15;
	vm7 =	vgt.f32 v9, v2;
	v15 =	vld [tilespmem:s21+$0x20];
	(v2sf) =	vpush v26, $0x0;
	s20 =	sadd.s32 s20, s23;
	s24 =	spop (v2sf)  }
0x397: {  	v58 =	vmpcnt.ones.xlane vm7;
	[tilespmem:s20+$0x10000] =	vst.msk vm8, v16;
	vm8 =	vgt.f32 v10, v2;
	v16 =	vld [tilespmem:s21+$0x30];
	(v2sf) =	vpush v56, $0x0;
	s20 =	sadd.s32 s20, s24;
	s25 =	spop (v2sf)  }
0x398: {  	v59 =	vmpcnt.ones.xlane vm8;
	[tilespmem:s20+$0x10000] =	vst.msk vm9, v17;
	vm9 =	vgt.f32 v11, v2;
	v17 =	vld [tilespmem:s21+$0x40];
	(v2sf) =	vpush v57, $0x0;
	s20 =	sadd.s32 s20, s25;
	s26 =	spop (v2sf)  }
0x399: {  	v60 =	vmpcnt.ones.xlane vm9;
	[tilespmem:s20+$0x10000] =	vst.msk vm10, v18;
	vm10 =	vgt.f32 v13, v2;
	v18 =	vld [tilespmem:s21+$0x50];
	(v2sf) =	vpush v58, $0x0;
	s20 =	sadd.s32 s20, s26;
	s28 =	spop (v2sf)  }
0x39a: {  	v61 =	vmpcnt.ones.xlane vm10;
	[tilespmem:s20+$0x10000] =	vst.msk vm11, v19;
	vm11 =	vgt.f32 v14, v2;
	(v2sf) =	vpush v59, $0x0;
	s20 =	sadd.s32 s20, s28;
	s29 =	spop (v2sf);
	v19 =	vld [tilespmem:s21+$0x60]  }
0x39b: {  	v62 =	vmpcnt.ones.xlane vm11;
	[tilespmem:s20+$0x10000] =	vst.msk vm12, v20;
	vm12 =	vgt.f32 v15, v2;
	(v2sf) =	vpush v60, $0x0;
	s20 =	sadd.s32 s20, s29;
	s30 =	spop (v2sf);
	v20 =	vld [tilespmem:s21+$0x70]  }
0x39c: {  	v63 =	vmpcnt.ones.xlane vm12;
	[tilespmem:s20+$0x10000] =	vst.msk vm13, v21;
	vm13 =	vgt.f32 v16, v2;
	(v2sf) =	vpush v61, $0x0;
	s22 =	sadd.s32 s20, s30;
	s23 =	spop (v2sf)  }
0x39d: {  	s21 =	simm.s32 $0x8280;
	v21 =	vmpcnt.ones.xlane vm13;
	[tilespmem:s22+$0x10000] =	vst.msk vm14, v22;
	vm14 =	vgt.f32 v17, v2;
	(v2sf) =	vpush v62, $0x0;
	s22 =	sadd.s32 s22, s23;
	s31 =	spop (v2sf)  }
0x39e: {  	s20 =	simm.s32 $0x100;
	v22 =	vmpcnt.ones.xlane vm14;
	[tilespmem:s22+$0x10000] =	vst.msk vm15, v23;
	vm15 =	vgt.f32 v18, v2;
	(v2sf) =	vpush v63, $0x0;
	s22 =	sadd.s32 s22, s31;
	s23 =	spop (v2sf)  }
.LBB2_52:
0x39f: {  	v23 =	vld [tilespmem:s21+$0xFFFFFF80];
	s20 =	sadd.s32 $0x100, s20;
	v24 =	vmpcnt.ones.xlane vm15;
	(v2sf) =	vpush v21, $0x0;
	[tilespmem:s22+$0x10000] =	vst.msk vm0, v3;
	vm0 =	vgt.f32 v19, v2;
	s22 =	sadd.s32 s22, s23;
	s23 =	spop (v2sf);
	v3 =	vmovc v19  }
0x3a0: {  	v19 =	vld [tilespmem:s21+$0xFFFFFF90];
	p0 =	slt.u32 s20, $0x7F00;
	v21 =	vmpcnt.ones.xlane vm0;
	(v2sf) =	vpush v22, $0x0;
	[tilespmem:s22+$0x10000] =	vst.msk vm1, v4;
	vm1 =	vgt.f32 v20, v2;
	s22 =	sadd.s32 s22, s23;
	v4 =	vmovc v20  }
0x3a1: {  	v20 =	vld [tilespmem:s21+$0xFFFFFFA0];
	[tilespmem:s22+$0x10000] =	vst.msk vm4, v12;
	v25 =	vmpcnt.ones.xlane vm1;
	(v2sf) =	vpush v24, $0x0  }
0x3a2: {  	v22 =	vld [tilespmem:s21+$0xFFFFFFB0];
	(v2sf) =	vpush v21, $0x0  }
0x3a3: {  	v21 =	vld [tilespmem:s21+$0xFFFFFFC0];
	s23 =	spop (v2sf);
	(v2sf) =	vpush v25, $0x0  }
0x3a4: {  	vm4 =	vgt.f32 v23, v2;
	v24 =	vld [tilespmem:s21+$0xFFFFFFD0];
	s22 =	sadd.s32 s22, s23;
	s23 =	spop (v2sf);
	v12 =	vmov v23  }
0x3a5: {  	v23 =	vmpcnt.ones.xlane vm4;
	v25 =	vld [tilespmem:s21+$0xFFFFFFE0];
	[tilespmem:s22+$0x10000] =	vst.msk vm2, v6;
	vm2 =	vgt.f32 v19, v2;
	s22 =	sadd.s32 s22, s23;
	s23 =	spop (v2sf);
	v6 =	vmov v19  }
0x3a6: {  	v19 =	vmpcnt.ones.xlane vm2;
	v26 =	vld [tilespmem:s21+$0xFFFFFFF0];
	[tilespmem:s22+$0x10000] =	vst.msk vm3, v7;
	vm3 =	vgt.f32 v20, v2;
	s22 =	sadd.s32 s22, s23;
	s23 =	spop (v2sf);
	v7 =	vmov v20  }
0x3a7: {  	v20 =	vmpcnt.ones.xlane vm3;
	v27 =	vld [tilespmem:s21+$0x0];
	(v2sf) =	vpush v23, $0x0;
	[tilespmem:s22+$0x10000] =	vst.msk vm5, v5;
	vm5 =	vgt.f32 v22, v2;
	s22 =	sadd.s32 s22, s23;
	s23 =	spop (v2sf);
	v5 =	vmovc v22  }
0x3a8: {  	v22 =	vmpcnt.ones.xlane vm5;
	v23 =	vld [tilespmem:s21+$0x10];
	(v2sf) =	vpush v19, $0x0;
	[tilespmem:s22+$0x10000] =	vst.msk vm6, v8;
	vm6 =	vgt.f32 v21, v2;
	s22 =	sadd.s32 s22, s23;
	s23 =	spop (v2sf);
	v8 =	vmovc v21  }
0x3a9: {  	v19 =	vmpcnt.ones.xlane vm6;
	v21 =	vld [tilespmem:s21+$0x20];
	(v2sf) =	vpush v20, $0x0;
	[tilespmem:s22+$0x10000] =	vst.msk vm7, v9;
	vm7 =	vgt.f32 v24, v2;
	s22 =	sadd.s32 s22, s23;
	s23 =	spop (v2sf);
	v9 =	vmovc v24  }
0x3aa: {  	v20 =	vmpcnt.ones.xlane vm7;
	v24 =	vld [tilespmem:s21+$0x30];
	(v2sf) =	vpush v22, $0x0;
	[tilespmem:s22+$0x10000] =	vst.msk vm8, v10;
	vm8 =	vgt.f32 v25, v2;
	s22 =	sadd.s32 s22, s23;
	s23 =	spop (v2sf);
	v10 =	vmovc v25  }
0x3ab: {  	v22 =	vmpcnt.ones.xlane vm8;
	v25 =	vld [tilespmem:s21+$0x40];
	(v2sf) =	vpush v19, $0x0;
	[tilespmem:s22+$0x10000] =	vst.msk vm9, v11;
	vm9 =	vgt.f32 v26, v2;
	s22 =	sadd.s32 s22, s23;
	s23 =	spop (v2sf);
	v11 =	vmovc v26  }
0x3ac: {  	v26 =	vmpcnt.ones.xlane vm9;
	v28 =	vld [tilespmem:s21+$0x50];
	(v2sf) =	vpush v20, $0x0;
	[tilespmem:s22+$0x10000] =	vst.msk vm10, v13;
	vm10 =	vgt.f32 v27, v2;
	s22 =	sadd.s32 s22, s23;
	s23 =	spop (v2sf);
	v13 =	vmovc v27  }
.Ltmp40:
0x3ad: {  	v27 =	vmpcnt.ones.xlane vm10;
	v19 =	vld [tilespmem:s21+$0x60];
	(v2sf) =	vpush v22, $0x0;
	[tilespmem:s22+$0x10000] =	vst.msk vm11, v14;
	vm11 =	vgt.f32 v23, v2;
	s22 =	sadd.s32 s22, s23;
	s23 =	spop (v2sf);
	v14 =	vmovc v23;
	(pc) =	sbr.rel @p0 .LBB2_52-.Ltmp40, $4  }
0x3ae: {  	v22 =	vmpcnt.ones.xlane vm11;
	v20 =	vld [tilespmem:s21+$0x70];
	(v2sf) =	vpush v26, $0x0;
	[tilespmem:s22+$0x10000] =	vst.msk vm12, v15;
	vm12 =	vgt.f32 v21, v2;
	s22 =	sadd.s32 s22, s23;
	s23 =	spop (v2sf);
	v15 =	vmovc v21  }
0x3af: {  	v23 =	vmpcnt.ones.xlane vm12;
	(v2sf) =	vpush v27, $0x0;
	[tilespmem:s22+$0x10000] =	vst.msk vm13, v16;
	vm13 =	vgt.f32 v24, v2;
	s22 =	sadd.s32 s22, s23;
	s23 =	spop (v2sf);
	v16 =	vmovc v24  }
0x3b0: {  	v21 =	vmpcnt.ones.xlane vm13;
	(v2sf) =	vpush v22, $0x0;
	[tilespmem:s22+$0x10000] =	vst.msk vm14, v17;
	vm14 =	vgt.f32 v25, v2;
	s22 =	sadd.s32 s22, s23;
	s23 =	spop (v2sf);
	v17 =	vmovc v25  }
0x3b1: {  	s21 =	sadd.s32 $0x100, s21;
	v22 =	vmpcnt.ones.xlane vm14;
	(v2sf) =	vpush v23, $0x0;
	[tilespmem:s22+$0x10000] =	vst.msk vm15, v18;
	vm15 =	vgt.f32 v28, v2;
	s22 =	sadd.s32 s22, s23;
	s23 =	spop (v2sf);
	v18 =	vmovc v28  }
0x3b2: {  	(v2sf) =	vpush v21, $0x0;
	v62 =	vimm.s32 $0x0  }
0x3b3: {  	v63 =	vimm.s32 $0x0;
	v21 =	vsel vm0, $0xFFFFFFFF, v62;
	vm0 =	vgt.f32 v19, v2  }
0x3b4: {  	[tilespmem:$0x1FF40] =	vst v21;
	v21 =	vsel vm0, $0xFFFFFFFF, v63  }
0x3b5: {  	[tilespmem:$0x1FF50] =	vst v21  }
0x3b6: {  	v21 =	vld [tilespmem:$0x1FF50];
	_ =	sdelay $0x4  }
0x3b7: {  	v23 =	vmpcnt.ones.xlane vm15;
	vm0 =	vnez.u8 v21  }
0x3b8: {  	v21 =	vmpcnt.ones.xlane vm0;
	vm0 =	vgt.f32 v20, v2;
	v2 =	vimm.s32 $0x0  }
0x3b9: {  	(v2sf) =	vpush v22, $0x0;
	v2 =	vsel vm0, $0xFFFFFFFF, v2  }
0x3ba: {  	(v2sf) =	vpush v23, $0x0;
	[tilespmem:$0x1FF60] =	vst v2;
	v2 =	vmpcnt.ones.xlane vm0  }
0x3bb: {  	s20 =	sadd.s32 s22, s23;
	s21 =	spop (v2sf);
	(v2sf) =	vpush v21, $0x0  }
0x3bc: {  	s21 =	sadd.s32 s20, s21;
	s29 =	spop (v2sf);
	(v2sf) =	vpush v2, $0x0;
	v2 =	vld [tilespmem:$0x1FF40];
	[tilespmem:s20+$0x10000] =	vst.msk vm1, v4  }
0x3bd: {  	s23 =	sadd.s32 s21, s29;
	s24 =	spop (v2sf);
	[tilespmem:s21+$0x10000] =	vst.msk vm4, v12  }
0x3be: {  	s24 =	sadd.s32 s23, s24;
	s25 =	spop (v2sf);
	[tilespmem:s23+$0x10000] =	vst.msk vm2, v6  }
0x3bf: {  	s25 =	sadd.s32 s24, s25;
	s26 =	spop (v2sf);
	[tilespmem:s24+$0x10000] =	vst.msk vm3, v7  }
0x3c0: {  	s26 =	sadd.s32 s25, s26;
	s28 =	spop (v2sf);
	[tilespmem:s25+$0x10000] =	vst.msk vm5, v5  }
0x3c1: {  	s28 =	sadd.s32 s26, s28;
	[tilespmem:s26+$0x10000] =	vst.msk vm6, v8  }
0x3c2: {  	s29 =	spop (v2sf);
	[tilespmem:s28+$0x10000] =	vst.msk vm7, v9;
	vm0 =	vnez.u8 v2  }
0x3c3: {  	s30 =	spop (v2sf);
	[tilespmem:s22+$0x10000] =	vst.msk vm0, v3;
	s22 =	sadd.s32 s28, s29  }
0x3c4: {  	s31 =	spop (v2sf);
	s20 =	sadd.s32 s22, s30;
	[tilespmem:s22+$0x10000] =	vst.msk vm8, v10  }
0x3c5: {  	s30 =	spop (v2sf);
	s21 =	sadd.s32 s20, s31;
	[tilespmem:s20+$0x10000] =	vst.msk vm9, v11  }
0x3c6: {  	s31 =	spop (v2sf);
	s23 =	sadd.s32 s21, s30;
	[tilespmem:s21+$0x10000] =	vst.msk vm10, v13  }
0x3c7: {  	s30 =	spop (v2sf);
	s24 =	sadd.s32 s23, s31;
	[tilespmem:s23+$0x10000] =	vst.msk vm11, v14  }
0x3c8: {  	s31 =	spop (v2sf);
	s25 =	sadd.s32 s24, s30;
	[tilespmem:s24+$0x10000] =	vst.msk vm12, v15  }
0x3c9: {  	s30 =	spop (v2sf);
	s26 =	sadd.s32 s25, s31;
	[tilespmem:s25+$0x10000] =	vst.msk vm13, v16  }
0x3ca: {  	s28 =	sadd.s32 s26, s30;
	[tilespmem:s26+$0x10000] =	vst.msk vm14, v17  }
0x3cb: {  	[tilespmem:s28+$0x10000] =	vst.msk vm15, v18  }
0x3cc: {  	v2 =	vld [tilespmem:$0x1FF50];
	_ =	sdelay $0x2  }
0x3cd: {  	s31 =	spop (v2sf)  }
0x3ce: {  	s30 =	spop (v2sf);
	s22 =	sadd.s32 s28, s31  }
0x3cf: {  	s20 =	sadd.s32 s22, s30;
	s31 =	spop (v2sf);
	vm14 =	vnez.u8 v2  }
0x3d0: {  	s21 =	sadd.s32 s20, s31;
	[tilespmem:s22+$0x10000] =	vst.msk vm14, v19  }
0x3d1: {  	s30 =	sadd.s32 $0xF, s21;
	v2 =	vld [tilespmem:$0x1FF60]  }
0x3d2: {  	s31 =	sand.u32 $0xF, s30  }
0x3d3: {  	s25 =	sshra.s32 s30, $0x1F;
	p1 =	slt.s32 s30, $0x1;
	p0 =	sne.s32 s31, $0x0  }
0x3d4: {  	s24 =	sshrl.u32 s25, $0x1C;
	p0 =	por !p1, !p0  }
0x3d5: {  	s23 =	sadd.s32 s24, s30;
	s24 =	simm.s32 $0x1;
	p0 =	por !p0, !p0  }
0x3d6: {  	s28 =	sshra.s32 s23, $0x4;
	s24 =	simm.s32 @!p0 $0x0;
	vm15 =	vnez.u8 v2  }
.Ltmp41:
0x3d7: {  	s29 =	ssub.s32 s28, s24;
	[tilespmem:s20+$0x10000] =	vst.msk vm15, v20;
	(pc) =	sbr.rel .LBB2_54-.Ltmp41, $4  }
0x3d8: {  	s23 =	simm.s32 $0x0;
	s30 =	sshll.u32 s29, $0x6;
	s20 =	sshll.u32 s29, $0x4;
	[tilespmem:s21+$0x10000] =	vst v0  }
0x3d9: {  	s21 =	sshra.s32 s30, $0x2;
	p0 =	slt.s32 s20, $0x40;
	_ =	swait.ge [sflag:s17], $0x8000  }
0x3da: {  	s31 =	sand.u32 $0xFFFFFFC0, s21;
	s21 =	sand.u32 $0xFFFFFFC0, s20;
	[sflag:s17] =	ssyncset.done $0x0  }
0x3db: {  	v2 =	vimm.f32 $-1.000000000e+00;
	s22 =	sadd.s32 $0x10000, s31;
	p1 =	seq.s32 s21, s20;
	[sflag:s17] =	ssyncadd.s32 $0xFFFF8000  }
.LBB2_62:
0x3dc: {  	(xrf2) =	vadd.scan.msk.f32 $0xffff, v4;
	_ =	sdelay $0x6  }
0x3dd: {  	(xrf2) =	vadd.scan.msk.f32 $0xffff, v5;
	_ =	sdelay $0x2  }
0x3de: {  	v3, _, _ =	vpop (xrf2)  }
0x3df: {  	v3 =	vmax.f32 v3, $1.000000000e-30  }
0x3e0: {  	v3 =	vbroadcast v3, $0xF;
	_ =	sdelay $0x1  }
0x3e1: {  	(erf) = vrcp.f32 v3;
	_ =	sdelay $0x2  }
0x3e2: {  	v3, _, _ =	vpop (xrf2)  }
0x3e3: {  	v3 =	vmul.f32 $2.500000000e-01, v3;
	_ =	sdelay $0x1  }
0x3e4: {  	v3 =	vadd.f32 $-1.000000000e+00, v3;
	_ =	sdelay $0x1  }
0x3e5: {  	v3 =	vbroadcast v3, $0xF  }
0x3e6: {  	v63 =	vpop (erf)  }
0x3e7: {  	v3 =	vmul.f32 v3, v63;
	_ =	sdelay $0x1  }
0x3e8: {  	(v2sf) =	vpush v3, $0x0;
	_ =	sdelay $0xe  }
0x3e9: {  	p2 =	sgt.u32 s23, $0x16;
	s24 =	spop (v2sf)  }
0x3ea: {  	p3 =	sgt.f32 @!p2 s24, $1.000000010e-07;
	_ =	sdelay $0x1  }
0x3eb: {  	p2 =	por p2, !p3  }
.Ltmp42:
0x3ec: {  	_ = 	snop;
	(pc) =	sbr.rel @p2 .LBB2_63-.Ltmp42, $2  }
0x3ed: {  	_ =	sdelay $0x2  }
0x3ee: {  	s23 =	sadd.s32 $0x1, s23;
	v2 =	vadd.f32 v3, v2  }
.LBB2_54:
.Ltmp43:
0x3ef: {  	(pc) =	sbr.rel @p0 .LBB2_60-.Ltmp43, $3  }
0x3f0: {  	_ = 	snop  }
0x3f1: {  	v3 =	vadd.f32 v2, v2;
	_ =	sdelay $0x1  }
0x3f2: {  	v4 =	vimm.f32 $0.0e+00;
	v5 =	vimm.f32 $0.0e+00;
	v3 =	vadd.f32 v3, v1  }
0x3f3: {  	s24 =	simm.s32 $0x10020  }
0x3f4: {  	v5 =	vld [tilespmem:s24+$0xFFFFFFE0];
	_ =	sdelay $0x1  }
0x3f5: {  	p3 =	sgt.s32 s21, $0x40;
	v8 =	vld [tilespmem:s24+$0xFFFFFFF0]  }
.Ltmp44:
0x3f6: {  	_ = 	snop;
	(pc) =	sbr.rel @!p3 .LBB2_56-.Ltmp44, $4  }
0x3f7: {  	_ = 	snop  }
0x3f8: {  	v7 =	vsub.f32 v5, v3  }
0x3f9: {  	v6 =	vld [tilespmem:s24+$0x0]  }
0x3fa: {  	v4 =	vimm.f32 $0.0e+00;
	s25 =	simm.s32 $0x10060;
	p2 =	por $0x0, $0x0;
	v5 =	vld [tilespmem:s24+$0x10];
	v8 =	vsub.f32 v8, v3;
	v7 =	vmax.f32 v7, $0.0e+00  }
0x3fb: {  	_ =	sdelay $0x1  }
0x3fc: {  	v9 =	vld [tilespmem:s25+$0xFFFFFFE0];
	v10 =	vmul.f32 v7, v7  }
0x3fd: {  	v8 =	vmax.f32 v8, $0.0e+00;
	v6 =	vsub.f32 v6, v3  }
0x3fe: {  	v13 =	vld [tilespmem:s25+$0xFFFFFFF0];
	v7 =	vadd.f32 v7, v4;
	p3 =	sgt.s32 s21, $0x80;
	v10 =	vadd.f32 v10, v4;
	v11 =	vmul.f32 v8, v8  }
.Ltmp45:
0x3ff: {  	v5 =	vsub.f32 v5, v3;
	v12 =	vmax.f32 v6, $0.0e+00;
	(pc) =	sbr.rel @!p3 .LBB2_59-.Ltmp45, $4  }
0x400: {  	v7 =	vadd.f32 v8, v7;
	v8 =	vadd.f32 v11, v10;
	v6 =	vld [tilespmem:s25+$0x0];
	v11 =	vmul.f32 v12, v12  }
0x401: {  	v14 =	vsub.f32 v9, v3;
	v9 =	vmax.f32 v5, $0.0e+00  }
0x402: {  	v10 =	vadd.f32 v12, v7;
	v5 =	vld [tilespmem:s25+$0x10];
	v12 =	vmul.f32 v9, v9;
	v11 =	vadd.f32 v11, v8  }
0x403: {  	s24 =	simm.s32 $0x80;
	p2 =	por $0x1, $0x1;
	s25 =	simm.s32 $0x100A0;
	v7 =	vmax.f32 v14, $0.0e+00;
	v8 =	vsub.f32 v13, v3  }
.LBB2_58:
0x404: {  	v13 =	vld [tilespmem:s25+$0xFFFFFFE0];
	s24 =	sadd.s32 $0x40, s24;
	v14 =	vmul.f32 v7, v7;
	v9 =	vadd.f32 v9, v10;
	v10 =	vadd.f32 v12, v11  }
0x405: {  	p3 =	slt.s32 s24, s21;
	v8 =	vmax.f32 v8, $0.0e+00;
	v6 =	vsub.f32 v6, v3  }
0x406: {  	v15 =	vld [tilespmem:s25+$0xFFFFFFF0];
	v7 =	vadd.f32 v7, v9;
	v9 =	vadd.f32 v14, v10;
	v10 =	vmul.f32 v8, v8  }
.Ltmp46:
0x407: {  	v11 =	vmax.f32 v6, $0.0e+00;
	v5 =	vsub.f32 v5, v3;
	(pc) =	sbr.rel @p3 .LBB2_58-.Ltmp46, $4  }
0x408: {  	v6 =	vld [tilespmem:s25+$0x0];
	v7 =	vadd.f32 v8, v7;
	v8 =	vadd.f32 v10, v9;
	v12 =	vmul.f32 v11, v11  }
0x409: {  	v13 =	vsub.f32 v13, v3;
	v9 =	vmax.f32 v5, $0.0e+00  }
0x40a: {  	v5 =	vld [tilespmem:s25+$0x10];
	v10 =	vadd.f32 v11, v7;
	v11 =	vadd.f32 v12, v8;
	v12 =	vmul.f32 v9, v9  }
0x40b: {  	s25 =	sadd.s32 $0x40, s25;
	v7 =	vmax.f32 v13, $0.0e+00;
	v8 =	vsub.f32 v15, v3  }
.LBB2_59:
0x40c: {  	v9 =	vadd.f32 @p2 v9, v10;
	v10 =	vadd.f32 @p2 v12, v11  }
0x40d: {  	v60 =	vmul.f32 v7, v7;
	v8 =	vmax.f32 v8, $0.0e+00  }
0x40e: {  	v6 =	vsub.f32 v6, v3;
	v9 =	vpsel p2, v9, v4;
	v4 =	vpsel p2, v10, v4  }
0x40f: {  	v61 =	vmul.f32 v8, v8;
	v7 =	vadd.f32 v7, v9;
	v4 =	vadd.f32 v60, v4  }
0x410: {  	v6 =	vmax.f32 v6, $0.0e+00;
	v5 =	vsub.f32 v5, v3  }
0x411: {  	v62 =	vmul.f32 v6, v6;
	v7 =	vadd.f32 v8, v7;
	v4 =	vadd.f32 v61, v4  }
0x412: {  	v5 =	vmax.f32 v5, $0.0e+00  }
0x413: {  	v63 =	vmul.f32 v5, v5;
	v6 =	vadd.f32 v6, v7;
	v7 =	vadd.f32 v62, v4;
	_ =	sdelay $0x1  }
0x414: {  	v4 =	vadd.f32 v5, v6;
	v5 =	vadd.f32 v63, v7  }
.LBB2_60:
.Ltmp47:
0x415: {  	(pc) =	sbr.rel @p1 .LBB2_62-.Ltmp47, $2  }
0x416: {  	_ =	sdelay $0x2  }
0x417: {  	s24 =	smov.u32 s22;
	s25 =	smov.u32 s21  }
.LBB2_61:
0x418: {  	v6 =	vld [tilespmem:s24+$0x0];
	_ =	sdelay $0x3  }
0x419: {  	s25 =	sadd.s32 $0x10, s25  }
0x41a: {  	p2 =	slt.s32 s25, s20;
	v6 =	vsub.f32 v6, v3  }
.Ltmp48:
0x41b: {  	_ = 	snop;
	(pc) =	sbr.rel @p2 .LBB2_61-.Ltmp48, $3  }
0x41c: {  	v6 =	vmax.f32 v6, $0.0e+00  }
0x41d: {  	v7 =	vmul.f32 v6, v6;
	_ =	sdelay $0x1  }
0x41e: {  	s24 =	sadd.s32 $0x10, s24;
	v4 =	vadd.f32 v6, v4;
	v5 =	vadd.f32 v7, v5  }
.Ltmp49:
0x41f: {  	_ = 	snop;
	(pc) =	sbr.rel .LBB2_62-.Ltmp49, $1  }
0x420: {  	_ =	sdelay $0x3  }
.LBB2_56:
.Ltmp50:
0x421: {  	(pc) =	sbr.rel .LBB2_59-.Ltmp50, $2  }
0x422: {  	_ =	sdelay $0x2  }
0x423: {  	_ = 	snop  }
.LBB2_63:
0x424: {  	s20 =	simm.s32 $0x8080  }
0x425: {  	v3 =	vld [tilespmem:s20+$0xFFFFFFD0]  }
0x426: {  	v4 =	vld [tilespmem:s20+$0x70]  }
0x427: {  	v5 =	vld [tilespmem:s20+$0x50]  }
0x428: {  	v6 =	vld [tilespmem:s20+$0x60]  }
0x429: {  	v2 =	vadd.f32 v2, v2;
	v7 =	vld [tilespmem:s20+$0x40]  }
0x42a: {  	v8 =	vld [tilespmem:s20+$0x10]  }
0x42b: {  	v9 =	vld [tilespmem:s20+$0x20];
	v1 =	vadd.f32 v2, v1  }
0x42c: {  	v2 =	vld [tilespmem:s20+$0xFFFFFFC0]  }
0x42d: {  	v11 =	vld [tilespmem:s20+$0xFFFFFFF0];
	v4 =	vsub.f32 v4, v1  }
0x42e: {  	v12 =	vld [tilespmem:s20+$0x30];
	v3 =	vsub.f32 v3, v1;
	v10 =	vsub.f32 v5, v1  }
0x42f: {  	v5 =	vsub.f32 v6, v1;
	v6 =	vsub.f32 v8, v1;
	v8 =	vld [tilespmem:s20+$0xFFFFFFB0]  }
0x430: {  	v14 =	vld [tilespmem:s20+$0xFFFFFF90];
	v7 =	vsub.f32 v7, v1;
	v4 =	vmax.f32 v4, $0.0e+00;
	v13 =	vmax.f32 v3, $0.0e+00  }
0x431: {  	v2 =	vsub.f32 v2, v1;
	v3 =	vmul.f32 $5.000000000e-01, v4;
	v4 =	vmax.f32 v5, $0.0e+00  }
0x432: {  	v5 =	vmax.f32 v6, $0.0e+00;
	v6 =	vmax.f32 v7, $0.0e+00;
	v4 =	vmul.f32 $5.000000000e-01, v4  }
0x433: {  	v15 =	vld [tilespmem:s20+$0xFFFFFFE0];
	v16 =	vmul.f32 $5.000000000e-01, v5;
	v5 =	vsub.f32 v9, v1;
	v9 =	vsub.f32 v11, v1  }
0x434: {  	v7 =	vmul.f32 v3, v3;
	v3 =	vmul.f32 $5.000000000e-01, v6;
	v18 =	vsub.f32 v8, v1  }
0x435: {  	v17 =	vld [tilespmem:s20+$0x0];
	v6 =	vmax.f32 v10, $0.0e+00;
	v8 =	vsub.f32 v12, v1;
	v12 =	vsub.f32 v14, v1  }
0x436: {  	v10 =	vmul.f32 $5.000000000e-01, v6;
	v6 =	vmul.f32 v4, v4;
	v4 =	vmax.f32 v9, $0.0e+00  }
0x437: {  	v2 =	vmax.f32 v2, $0.0e+00;
	v11 =	vmul.f32 $5.000000000e-01, v4;
	v4 =	vld [tilespmem:s20+$0xFFFFFFA0]  }
0x438: {  	v9 =	vsub.f32 v15, v1;
	v15 =	vmul.f32 $5.000000000e-01, v2;
	v2 =	vmax.f32 v12, $0.0e+00;
	v12 =	vld [tilespmem:s20+$0xFFFFFF80]  }
0x439: {  	v13 =	vmul.f32 $5.000000000e-01, v13;
	v16 =	vmul.f32 v16, v16  }
0x43a: {  	v17 =	vsub.f32 v17, v1;
	[tilespmem:s20+$0x70] =	vst v7;
	v10 =	vmul.f32 v10, v10  }
0x43b: {  	v14 =	vmax.f32 v18, $0.0e+00;
	v7 =	vmul.f32 v13, v13;
	[tilespmem:s20+$0x10] =	vst v16  }
0x43c: {  	s21 =	simm.s32 $0x0;
	s22 =	simm.s32 $0x8180;
	v2 =	vmul.f32 $5.000000000e-01, v2;
	v13 =	vmul.f32 v15, v15;
	[tilespmem:s20+$0x50] =	vst v10;
	v10 =	vmax.f32 v17, $0.0e+00  }
.LBB2_64:
0x43d: {  	v15 =	vld [tilespmem:s22+$0xFFFFFFD0];
	s21 =	sadd.s32 $0x100, s21;
	v12 =	vsub.f32 v12, v1;
	v4 =	vsub.f32 v4, v1;
	v14 =	vmul.f32 $5.000000000e-01, v14  }
0x43e: {  	v11 =	vmul.f32 v11, v11;
	v5 =	vmax.f32 v5, $0.0e+00;
	v8 =	vmax.f32 v8, $0.0e+00;
	v16 =	vld [tilespmem:s22+$0x70];
	p0 =	slt.u32 s21, $0x7F00;
	[tilespmem:s20+$0x60] =	vst v6  }
0x43f: {  	v8 =	vmul.f32 $5.000000000e-01, v8;
	v6 =	vld [tilespmem:s22+$0x50];
	v12 =	vmax.f32 v12, $0.0e+00;
	v14 =	vmul.f32 v14, v14;
	[tilespmem:s20+$0xFFFFFFC0] =	vst v13  }
0x440: {  	v9 =	vmax.f32 v9, $0.0e+00;
	v5 =	vmul.f32 $5.000000000e-01, v5;
	v13 =	vld [tilespmem:s22+$0x60];
	v12 =	vmul.f32 $5.000000000e-01, v12;
	[tilespmem:s20+$0xFFFFFFF0] =	vst v11  }
0x441: {  	v10 =	vmul.f32 $5.000000000e-01, v10;
	v3 =	vmul.f32 v3, v3;
	v4 =	vmax.f32 v4, $0.0e+00;
	v11 =	vld [tilespmem:s22+$0x40]  }
0x442: {  	v9 =	vmul.f32 $5.000000000e-01, v9;
	v5 =	vmul.f32 v5, v5;
	v17 =	vld [tilespmem:s22+$0x10];
	[tilespmem:s20+$0xFFFFFFB0] =	vst v14  }
0x443: {  	v18 =	vmul.f32 $5.000000000e-01, v4;
	v14 =	vld [tilespmem:s22+$0xFFFFFFC0];
	v16 =	vsub.f32 v16, v1;
	[tilespmem:s20+$0xFFFFFFD0] =	vst v7;
	v7 =	vmul.f32 v10, v10  }
0x444: {  	v9 =	vmul.f32 v9, v9;
	v4 =	vsub.f32 v15, v1;
	v10 =	vld [tilespmem:s22+$0x20];
	v6 =	vsub.f32 v6, v1;
	[tilespmem:s20+$0x20] =	vst v5  }
0x445: {  	v8 =	vmul.f32 v8, v8;
	v15 =	vld [tilespmem:s22+$0xFFFFFFF0];
	v5 =	vsub.f32 v13, v1;
	v13 =	vmax.f32 v16, $0.0e+00;
	[tilespmem:s20+$0x40] =	vst v3  }
0x446: {  	v12 =	vmul.f32 v12, v12;
	v16 =	vmax.f32 v4, $0.0e+00;
	v19 =	vld [tilespmem:s22+$0x30];
	v3 =	vmul.f32 $5.000000000e-01, v13;
	[tilespmem:s20+$0xFFFFFFE0] =	vst v9  }
0x447: {  	v11 =	vsub.f32 v11, v1;
	v4 =	vld [tilespmem:s22+$0xFFFFFFA0];
	v9 =	vsub.f32 v17, v1;
	v5 =	vmax.f32 v5, $0.0e+00;
	[tilespmem:s20+$0x30] =	vst v8  }
0x448: {  	v17 =	vmul.f32 v18, v18;
	v8 =	vld [tilespmem:s22+$0xFFFFFFB0];
	v13 =	vmul.f32 $5.000000000e-01, v5;
	[tilespmem:s20+$0x0] =	vst v7  }
0x449: {  	v7 =	vld [tilespmem:s22+$0xFFFFFF90];
	v5 =	vmax.f32 v9, $0.0e+00;
	v9 =	vmax.f32 v11, $0.0e+00;
	v11 =	vmul.f32 v3, v3;
	[tilespmem:s20+$0xFFFFFF80] =	vst v12  }
0x44a: {  	v2 =	vmul.f32 v2, v2;
	v18 =	vld [tilespmem:s22+$0xFFFFFFE0];
	v20 =	vmul.f32 $5.000000000e-01, v5;
	v5 =	vsub.f32 v10, v1;
	[tilespmem:s20+$0xFFFFFFA0] =	vst v17  }
0x44b: {  	v6 =	vmax.f32 v6, $0.0e+00;
	v10 =	vsub.f32 v15, v1;
	v3 =	vmul.f32 $5.000000000e-01, v9;
	v15 =	vld [tilespmem:s22+$0x0];
	[tilespmem:s22+$0x70] =	vst v11  }
0x44c: {  	v9 =	vsub.f32 v14, v1;
	v11 =	vmul.f32 $5.000000000e-01, v6;
	v6 =	vmul.f32 v13, v13;
	[tilespmem:s20+$0xFFFFFF90] =	vst v2;
	s20 =	smov.u32 s22  }
0x44d: {  	v10 =	vmax.f32 v10, $0.0e+00;
	v2 =	vsub.f32 v8, v1;
	v8 =	vsub.f32 v19, v1  }
.Ltmp51:
0x44e: {  	v13 =	vmax.f32 v9, $0.0e+00;
	v14 =	vmul.f32 v11, v11;
	v12 =	vld [tilespmem:s22+$0xFFFFFF80];
	v7 =	vsub.f32 v7, v1;
	(pc) =	sbr.rel @p0 .LBB2_64-.Ltmp51, $4  }
0x44f: {  	v16 =	vmul.f32 $5.000000000e-01, v16;
	v11 =	vmul.f32 $5.000000000e-01, v10;
	v9 =	vsub.f32 v18, v1  }
0x450: {  	v17 =	vmul.f32 v20, v20;
	v10 =	vmul.f32 $5.000000000e-01, v13;
	v15 =	vsub.f32 v15, v1;
	[tilespmem:s22+$0x50] =	vst v14  }
0x451: {  	v13 =	vmax.f32 v7, $0.0e+00;
	v14 =	vmax.f32 v2, $0.0e+00;
	v7 =	vmul.f32 v16, v16  }
0x452: {  	s22 =	sadd.s32 $0x100, s22;
	v2 =	vmul.f32 $5.000000000e-01, v13;
	v13 =	vmul.f32 v10, v10;
	v10 =	vmax.f32 v15, $0.0e+00;
	[tilespmem:s20+$0x10] =	vst v17  }
0x453: {  	[tilespmem:s20+$0x60] =	vst v6  }
0x454: {  	v14 =	vmul.f32 $5.000000000e-01, v14;
	v11 =	vmul.f32 v11, v11;
	[tilespmem:s20+$0xFFFFFFD0] =	vst v7  }
0x455: {  	v5 =	vmax.f32 v5, $0.0e+00;
	v12 =	vsub.f32 v12, v1;
	v3 =	vmul.f32 v3, v3;
	[tilespmem:s20+$0xFFFFFFC0] =	vst v13  }
0x456: {  	v9 =	vmax.f32 v9, $0.0e+00;
	v62 =	vmul.f32 $5.000000000e-01, v10;
	v2 =	vmul.f32 v2, v2;
	[tilespmem:s20+$0xFFFFFFF0] =	vst v11  }
0x457: {  	v8 =	vmax.f32 v8, $0.0e+00;
	v5 =	vmul.f32 $5.000000000e-01, v5;
	v58 =	vmul.f32 v14, v14;
	[tilespmem:s20+$0x40] =	vst v3  }
0x458: {  	v1 =	vsub.f32 v4, v1;
	v59 =	vmul.f32 $5.000000000e-01, v9;
	v3 =	vmul.f32 v62, v62;
	[tilespmem:s20+$0xFFFFFF90] =	vst v2  }
0x459: {  	v60 =	vmul.f32 $5.000000000e-01, v8;
	v61 =	vmax.f32 v12, $0.0e+00;
	v5 =	vmul.f32 v5, v5;
	[tilespmem:s20+$0xFFFFFFB0] =	vst v58  }
0x45a: {  	v1 =	vmax.f32 v1, $0.0e+00;
	v6 =	vmul.f32 v59, v59;
	v63 =	vmul.f32 $5.000000000e-01, v61;
	[tilespmem:s20+$0x0] =	vst v3  }
0x45b: {  	v4 =	vmul.f32 v60, v60;
	v1 =	vmul.f32 $5.000000000e-01, v1;
	[tilespmem:s20+$0x20] =	vst v5  }
0x45c: {  	[tilespmem:s20+$0xFFFFFFE0] =	vst v6;
	v5 =	vmul.f32 v63, v63  }
0x45d: {  	s19 =	sadd.s32 $0x1, s19;
	[tilespmem:s20+$0x30] =	vst v4;
	v1 =	vmul.f32 v1, v1  }
0x45e: {  	p0 =	sne.s32 s19, s11;
	[tilespmem:s20+$0xFFFFFF80] =	vst v5  }
.Ltmp52:
0x45f: {  	[tilespmem:s20+$0xFFFFFFA0] =	vst v1;
	(pc) =	sbr.rel @p0 .LBB2_1-.Ltmp52, $4  }
0x460: {  	[hbm4b:s10+s14] =	stream.strided.scatter [tilespmem:s15], [sflag:$0x4], $0x8000, s12, s14, $0x38;
	[tilespmem:$0x18080] =	vst v63  }
0x461: {  	_ =	swait.ge [sflag:s18], $0x8000  }
0x462: {  	[sflag:s18] =	ssyncset.done $0x0  }
0x463: {  	[sflag:s18] =	ssyncadd.s32 $0xFFFF8000  }
0x464: {  	_ =	sfence.sel $0x180000  }
0x465: {  	[bflag:$0x0] =	sbarrier.arrive $0xFFFF  }
0x466: {  	p0 =	sne.s32 s1, $0x0;
	_ =	strace $0x90000047  }
0x467: {  	s0 =	sadd.s32 @!p0 $0x100000, s0;
	[bflag:$0x2] =	sbarrier.arrive $0xFFFF  }
0x468: {  	[sflag:s0] =	ssyncadd.tile.s32 @!p0 $0x1;
	_ =	shalt  }
.Lfunc_end2:
_tile_overlayer_lowered:
.L_overlay_start_2:
0x469: {  	(tag) =	ssettag $0x2  }
0x46a: {  	s0 =	rddreg [dreg:$0x0];
	s2 =	stileid.u32  }
0x46b: {  	s1 =	rddreg [dreg:$0x1];
	p0 =	sne.s32 s2, $0x0  }
0x46c: {  	s3 =	rddreg [dreg:$0x2];
	[bflag:$0x3] =	sbarrier.arrive $0xFFFF;
	s2 =	simm.s32 @!p0 $0x1C05  }
0x46d: {  	[timem:s3], [sflag:s2] =	dma.local @!p0 [hbm:s0], s1  }
0x46e: {  	s0 =	simm.s32 @!p0 $0x5  }
0x46f: {  	_ =	swait.ge @!p0 [sflag:s0], s1  }
0x470: {  	s1 =	ssub.s32 @!p0 $0x0, s1;
	[sflag:s0] =	ssyncset.done @!p0 $0x0  }
0x471: {  	[sflag:s0] =	ssyncadd.s32 @!p0 s1  }
0x472: {  	[bflag:$0x3] =	sbarrier.arrive $0xFFFF  }
0x473: {  	_ =	shalt  }

</sc_bundles>
